<compile_context>
chip_gen: v7x
topology: tpu7x:2x2x1
jax: 0.10.2.dev20260603
libtpu: 0.0.44.dev20260713+nightly
codegen_flags: <defaults>
</compile_context>

<pallas_src>
import functools

import jax
import jax.numpy as jnp
from jax import lax
from jax.experimental import pallas as pl
from jax.experimental.pallas import tpu as pltpu
from jax.experimental.pallas import tpu_sc as plsc

D = 32
B = 16384
L = 50
NC = 2
NS = 16
NW = NC * NS
BW = B // NW
CL = 128
CH = BW // CL
GC = 64
GN = BW // GC
AR = BW * D // 128

_mesh = plsc.VectorSubcoreMesh(core_axis_name="c", subcore_axis_name="s")


@functools.partial(
    pl.kernel,
    mesh=_mesh,
    out_type=jax.ShapeDtypeStruct((B * D // 128, 128), jnp.float32),
    compiler_params=pltpu.CompilerParams(
        needs_layout_passes=False, use_tc_tiling_on_sc=False),
    scratch_types=[
        pltpu.VMEM((L * CH, CL), jnp.int32),
        pltpu.VMEM((BW, D), jnp.float32),
        pltpu.VMEM((AR, 128), jnp.float32),
        pltpu.VMEM((CL, D), jnp.float32),
        pltpu.SemaphoreType.DMA,
    ],
)
def _fpmc_seqsum(seq_idx_hbm, wli_hbm, acc_hbm,
                 seq_idx_v, acc_v, accb_v, dummy_v, sem0):
    wid = lax.axis_index("s") * NC + lax.axis_index("c")

    pltpu.sync_copy(seq_idx_hbm.at[wid], seq_idx_v)

    zero = jnp.zeros((16,), jnp.float32)

    def zbody(i, carry):
        acc_v[i, pl.ds(0, 16)] = zero
        acc_v[i, pl.ds(16, 16)] = zero
        return carry
    lax.fori_loop(0, BW, zbody, 0)

    def fire(t, carry):
        c = lax.rem(t, CH)
        pltpu.async_copy(wli_hbm.at[seq_idx_v.at[t]],
                         acc_v.at[pl.ds(c * CL, CL)], sem0, add=True)
        return carry
    lax.fori_loop(0, L * CH, fire, 0)

    def drain(t, carry):
        pltpu.make_async_copy(wli_hbm.at[pl.ds(0, CL)], dummy_v, sem0).wait()
        return carry
    lax.fori_loop(0, L * CH, drain, 0)

    def rbody(r, carry):
        for j in range(8):
            accb_v[r, pl.ds(j * 16, 16)] = (
                acc_v[4 * r + j // 2, pl.ds((j % 2) * 16, 16)])
        return carry
    lax.fori_loop(0, AR, rbody, 0)

    pltpu.sync_copy(accb_v, acc_hbm.at[pl.ds(wid * AR, AR)])


@functools.partial(
    pl.kernel,
    mesh=_mesh,
    out_type=jax.ShapeDtypeStruct((B,), jnp.float32),
    compiler_params=pltpu.CompilerParams(
        needs_layout_passes=False, use_tc_tiling_on_sc=True),
    scratch_types=[
        pltpu.VMEM((BW,), jnp.int32),
        pltpu.VMEM((BW,), jnp.int32),
        pltpu.VMEM((BW,), jnp.int32),
        pltpu.VMEM((BW,), jnp.int32),
        pltpu.VMEM((BW,), jnp.float32),
        pltpu.VMEM((GC, 128), jnp.float32),
        pltpu.VMEM((GC, 128), jnp.float32),
        pltpu.VMEM((GC, 128), jnp.float32),
        pltpu.VMEM((D, BW), jnp.float32),
        pltpu.VMEM((AR, 128), jnp.float32),
        pltpu.VMEM((BW,), jnp.float32),
        pltpu.SemaphoreType.DMA,
    ],
)
def _fpmc_dots(user_hbm, item_hbm, seqlen_hbm,
               wui_hbm, wiu_hbm, wil_hbm, acc_hbm, out_hbm,
               user_v, item_v, gu_v, gi_v, seqlen_v,
               bufu_v, bufi_v, bufl_v, vilt_v, accb_v, out_v, sem0):
    wid = lax.axis_index("s") * NC + lax.axis_index("c")
    base = wid * BW

    pltpu.sync_copy(user_hbm.at[pl.ds(base, BW)], user_v)
    pltpu.sync_copy(item_hbm.at[pl.ds(base, BW)], item_v)
    pltpu.sync_copy(seqlen_hbm.at[pl.ds(base, BW)], seqlen_v)
    pltpu.sync_copy(acc_hbm.at[pl.ds(wid * AR, AR)], accb_v)

    zero = jnp.zeros((16,), jnp.float32)
    iota16 = lax.iota(jnp.int32, 16)

    def gidx(i, carry):
        off = pl.multiple_of(i * 16, 16)
        u = user_v[pl.ds(off, 16)]
        it = item_v[pl.ds(off, 16)]
        gu_v[pl.ds(off, 16)] = lax.shift_right_logical(u, 2)
        gi_v[pl.ds(off, 16)] = lax.shift_right_logical(it, 2)
        return carry
    lax.fori_loop(0, BW // 16, gidx, 0)

    def p1(c, carry):
        coff = pl.multiple_of(c * GC, GC)
        pltpu.async_copy(wui_hbm.at[gu_v.at[pl.ds(coff, GC)]], bufu_v, sem0)
        pltpu.async_copy(wiu_hbm.at[gi_v.at[pl.ds(coff, GC)]], bufi_v, sem0)
        pltpu.async_copy(wil_hbm.at[gi_v.at[pl.ds(coff, GC)]], bufl_v, sem0)
        pltpu.make_async_copy(wui_hbm.at[pl.ds(0, GC)], bufu_v, sem0).wait()
        pltpu.make_async_copy(wui_hbm.at[pl.ds(0, GC)], bufi_v, sem0).wait()
        pltpu.make_async_copy(wui_hbm.at[pl.ds(0, GC)], bufl_v, sem0).wait()

        def jgrp(j, carry2):
            joff = pl.multiple_of(j * 16, 16)
            boff = coff + joff
            u = user_v[pl.ds(boff, 16)]
            it = item_v[pl.ds(boff, 16)]
            cu = lax.shift_left(jnp.bitwise_and(u, 3), 5)
            ci = lax.shift_left(jnp.bitwise_and(it, 3), 5)
            rows = joff + iota16
            a1 = zero
            for d in range(D):
                vu = plsc.load_gather(bufu_v, [rows, cu + d])
                vi = plsc.load_gather(bufi_v, [rows, ci + d])
                vl = plsc.load_gather(bufl_v, [rows, ci + d])
                a1 = a1 + vu * vi
                vilt_v[d, pl.ds(boff, 16)] = vl
            out_v[pl.ds(boff, 16)] = a1
            return carry2
        lax.fori_loop(0, GC // 16, jgrp, 0)
        return carry
    lax.fori_loop(0, GN, p1, 0)

    def gbody(g, carry):
        goff = pl.multiple_of(g * 16, 16)
        e_base = lax.shift_left(goff + iota16, 5)
        a2 = zero
        for d in range(D):
            e = e_base + d
            rows = lax.shift_right_logical(e, 7)
            cols = jnp.bitwise_and(e, 127)
            sacc = plsc.load_gather(accb_v, [rows, cols])
            a2 = a2 + sacc * vilt_v[d, pl.ds(goff, 16)]
        sl = seqlen_v[pl.ds(goff, 16)]
        out_v[pl.ds(goff, 16)] = out_v[pl.ds(goff, 16)] + a2 / sl
        return carry
    lax.fori_loop(0, BW // 16, gbody, 0)

    pltpu.sync_copy(out_v, out_hbm.at[pl.ds(base, BW)])


def kernel(user, item, item_seq, seq_len, W_UI, W_IU, W_LI, W_IL):
    user_i = user.astype(jnp.int32)
    item_i = item.astype(jnp.int32)
    seq_r = (item_seq.astype(jnp.int32)
             .reshape(NW, CH, CL, L).transpose(0, 3, 1, 2).reshape(NW, L * CH, CL))
    wui_g = W_UI.reshape(-1, 128)
    wiu_g = W_IU.reshape(-1, 128)
    wil_g = W_IL.reshape(-1, 128)
    acc = _fpmc_seqsum(seq_r, W_LI)
    return _fpmc_dots(user_i, item_i, seq_len, wui_g, wiu_g, wil_g, acc)

# --- scband reference (transcript-rebuilt; emitter-appended) ---
"""Pipeline reference for scband-fpmc-40716289966809 (READ-ONLY COPY).

The authoritative reference and input builder live on the scoring server;
editing this copy changes nothing except your own understanding.
"""

import jax, jax.numpy as jnp
import numpy as np

U = 1000000
I = 1000000
D = 32
B = 16384
L = 50

def setup_inputs(seed: int = 0) -> dict:
    key = jax.random.key(seed)
    ks = jax.random.split(key, 8)
    user = jax.random.randint(ks[0], (B,), 0, U)
    item = jax.random.randint(ks[1], (B,), 0, I)
    item_seq = jax.random.randint(ks[2], (B, L), 0, I + 1)
    seq_len = jax.random.randint(ks[3], (B,), 1, L + 1).astype(jnp.float32)
    W_UI = jax.random.normal(ks[4], (U, D), dtype=jnp.float32) * 0.01
    W_IU = jax.random.normal(ks[5], (I, D), dtype=jnp.float32) * 0.01
    W_LI = (jax.random.normal(ks[6], (I + 1, D), dtype=jnp.float32) * 0.01).at[0].set(0.0)  # padding_idx=0
    W_IL = jax.random.normal(ks[7], (I, D), dtype=jnp.float32) * 0.01
    return {"user": user, "item": item, "item_seq": item_seq, "seq_len": seq_len,
            "W_UI": W_UI, "W_IU": W_IU, "W_LI": W_LI, "W_IL": W_IL}

def reference(user, item, item_seq, seq_len, W_UI, W_IU, W_LI, W_IL):
    VUI = jnp.take(W_UI, user, axis=0)        # [B, D]
    VIU = jnp.take(W_IU, item, axis=0)        # [B, D]
    VLI = jnp.take(W_LI, item_seq, axis=0)    # [B, L, D]
    VIL = jnp.take(W_IL, item, axis=0)        # [B, D]
    VUI_m_VIU = jnp.sum(VUI * VIU, axis=1)    # [B]
    # torch.bmm(VLI, VIL.unsqueeze(2)) -> [B, L, 1]
    bmm = jnp.einsum('bld,bd->bl', VLI, VIL)[..., None]
    VLI_m_VIL = jnp.sum(bmm, axis=1) / seq_len[:, None]  # [B, 1]
    return VUI_m_VIU + jnp.squeeze(VLI_m_VIL, axis=1)

if __name__ == "__main__":
    import jax
    _d = setup_inputs()
    print(jax.jit(kernel)(*tuple(_d.values())))

</pallas_src>

<mosaic_0001>
#map = affine_map<(d0, d1) -> (0, 0, 0)>
#map1 = affine_map<(d0, d1) -> (0, 0)>
module attributes {stable_mosaic.version = 14 : i64} {
  func.func @_fpmc_seqsum(%arg0: i32, %arg1: i32, %arg2: memref<32x200x128xi32, #tpu.memory_space<hbm>>, %arg3: memref<1000001x32xf32, #tpu.memory_space<hbm>>, %arg4: memref<4096x128xf32, #tpu.memory_space<hbm>>, %arg5: memref<200x128xi32, #tpu.memory_space<vmem>>, %arg6: memref<512x32xf32, #tpu.memory_space<vmem>>, %arg7: memref<128x128xf32, #tpu.memory_space<vmem>>, %arg8: memref<128x32xf32, #tpu.memory_space<vmem>>, %arg9: memref<!tpu.dma_semaphore, #tpu.memory_space<semaphore_mem>>) attributes {dimension_semantics = [#tpu.dimension_semantics<core_parallel>, #tpu.dimension_semantics<subcore_parallel>], iteration_bounds = array<i64: 2, 16>, scalar_prefetch = 0 : i64, scratch_operands = 5 : i64, tpu.core_type = #tpu.core_type<sc_vector_subcore>, window_params = [{transform_indices = #map}, {transform_indices = #map1}, {transform_indices = #map1}]} {
    %mul3A = arith.constant 2 : i32
    %mul3A_0 = arith.muli %arg1, %mul3A : i32
    %add3A = arith.addi %mul3A_0, %arg0 : i32
    "tpu.region"() ({
      %run_scoped3A = tpu.sem_alloc : memref<!tpu.dma_semaphore, #tpu.memory_space<semaphore_mem>>
      %dma_start3A = arith.constant 0 : i32
      %dma_start3A_27 = arith.constant 0 : i32
      %dma_start3A_28 = tpu.memref_slice %arg2[%add3A, %dma_start3A, %dma_start3A_27] : memref<32x200x128xi32, #tpu.memory_space<hbm>> -> memref<1x200x128xi32, #tpu.memory_space<hbm>>
      %dma_start3A_29 = tpu.memref_squeeze %dma_start3A_28 : memref<1x200x128xi32, #tpu.memory_space<hbm>> -> memref<200x128xi32, #tpu.memory_space<hbm>>
      %dma_start3A_30 = arith.constant 0 : i32
      %dma_start3A_31 = arith.constant 0 : i32
      %dma_start3A_32 = tpu.memref_slice %arg2[%add3A, %dma_start3A_30, %dma_start3A_31] : memref<32x200x128xi32, #tpu.memory_space<hbm>> -> memref<1x200x128xi32, #tpu.memory_space<hbm>>
      %dma_start3A_33 = tpu.memref_squeeze %dma_start3A_32 : memref<1x200x128xi32, #tpu.memory_space<hbm>> -> memref<200x128xi32, #tpu.memory_space<hbm>>
      tpu.enqueue_dma source(%dma_start3A_33 : memref<200x128xi32, #tpu.memory_space<hbm>>) target(%arg5 : memref<200x128xi32, #tpu.memory_space<vmem>>) target_semaphore(%run_scoped3A : memref<!tpu.dma_semaphore, #tpu.memory_space<semaphore_mem>>)
      %dma_wait3A = arith.constant 0 : i32
      %dma_wait3A_34 = arith.constant 0 : i32
      %dma_wait3A_35 = tpu.memref_slice %arg2[%add3A, %dma_wait3A, %dma_wait3A_34] : memref<32x200x128xi32, #tpu.memory_space<hbm>> -> memref<1x200x128xi32, #tpu.memory_space<hbm>>
      %dma_wait3A_36 = tpu.memref_squeeze %dma_wait3A_35 : memref<1x200x128xi32, #tpu.memory_space<hbm>> -> memref<200x128xi32, #tpu.memory_space<hbm>>
      %dma_wait3A_37 = arith.constant 0 : i32
      %dma_wait3A_38 = arith.constant 0 : i32
      %dma_wait3A_39 = tpu.memref_slice %arg2[%add3A, %dma_wait3A_37, %dma_wait3A_38] : memref<32x200x128xi32, #tpu.memory_space<hbm>> -> memref<1x200x128xi32, #tpu.memory_space<hbm>>
      %dma_wait3A_40 = tpu.memref_squeeze %dma_wait3A_39 : memref<1x200x128xi32, #tpu.memory_space<hbm>> -> memref<200x128xi32, #tpu.memory_space<hbm>>
      tpu.wait_dma2 semaphore(%run_scoped3A : memref<!tpu.dma_semaphore, #tpu.memory_space<semaphore_mem>>) src(%dma_wait3A_40 : memref<200x128xi32, #tpu.memory_space<hbm>>) dst(%arg5 : memref<200x128xi32, #tpu.memory_space<vmem>>)
      tpu.yield
    }) : () -> ()
    %broadcast_in_dim3A = arith.constant 0.000000e+00 : f32
    %broadcast_in_dim3A_1 = vector.broadcast %broadcast_in_dim3A : f32 to vector<16xf32>
    %scan3A = arith.constant 0 : i32
    %scan3A_2 = arith.constant 0 : i32
    %scan3A_3 = arith.constant 512 : i32
    %scan3A_4 = arith.addi %scan3A_2, %scan3A_3 : i32
    %scan3A_5 = arith.constant 1 : i32
    scf.for %scan3A_27 = %scan3A_2 to %scan3A_4 step %scan3A_5  : i32 {
      %swap3A = arith.index_cast %scan3A_27 : i32 to index
      %swap3A_28 = arith.constant 0 : index
      %swap3A_29 = tpu.vector_load %arg6[%swap3A, %swap3A_28] {strides = array<i32>} : memref<512x32xf32, #tpu.memory_space<vmem>>, vector<16xf32>,
      tpu.vector_store %arg6[%swap3A, %swap3A_28], %broadcast_in_dim3A_1 {strides = array<i32>} : memref<512x32xf32, #tpu.memory_space<vmem>>, vector<16xf32>,
      %swap3A_30 = arith.index_cast %scan3A_27 : i32 to index
      %swap3A_31 = arith.constant 16 : index
      %swap3A_32 = tpu.vector_load %arg6[%swap3A_30, %swap3A_31] {strides = array<i32>} : memref<512x32xf32, #tpu.memory_space<vmem>>, vector<16xf32>,
      tpu.vector_store %arg6[%swap3A_30, %swap3A_31], %broadcast_in_dim3A_1 {strides = array<i32>} : memref<512x32xf32, #tpu.memory_space<vmem>>, vector<16xf32>,
    }
    %scan3A_6 = arith.constant 512 : i32
    %scan3A_7 = arith.constant 0 : i32
    %scan3A_8 = arith.constant 0 : i32
    %scan3A_9 = arith.constant 200 : i32
    %scan3A_10 = arith.addi %scan3A_8, %scan3A_9 : i32
    %scan3A_11 = arith.constant 1 : i32
    scf.for %scan3A_27 = %scan3A_8 to %scan3A_10 step %scan3A_11  : i32 {
      %rem3A = arith.constant 4 : i32
      %rem3A_28 = arith.remsi %scan3A_27, %rem3A : i32
      %mul3A_29 = arith.constant 128 : i32
      %mul3A_30 = arith.muli %rem3A_28, %mul3A_29 : i32
      %dma_start3A = arith.constant 0 : i32
      %dma_start3A_31 = tpu.memref_slice %arg6[%mul3A_30, %dma_start3A] : memref<512x32xf32, #tpu.memory_space<vmem>> -> memref<128x32xf32, #tpu.memory_space<vmem>>
      %dma_start3A_32 = arith.constant 0 : i32
      %dma_start3A_33 = tpu.memref_slice %arg5[%scan3A_27, %dma_start3A_32] : memref<200x128xi32, #tpu.memory_space<vmem>> -> memref<1x128xi32, #tpu.memory_space<vmem>>
      %dma_start3A_34 = tpu.memref_squeeze %dma_start3A_33 : memref<1x128xi32, #tpu.memory_space<vmem>> -> memref<128xi32, #tpu.memory_space<vmem>>
      %dma_start3A_35 = arith.constant 0 : i32
      %dma_start3A_36 = arith.constant 0 : i32
      %dma_start3A_37 = tpu.memref_slice %arg3[%dma_start3A_35, %dma_start3A_36] : memref<1000001x32xf32, #tpu.memory_space<hbm>> -> memref<1000001x32xf32, #tpu.memory_space<hbm>>
      tpu.enqueue_indirect_dma source(%dma_start3A_37 : memref<1000001x32xf32, #tpu.memory_space<hbm>>) target(%dma_start3A_31 : memref<128x32xf32, #tpu.memory_space<vmem>>) offsets(%dma_start3A_34 : memref<128xi32, #tpu.memory_space<vmem>>) semaphore(%arg9 : memref<!tpu.dma_semaphore, #tpu.memory_space<semaphore_mem>>) {add = true}
    }
    %scan3A_12 = arith.constant 200 : i32
    %scan3A_13 = arith.constant 0 : i32
    %scan3A_14 = arith.constant 0 : i32
    %scan3A_15 = arith.constant 200 : i32
    %scan3A_16 = arith.addi %scan3A_14, %scan3A_15 : i32
    %scan3A_17 = arith.constant 1 : i32
    scf.for %scan3A_27 = %scan3A_14 to %scan3A_16 step %scan3A_17  : i32 {
      %dma_wait3A = arith.constant 0 : i32
      %dma_wait3A_28 = arith.constant 0 : i32
      %dma_wait3A_29 = tpu.memref_slice %arg3[%dma_wait3A, %dma_wait3A_28] : memref<1000001x32xf32, #tpu.memory_space<hbm>> -> memref<128x32xf32, #tpu.memory_space<hbm>>
      %dma_wait3A_30 = arith.constant 0 : i32
      %dma_wait3A_31 = arith.constant 0 : i32
      %dma_wait3A_32 = tpu.memref_slice %arg3[%dma_wait3A_30, %dma_wait3A_31] : memref<1000001x32xf32, #tpu.memory_space<hbm>> -> memref<128x32xf32, #tpu.memory_space<hbm>>
      tpu.wait_dma2 semaphore(%arg9 : memref<!tpu.dma_semaphore, #tpu.memory_space<semaphore_mem>>) src(%dma_wait3A_32 : memref<128x32xf32, #tpu.memory_space<hbm>>) dst(%arg8 : memref<128x32xf32, #tpu.memory_space<vmem>>)
    }
    %scan3A_18 = arith.constant 200 : i32
    %scan3A_19 = arith.constant 0 : i32
    %scan3A_20 = arith.constant 0 : i32
    %scan3A_21 = arith.constant 128 : i32
    %scan3A_22 = arith.addi %scan3A_20, %scan3A_21 : i32
    %scan3A_23 = arith.constant 1 : i32
    scf.for %scan3A_27 = %scan3A_20 to %scan3A_22 step %scan3A_23  : i32 {
      %mul3A_28 = arith.constant 4 : i32
      %mul3A_29 = arith.muli %mul3A_28, %scan3A_27 : i32
      %add3A_30 = arith.constant 0 : i32
      %add3A_31 = arith.addi %mul3A_29, %add3A_30 : i32
      %get3A = arith.index_cast %add3A_31 : i32 to index
      %get3A_32 = arith.constant 0 : index
      %get3A_33 = tpu.vector_load %arg6[%get3A, %get3A_32] {strides = array<i32>} : memref<512x32xf32, #tpu.memory_space<vmem>>, vector<16xf32>,
      %swap3A = arith.index_cast %scan3A_27 : i32 to index
      %swap3A_34 = arith.constant 0 : index
      %swap3A_35 = tpu.vector_load %arg7[%swap3A, %swap3A_34] {strides = array<i32>} : memref<128x128xf32, #tpu.memory_space<vmem>>, vector<16xf32>,
      tpu.vector_store %arg7[%swap3A, %swap3A_34], %get3A_33 {strides = array<i32>} : memref<128x128xf32, #tpu.memory_space<vmem>>, vector<16xf32>,
      %mul3A_36 = arith.constant 4 : i32
      %mul3A_37 = arith.muli %mul3A_36, %scan3A_27 : i32
      %add3A_38 = arith.constant 0 : i32
      %add3A_39 = arith.addi %mul3A_37, %add3A_38 : i32
      %get3A_40 = arith.index_cast %add3A_39 : i32 to index
      %get3A_41 = arith.constant 16 : index
      %get3A_42 = tpu.vector_load %arg6[%get3A_40, %get3A_41] {strides = array<i32>} : memref<512x32xf32, #tpu.memory_space<vmem>>, vector<16xf32>,
      %swap3A_43 = arith.index_cast %scan3A_27 : i32 to index
      %swap3A_44 = arith.constant 16 : index
      %swap3A_45 = tpu.vector_load %arg7[%swap3A_43, %swap3A_44] {strides = array<i32>} : memref<128x128xf32, #tpu.memory_space<vmem>>, vector<16xf32>,
      tpu.vector_store %arg7[%swap3A_43, %swap3A_44], %get3A_42 {strides = array<i32>} : memref<128x128xf32, #tpu.memory_space<vmem>>, vector<16xf32>,
      %mul3A_46 = arith.constant 4 : i32
      %mul3A_47 = arith.muli %mul3A_46, %scan3A_27 : i32
      %add3A_48 = arith.constant 1 : i32
      %add3A_49 = arith.addi %mul3A_47, %add3A_48 : i32
      %get3A_50 = arith.index_cast %add3A_49 : i32 to index
      %get3A_51 = arith.constant 0 : index
      %get3A_52 = tpu.vector_load %arg6[%get3A_50, %get3A_51] {strides = array<i32>} : memref<512x32xf32, #tpu.memory_space<vmem>>, vector<16xf32>,
      %swap3A_53 = arith.index_cast %scan3A_27 : i32 to index
      %swap3A_54 = arith.constant 32 : index
      %swap3A_55 = tpu.vector_load %arg7[%swap3A_53, %swap3A_54] {strides = array<i32>} : memref<128x128xf32, #tpu.memory_space<vmem>>, vector<16xf32>,
      tpu.vector_store %arg7[%swap3A_53, %swap3A_54], %get3A_52 {strides = array<i32>} : memref<128x128xf32, #tpu.memory_space<vmem>>, vector<16xf32>,
      %mul3A_56 = arith.constant 4 : i32
      %mul3A_57 = arith.muli %mul3A_56, %scan3A_27 : i32
      %add3A_58 = arith.constant 1 : i32
      %add3A_59 = arith.addi %mul3A_57, %add3A_58 : i32
      %get3A_60 = arith.index_cast %add3A_59 : i32 to index
      %get3A_61 = arith.constant 16 : index
      %get3A_62 = tpu.vector_load %arg6[%get3A_60, %get3A_61] {strides = array<i32>} : memref<512x32xf32, #tpu.memory_space<vmem>>, vector<16xf32>,
      %swap3A_63 = arith.index_cast %scan3A_27 : i32 to index
      %swap3A_64 = arith.constant 48 : index
      %swap3A_65 = tpu.vector_load %arg7[%swap3A_63, %swap3A_64] {strides = array<i32>} : memref<128x128xf32, #tpu.memory_space<vmem>>, vector<16xf32>,
      tpu.vector_store %arg7[%swap3A_63, %swap3A_64], %get3A_62 {strides = array<i32>} : memref<128x128xf32, #tpu.memory_space<vmem>>, vector<16xf32>,
      %mul3A_66 = arith.constant 4 : i32
      %mul3A_67 = arith.muli %mul3A_66, %scan3A_27 : i32
      %add3A_68 = arith.constant 2 : i32
      %add3A_69 = arith.addi %mul3A_67, %add3A_68 : i32
      %get3A_70 = arith.index_cast %add3A_69 : i32 to index
      %get3A_71 = arith.constant 0 : index
      %get3A_72 = tpu.vector_load %arg6[%get3A_70, %get3A_71] {strides = array<i32>} : memref<512x32xf32, #tpu.memory_space<vmem>>, vector<16xf32>,
      %swap3A_73 = arith.index_cast %scan3A_27 : i32 to index
      %swap3A_74 = arith.constant 64 : index
      %swap3A_75 = tpu.vector_load %arg7[%swap3A_73, %swap3A_74] {strides = array<i32>} : memref<128x128xf32, #tpu.memory_space<vmem>>, vector<16xf32>,
      tpu.vector_store %arg7[%swap3A_73, %swap3A_74], %get3A_72 {strides = array<i32>} : memref<128x128xf32, #tpu.memory_space<vmem>>, vector<16xf32>,
      %mul3A_76 = arith.constant 4 : i32
      %mul3A_77 = arith.muli %mul3A_76, %scan3A_27 : i32
      %add3A_78 = arith.constant 2 : i32
      %add3A_79 = arith.addi %mul3A_77, %add3A_78 : i32
      %get3A_80 = arith.index_cast %add3A_79 : i32 to index
      %get3A_81 = arith.constant 16 : index
      %get3A_82 = tpu.vector_load %arg6[%get3A_80, %get3A_81] {strides = array<i32>} : memref<512x32xf32, #tpu.memory_space<vmem>>, vector<16xf32>,
      %swap3A_83 = arith.index_cast %scan3A_27 : i32 to index
      %swap3A_84 = arith.constant 80 : index
      %swap3A_85 = tpu.vector_load %arg7[%swap3A_83, %swap3A_84] {strides = array<i32>} : memref<128x128xf32, #tpu.memory_space<vmem>>, vector<16xf32>,
      tpu.vector_store %arg7[%swap3A_83, %swap3A_84], %get3A_82 {strides = array<i32>} : memref<128x128xf32, #tpu.memory_space<vmem>>, vector<16xf32>,
      %mul3A_86 = arith.constant 4 : i32
      %mul3A_87 = arith.muli %mul3A_86, %scan3A_27 : i32
      %add3A_88 = arith.constant 3 : i32
      %add3A_89 = arith.addi %mul3A_87, %add3A_88 : i32
      %get3A_90 = arith.index_cast %add3A_89 : i32 to index
      %get3A_91 = arith.constant 0 : index
      %get3A_92 = tpu.vector_load %arg6[%get3A_90, %get3A_91] {strides = array<i32>} : memref<512x32xf32, #tpu.memory_space<vmem>>, vector<16xf32>,
      %swap3A_93 = arith.index_cast %scan3A_27 : i32 to index
      %swap3A_94 = arith.constant 96 : index
      %swap3A_95 = tpu.vector_load %arg7[%swap3A_93, %swap3A_94] {strides = array<i32>} : memref<128x128xf32, #tpu.memory_space<vmem>>, vector<16xf32>,
      tpu.vector_store %arg7[%swap3A_93, %swap3A_94], %get3A_92 {strides = array<i32>} : memref<128x128xf32, #tpu.memory_space<vmem>>, vector<16xf32>,
      %mul3A_96 = arith.constant 4 : i32
      %mul3A_97 = arith.muli %mul3A_96, %scan3A_27 : i32
      %add3A_98 = arith.constant 3 : i32
      %add3A_99 = arith.addi %mul3A_97, %add3A_98 : i32
      %get3A_100 = arith.index_cast %add3A_99 : i32 to index
      %get3A_101 = arith.constant 16 : index
      %get3A_102 = tpu.vector_load %arg6[%get3A_100, %get3A_101] {strides = array<i32>} : memref<512x32xf32, #tpu.memory_space<vmem>>, vector<16xf32>,
      %swap3A_103 = arith.index_cast %scan3A_27 : i32 to index
      %swap3A_104 = arith.constant 112 : index
      %swap3A_105 = tpu.vector_load %arg7[%swap3A_103, %swap3A_104] {strides = array<i32>} : memref<128x128xf32, #tpu.memory_space<vmem>>, vector<16xf32>,
      tpu.vector_store %arg7[%swap3A_103, %swap3A_104], %get3A_102 {strides = array<i32>} : memref<128x128xf32, #tpu.memory_space<vmem>>, vector<16xf32>,
    }
    %scan3A_24 = arith.constant 128 : i32
    %mul3A_25 = arith.constant 128 : i32
    %mul3A_26 = arith.muli %add3A, %mul3A_25 : i32
    "tpu.region"() ({
      %run_scoped3A = tpu.sem_alloc : memref<!tpu.dma_semaphore, #tpu.memory_space<semaphore_mem>>
      %dma_start3A = arith.constant 0 : i32
      %dma_start3A_27 = tpu.memref_slice %arg4[%mul3A_26, %dma_start3A] : memref<4096x128xf32, #tpu.memory_space<hbm>> -> memref<128x128xf32, #tpu.memory_space<hbm>>
      %dma_start3A_28 = arith.constant 0 : i32
      %dma_start3A_29 = tpu.memref_slice %arg4[%mul3A_26, %dma_start3A_28] : memref<4096x128xf32, #tpu.memory_space<hbm>> -> memref<128x128xf32, #tpu.memory_space<hbm>>
      tpu.enqueue_dma source(%arg7 : memref<128x128xf32, #tpu.memory_space<vmem>>) target(%dma_start3A_29 : memref<128x128xf32, #tpu.memory_space<hbm>>) target_semaphore(%run_scoped3A : memref<!tpu.dma_semaphore, #tpu.memory_space<semaphore_mem>>)
      %dma_wait3A = arith.constant 0 : i32
      %dma_wait3A_30 = tpu.memref_slice %arg4[%mul3A_26, %dma_wait3A] : memref<4096x128xf32, #tpu.memory_space<hbm>> -> memref<128x128xf32, #tpu.memory_space<hbm>>
      %dma_wait3A_31 = arith.constant 0 : i32
      %dma_wait3A_32 = tpu.memref_slice %arg4[%mul3A_26, %dma_wait3A_31] : memref<4096x128xf32, #tpu.memory_space<hbm>> -> memref<128x128xf32, #tpu.memory_space<hbm>>
      tpu.wait_dma2 semaphore(%run_scoped3A : memref<!tpu.dma_semaphore, #tpu.memory_space<semaphore_mem>>) src(%arg7 : memref<128x128xf32, #tpu.memory_space<vmem>>) dst(%dma_wait3A_32 : memref<128x128xf32, #tpu.memory_space<hbm>>)
      tpu.yield
    }) : () -> ()
    return
  }
}

#map = affine_map<(d0, d1) -> (0)>
#map1 = affine_map<(d0, d1) -> (0, 0)>
module attributes {stable_mosaic.version = 14 : i64} {
  func.func @_fpmc_dots(%arg0: i32, %arg1: i32, %arg2: memref<16384xi32, #tpu.memory_space<hbm>>, %arg3: memref<16384xi32, #tpu.memory_space<hbm>>, %arg4: memref<16384xf32, #tpu.memory_space<hbm>>, %arg5: memref<250000x128xf32, #tpu.memory_space<hbm>>, %arg6: memref<250000x128xf32, #tpu.memory_space<hbm>>, %arg7: memref<250000x128xf32, #tpu.memory_space<hbm>>, %arg8: memref<4096x128xf32, #tpu.memory_space<hbm>>, %arg9: memref<16384xf32, #tpu.memory_space<hbm>>, %arg10: memref<512xi32, #tpu.memory_space<vmem>>, %arg11: memref<512xi32, #tpu.memory_space<vmem>>, %arg12: memref<512xi32, #tpu.memory_space<vmem>>, %arg13: memref<512xi32, #tpu.memory_space<vmem>>, %arg14: memref<512xf32, #tpu.memory_space<vmem>>, %arg15: memref<64x128xf32, #tpu.memory_space<vmem>>, %arg16: memref<64x128xf32, #tpu.memory_space<vmem>>, %arg17: memref<64x128xf32, #tpu.memory_space<vmem>>, %arg18: memref<32x512xf32, #tpu.memory_space<vmem>>, %arg19: memref<128x128xf32, #tpu.memory_space<vmem>>, %arg20: memref<512xf32, #tpu.memory_space<vmem>>, %arg21: memref<!tpu.dma_semaphore, #tpu.memory_space<semaphore_mem>>) attributes {dimension_semantics = [#tpu.dimension_semantics<core_parallel>, #tpu.dimension_semantics<subcore_parallel>], iteration_bounds = array<i64: 2, 16>, scalar_prefetch = 0 : i64, scratch_operands = 12 : i64, tpu.core_type = #tpu.core_type<sc_vector_subcore>, window_params = [{transform_indices = #map}, {transform_indices = #map}, {transform_indices = #map}, {transform_indices = #map1}, {transform_indices = #map1}, {transform_indices = #map1}, {transform_indices = #map1}, {transform_indices = #map}]} {
    %mul3A = arith.constant 2 : i32
    %mul3A_0 = arith.muli %arg1, %mul3A : i32
    %add3A = arith.addi %mul3A_0, %arg0 : i32
    %mul3A_1 = arith.constant 512 : i32
    %mul3A_2 = arith.muli %add3A, %mul3A_1 : i32
    "tpu.region"() ({
      %run_scoped3A = tpu.sem_alloc : memref<!tpu.dma_semaphore, #tpu.memory_space<semaphore_mem>>
      %dma_start3A = tpu.memref_slice %arg2[%mul3A_2] : memref<16384xi32, #tpu.memory_space<hbm>> -> memref<512xi32, #tpu.memory_space<hbm>>
      %dma_start3A_23 = tpu.memref_slice %arg2[%mul3A_2] : memref<16384xi32, #tpu.memory_space<hbm>> -> memref<512xi32, #tpu.memory_space<hbm>>
      tpu.enqueue_dma source(%dma_start3A_23 : memref<512xi32, #tpu.memory_space<hbm>>) target(%arg10 : memref<512xi32, #tpu.memory_space<vmem>>) target_semaphore(%run_scoped3A : memref<!tpu.dma_semaphore, #tpu.memory_space<semaphore_mem>>)
      %dma_wait3A = tpu.memref_slice %arg2[%mul3A_2] : memref<16384xi32, #tpu.memory_space<hbm>> -> memref<512xi32, #tpu.memory_space<hbm>>
      %dma_wait3A_24 = tpu.memref_slice %arg2[%mul3A_2] : memref<16384xi32, #tpu.memory_space<hbm>> -> memref<512xi32, #tpu.memory_space<hbm>>
      tpu.wait_dma2 semaphore(%run_scoped3A : memref<!tpu.dma_semaphore, #tpu.memory_space<semaphore_mem>>) src(%dma_wait3A_24 : memref<512xi32, #tpu.memory_space<hbm>>) dst(%arg10 : memref<512xi32, #tpu.memory_space<vmem>>)
      tpu.yield
    }) : () -> ()
    "tpu.region"() ({
      %run_scoped3A = tpu.sem_alloc : memref<!tpu.dma_semaphore, #tpu.memory_space<semaphore_mem>>
      %dma_start3A = tpu.memref_slice %arg3[%mul3A_2] : memref<16384xi32, #tpu.memory_space<hbm>> -> memref<512xi32, #tpu.memory_space<hbm>>
      %dma_start3A_23 = tpu.memref_slice %arg3[%mul3A_2] : memref<16384xi32, #tpu.memory_space<hbm>> -> memref<512xi32, #tpu.memory_space<hbm>>
      tpu.enqueue_dma source(%dma_start3A_23 : memref<512xi32, #tpu.memory_space<hbm>>) target(%arg11 : memref<512xi32, #tpu.memory_space<vmem>>) target_semaphore(%run_scoped3A : memref<!tpu.dma_semaphore, #tpu.memory_space<semaphore_mem>>)
      %dma_wait3A = tpu.memref_slice %arg3[%mul3A_2] : memref<16384xi32, #tpu.memory_space<hbm>> -> memref<512xi32, #tpu.memory_space<hbm>>
      %dma_wait3A_24 = tpu.memref_slice %arg3[%mul3A_2] : memref<16384xi32, #tpu.memory_space<hbm>> -> memref<512xi32, #tpu.memory_space<hbm>>
      tpu.wait_dma2 semaphore(%run_scoped3A : memref<!tpu.dma_semaphore, #tpu.memory_space<semaphore_mem>>) src(%dma_wait3A_24 : memref<512xi32, #tpu.memory_space<hbm>>) dst(%arg11 : memref<512xi32, #tpu.memory_space<vmem>>)
      tpu.yield
    }) : () -> ()
    "tpu.region"() ({
      %run_scoped3A = tpu.sem_alloc : memref<!tpu.dma_semaphore, #tpu.memory_space<semaphore_mem>>
      %dma_start3A = tpu.memref_slice %arg4[%mul3A_2] : memref<16384xf32, #tpu.memory_space<hbm>> -> memref<512xf32, #tpu.memory_space<hbm>>
      %dma_start3A_23 = tpu.memref_slice %arg4[%mul3A_2] : memref<16384xf32, #tpu.memory_space<hbm>> -> memref<512xf32, #tpu.memory_space<hbm>>
      tpu.enqueue_dma source(%dma_start3A_23 : memref<512xf32, #tpu.memory_space<hbm>>) target(%arg14 : memref<512xf32, #tpu.memory_space<vmem>>) target_semaphore(%run_scoped3A : memref<!tpu.dma_semaphore, #tpu.memory_space<semaphore_mem>>)
      %dma_wait3A = tpu.memref_slice %arg4[%mul3A_2] : memref<16384xf32, #tpu.memory_space<hbm>> -> memref<512xf32, #tpu.memory_space<hbm>>
      %dma_wait3A_24 = tpu.memref_slice %arg4[%mul3A_2] : memref<16384xf32, #tpu.memory_space<hbm>> -> memref<512xf32, #tpu.memory_space<hbm>>
      tpu.wait_dma2 semaphore(%run_scoped3A : memref<!tpu.dma_semaphore, #tpu.memory_space<semaphore_mem>>) src(%dma_wait3A_24 : memref<512xf32, #tpu.memory_space<hbm>>) dst(%arg14 : memref<512xf32, #tpu.memory_space<vmem>>)
      tpu.yield
    }) : () -> ()
    %mul3A_3 = arith.constant 128 : i32
    %mul3A_4 = arith.muli %add3A, %mul3A_3 : i32
    "tpu.region"() ({
      %run_scoped3A = tpu.sem_alloc : memref<!tpu.dma_semaphore, #tpu.memory_space<semaphore_mem>>
      %dma_start3A = arith.constant 0 : i32
      %dma_start3A_23 = tpu.memref_slice %arg8[%mul3A_4, %dma_start3A] : memref<4096x128xf32, #tpu.memory_space<hbm>> -> memref<128x128xf32, #tpu.memory_space<hbm>>
      %dma_start3A_24 = arith.constant 0 : i32
      %dma_start3A_25 = tpu.memref_slice %arg8[%mul3A_4, %dma_start3A_24] : memref<4096x128xf32, #tpu.memory_space<hbm>> -> memref<128x128xf32, #tpu.memory_space<hbm>>
      tpu.enqueue_dma source(%dma_start3A_25 : memref<128x128xf32, #tpu.memory_space<hbm>>) target(%arg19 : memref<128x128xf32, #tpu.memory_space<vmem>>) target_semaphore(%run_scoped3A : memref<!tpu.dma_semaphore, #tpu.memory_space<semaphore_mem>>)
      %dma_wait3A = arith.constant 0 : i32
      %dma_wait3A_26 = tpu.memref_slice %arg8[%mul3A_4, %dma_wait3A] : memref<4096x128xf32, #tpu.memory_space<hbm>> -> memref<128x128xf32, #tpu.memory_space<hbm>>
      %dma_wait3A_27 = arith.constant 0 : i32
      %dma_wait3A_28 = tpu.memref_slice %arg8[%mul3A_4, %dma_wait3A_27] : memref<4096x128xf32, #tpu.memory_space<hbm>> -> memref<128x128xf32, #tpu.memory_space<hbm>>
      tpu.wait_dma2 semaphore(%run_scoped3A : memref<!tpu.dma_semaphore, #tpu.memory_space<semaphore_mem>>) src(%dma_wait3A_28 : memref<128x128xf32, #tpu.memory_space<hbm>>) dst(%arg19 : memref<128x128xf32, #tpu.memory_space<vmem>>)
      tpu.yield
    }) : () -> ()
    %broadcast_in_dim3A = arith.constant 0.000000e+00 : f32
    %broadcast_in_dim3A_5 = vector.broadcast %broadcast_in_dim3A : f32 to vector<16xf32>
    %iota3A = tpu.iota {dimensions = array<i32: 0>} : vector<16xi32>
    %scan3A = arith.constant 0 : i32
    %scan3A_6 = arith.constant 0 : i32
    %scan3A_7 = arith.constant 32 : i32
    %scan3A_8 = arith.addi %scan3A_6, %scan3A_7 : i32
    %scan3A_9 = arith.constant 1 : i32
    scf.for %scan3A_23 = %scan3A_6 to %scan3A_8 step %scan3A_9  : i32 {
      %mul3A_24 = arith.constant 16 : i32
      %mul3A_25 = arith.muli %scan3A_23, %mul3A_24 : i32
      %multiple_of3A = tpu.assume_multiple %mul3A_25, 16 : i32
      %get3A = arith.index_cast %multiple_of3A : i32 to index
      %get3A_26 = tpu.vector_load %arg10[%get3A] {strides = array<i32>} : memref<512xi32, #tpu.memory_space<vmem>>, vector<16xi32>,
      %get3A_27 = arith.index_cast %multiple_of3A : i32 to index
      %get3A_28 = tpu.vector_load %arg11[%get3A_27] {strides = array<i32>} : memref<512xi32, #tpu.memory_space<vmem>>, vector<16xi32>,
      %shift_right_logical3A = arith.constant 2 : i32
      %shift_right_logical3A_29 = vector.broadcast %shift_right_logical3A : i32 to vector<16xi32>
      %shift_right_logical3A_30 = arith.shrui %get3A_26, %shift_right_logical3A_29 : vector<16xi32>
      %swap3A = arith.index_cast %multiple_of3A : i32 to index
      %swap3A_31 = tpu.vector_load %arg12[%swap3A] {strides = array<i32>} : memref<512xi32, #tpu.memory_space<vmem>>, vector<16xi32>,
      tpu.vector_store %arg12[%swap3A], %shift_right_logical3A_30 {strides = array<i32>} : memref<512xi32, #tpu.memory_space<vmem>>, vector<16xi32>,
      %shift_right_logical3A_32 = arith.constant 2 : i32
      %shift_right_logical3A_33 = vector.broadcast %shift_right_logical3A_32 : i32 to vector<16xi32>
      %shift_right_logical3A_34 = arith.shrui %get3A_28, %shift_right_logical3A_33 : vector<16xi32>
      %swap3A_35 = arith.index_cast %multiple_of3A : i32 to index
      %swap3A_36 = tpu.vector_load %arg13[%swap3A_35] {strides = array<i32>} : memref<512xi32, #tpu.memory_space<vmem>>, vector<16xi32>,
      tpu.vector_store %arg13[%swap3A_35], %shift_right_logical3A_34 {strides = array<i32>} : memref<512xi32, #tpu.memory_space<vmem>>, vector<16xi32>,
    }
    %scan3A_10 = arith.constant 32 : i32
    %scan3A_11 = arith.constant 0 : i32
    %scan3A_12 = arith.constant 0 : i32
    %scan3A_13 = arith.constant 8 : i32
    %scan3A_14 = arith.addi %scan3A_12, %scan3A_13 : i32
    %scan3A_15 = arith.constant 1 : i32
    scf.for %scan3A_23 = %scan3A_12 to %scan3A_14 step %scan3A_15  : i32 {
      %mul3A_24 = arith.constant 64 : i32
      %mul3A_25 = arith.muli %scan3A_23, %mul3A_24 : i32
      %multiple_of3A = tpu.assume_multiple %mul3A_25, 64 : i32
      %dma_start3A = tpu.memref_slice %arg12[%multiple_of3A] : memref<512xi32, #tpu.memory_space<vmem>> -> memref<64xi32, #tpu.memory_space<vmem>>
      %dma_start3A_26 = arith.constant 0 : i32
      %dma_start3A_27 = arith.constant 0 : i32
      %dma_start3A_28 = tpu.memref_slice %arg5[%dma_start3A_26, %dma_start3A_27] : memref<250000x128xf32, #tpu.memory_space<hbm>> -> memref<250000x128xf32, #tpu.memory_space<hbm>>
      tpu.enqueue_indirect_dma source(%dma_start3A_28 : memref<250000x128xf32, #tpu.memory_space<hbm>>) target(%arg15 : memref<64x128xf32, #tpu.memory_space<vmem>>) offsets(%dma_start3A : memref<64xi32, #tpu.memory_space<vmem>>) semaphore(%arg21 : memref<!tpu.dma_semaphore, #tpu.memory_space<semaphore_mem>>)
      %dma_start3A_29 = tpu.memref_slice %arg13[%multiple_of3A] : memref<512xi32, #tpu.memory_space<vmem>> -> memref<64xi32, #tpu.memory_space<vmem>>
      %dma_start3A_30 = arith.constant 0 : i32
      %dma_start3A_31 = arith.constant 0 : i32
      %dma_start3A_32 = tpu.memref_slice %arg6[%dma_start3A_30, %dma_start3A_31] : memref<250000x128xf32, #tpu.memory_space<hbm>> -> memref<250000x128xf32, #tpu.memory_space<hbm>>
      tpu.enqueue_indirect_dma source(%dma_start3A_32 : memref<250000x128xf32, #tpu.memory_space<hbm>>) target(%arg16 : memref<64x128xf32, #tpu.memory_space<vmem>>) offsets(%dma_start3A_29 : memref<64xi32, #tpu.memory_space<vmem>>) semaphore(%arg21 : memref<!tpu.dma_semaphore, #tpu.memory_space<semaphore_mem>>)
      %dma_start3A_33 = tpu.memref_slice %arg13[%multiple_of3A] : memref<512xi32, #tpu.memory_space<vmem>> -> memref<64xi32, #tpu.memory_space<vmem>>
      %dma_start3A_34 = arith.constant 0 : i32
      %dma_start3A_35 = arith.constant 0 : i32
      %dma_start3A_36 = tpu.memref_slice %arg7[%dma_start3A_34, %dma_start3A_35] : memref<250000x128xf32, #tpu.memory_space<hbm>> -> memref<250000x128xf32, #tpu.memory_space<hbm>>
      tpu.enqueue_indirect_dma source(%dma_start3A_36 : memref<250000x128xf32, #tpu.memory_space<hbm>>) target(%arg17 : memref<64x128xf32, #tpu.memory_space<vmem>>) offsets(%dma_start3A_33 : memref<64xi32, #tpu.memory_space<vmem>>) semaphore(%arg21 : memref<!tpu.dma_semaphore, #tpu.memory_space<semaphore_mem>>)
      %dma_wait3A = arith.constant 0 : i32
      %dma_wait3A_37 = arith.constant 0 : i32
      %dma_wait3A_38 = tpu.memref_slice %arg5[%dma_wait3A, %dma_wait3A_37] : memref<250000x128xf32, #tpu.memory_space<hbm>> -> memref<64x128xf32, #tpu.memory_space<hbm>>
      %dma_wait3A_39 = arith.constant 0 : i32
      %dma_wait3A_40 = arith.constant 0 : i32
      %dma_wait3A_41 = tpu.memref_slice %arg5[%dma_wait3A_39, %dma_wait3A_40] : memref<250000x128xf32, #tpu.memory_space<hbm>> -> memref<64x128xf32, #tpu.memory_space<hbm>>
      tpu.wait_dma2 semaphore(%arg21 : memref<!tpu.dma_semaphore, #tpu.memory_space<semaphore_mem>>) src(%dma_wait3A_41 : memref<64x128xf32, #tpu.memory_space<hbm>>) dst(%arg15 : memref<64x128xf32, #tpu.memory_space<vmem>>)
      %dma_wait3A_42 = arith.constant 0 : i32
      %dma_wait3A_43 = arith.constant 0 : i32
      %dma_wait3A_44 = tpu.memref_slice %arg5[%dma_wait3A_42, %dma_wait3A_43] : memref<250000x128xf32, #tpu.memory_space<hbm>> -> memref<64x128xf32, #tpu.memory_space<hbm>>
      %dma_wait3A_45 = arith.constant 0 : i32
      %dma_wait3A_46 = arith.constant 0 : i32
      %dma_wait3A_47 = tpu.memref_slice %arg5[%dma_wait3A_45, %dma_wait3A_46] : memref<250000x128xf32, #tpu.memory_space<hbm>> -> memref<64x128xf32, #tpu.memory_space<hbm>>
      tpu.wait_dma2 semaphore(%arg21 : memref<!tpu.dma_semaphore, #tpu.memory_space<semaphore_mem>>) src(%dma_wait3A_47 : memref<64x128xf32, #tpu.memory_space<hbm>>) dst(%arg16 : memref<64x128xf32, #tpu.memory_space<vmem>>)
      %dma_wait3A_48 = arith.constant 0 : i32
      %dma_wait3A_49 = arith.constant 0 : i32
      %dma_wait3A_50 = tpu.memref_slice %arg5[%dma_wait3A_48, %dma_wait3A_49] : memref<250000x128xf32, #tpu.memory_space<hbm>> -> memref<64x128xf32, #tpu.memory_space<hbm>>
      %dma_wait3A_51 = arith.constant 0 : i32
      %dma_wait3A_52 = arith.constant 0 : i32
      %dma_wait3A_53 = tpu.memref_slice %arg5[%dma_wait3A_51, %dma_wait3A_52] : memref<250000x128xf32, #tpu.memory_space<hbm>> -> memref<64x128xf32, #tpu.memory_space<hbm>>
      tpu.wait_dma2 semaphore(%arg21 : memref<!tpu.dma_semaphore, #tpu.memory_space<semaphore_mem>>) src(%dma_wait3A_53 : memref<64x128xf32, #tpu.memory_space<hbm>>) dst(%arg17 : memref<64x128xf32, #tpu.memory_space<vmem>>)
      %scan3A_54 = arith.constant 0 : i32
      %scan3A_55 = arith.constant 0 : i32
      %scan3A_56 = arith.constant 4 : i32
      %scan3A_57 = arith.addi %scan3A_55, %scan3A_56 : i32
      %scan3A_58 = arith.constant 1 : i32
      scf.for %scan3A_60 = %scan3A_55 to %scan3A_57 step %scan3A_58  : i32 {
        %mul3A_61 = arith.constant 16 : i32
        %mul3A_62 = arith.muli %scan3A_60, %mul3A_61 : i32
        %multiple_of3A_63 = tpu.assume_multiple %mul3A_62, 16 : i32
        %add3A_64 = arith.addi %multiple_of3A, %multiple_of3A_63 : i32
        %get3A = arith.index_cast %add3A_64 : i32 to index
        %get3A_65 = tpu.vector_load %arg10[%get3A] {strides = array<i32>} : memref<512xi32, #tpu.memory_space<vmem>>, vector<16xi32>,
        %get3A_66 = arith.index_cast %add3A_64 : i32 to index
        %get3A_67 = tpu.vector_load %arg11[%get3A_66] {strides = array<i32>} : memref<512xi32, #tpu.memory_space<vmem>>, vector<16xi32>,
        %and3A = arith.constant 3 : i32
        %and3A_68 = vector.broadcast %and3A : i32 to vector<16xi32>
        %and3A_69 = arith.andi %get3A_65, %and3A_68 : vector<16xi32>
        %shift_left3A = arith.constant 5 : i32
        %shift_left3A_70 = vector.broadcast %shift_left3A : i32 to vector<16xi32>
        %shift_left3A_71 = arith.shli %and3A_69, %shift_left3A_70 : vector<16xi32>
        %and3A_72 = arith.constant 3 : i32
        %and3A_73 = vector.broadcast %and3A_72 : i32 to vector<16xi32>
        %and3A_74 = arith.andi %get3A_67, %and3A_73 : vector<16xi32>
        %shift_left3A_75 = arith.constant 5 : i32
        %shift_left3A_76 = vector.broadcast %shift_left3A_75 : i32 to vector<16xi32>
        %shift_left3A_77 = arith.shli %and3A_74, %shift_left3A_76 : vector<16xi32>
        %add3A_78 = vector.broadcast %multiple_of3A_63 : i32 to vector<16xi32>
        %add3A_79 = arith.addi %add3A_78, %iota3A : vector<16xi32>
        %add3A_80 = arith.constant 0 : i32
        %add3A_81 = vector.broadcast %add3A_80 : i32 to vector<16xi32>
        %add3A_82 = arith.addi %shift_left3A_71, %add3A_81 : vector<16xi32>
        %gather3A = tpu.vector_load_idx %arg15[%add3A_79, %add3A_82] : memref<64x128xf32, #tpu.memory_space<vmem>>[vector<16xi32>, vector<16xi32>], vector<16xf32>,
        %add3A_83 = arith.constant 0 : i32
        %add3A_84 = vector.broadcast %add3A_83 : i32 to vector<16xi32>
        %add3A_85 = arith.addi %shift_left3A_77, %add3A_84 : vector<16xi32>
        %gather3A_86 = tpu.vector_load_idx %arg16[%add3A_79, %add3A_85] : memref<64x128xf32, #tpu.memory_space<vmem>>[vector<16xi32>, vector<16xi32>], vector<16xf32>,
        %add3A_87 = arith.constant 0 : i32
        %add3A_88 = vector.broadcast %add3A_87 : i32 to vector<16xi32>
        %add3A_89 = arith.addi %shift_left3A_77, %add3A_88 : vector<16xi32>
        %gather3A_90 = tpu.vector_load_idx %arg17[%add3A_79, %add3A_89] : memref<64x128xf32, #tpu.memory_space<vmem>>[vector<16xi32>, vector<16xi32>], vector<16xf32>,
        %mul3A_91 = arith.mulf %gather3A, %gather3A_86 : vector<16xf32>
        %add3A_92 = arith.addf %broadcast_in_dim3A_5, %mul3A_91 : vector<16xf32>
        %swap3A = arith.constant 0 : i32
        %swap3A_93 = arith.index_cast %swap3A : i32 to index
        %swap3A_94 = arith.index_cast %add3A_64 : i32 to index
        %swap3A_95 = tpu.vector_load %arg18[%swap3A_93, %swap3A_94] {strides = array<i32>} : memref<32x512xf32, #tpu.memory_space<vmem>>, vector<16xf32>,
        tpu.vector_store %arg18[%swap3A_93, %swap3A_94], %gather3A_90 {strides = array<i32>} : memref<32x512xf32, #tpu.memory_space<vmem>>, vector<16xf32>,
        %add3A_96 = arith.constant 1 : i32
        %add3A_97 = vector.broadcast %add3A_96 : i32 to vector<16xi32>
        %add3A_98 = arith.addi %shift_left3A_71, %add3A_97 : vector<16xi32>
        %gather3A_99 = tpu.vector_load_idx %arg15[%add3A_79, %add3A_98] : memref<64x128xf32, #tpu.memory_space<vmem>>[vector<16xi32>, vector<16xi32>], vector<16xf32>,
        %add3A_100 = arith.constant 1 : i32
        %add3A_101 = vector.broadcast %add3A_100 : i32 to vector<16xi32>
        %add3A_102 = arith.addi %shift_left3A_77, %add3A_101 : vector<16xi32>
        %gather3A_103 = tpu.vector_load_idx %arg16[%add3A_79, %add3A_102] : memref<64x128xf32, #tpu.memory_space<vmem>>[vector<16xi32>, vector<16xi32>], vector<16xf32>,
        %add3A_104 = arith.constant 1 : i32
        %add3A_105 = vector.broadcast %add3A_104 : i32 to vector<16xi32>
        %add3A_106 = arith.addi %shift_left3A_77, %add3A_105 : vector<16xi32>
        %gather3A_107 = tpu.vector_load_idx %arg17[%add3A_79, %add3A_106] : memref<64x128xf32, #tpu.memory_space<vmem>>[vector<16xi32>, vector<16xi32>], vector<16xf32>,
        %mul3A_108 = arith.mulf %gather3A_99, %gather3A_103 : vector<16xf32>
        %add3A_109 = arith.addf %add3A_92, %mul3A_108 : vector<16xf32>
        %swap3A_110 = arith.constant 1 : i32
        %swap3A_111 = arith.index_cast %swap3A_110 : i32 to index
        %swap3A_112 = arith.index_cast %add3A_64 : i32 to index
        %swap3A_113 = tpu.vector_load %arg18[%swap3A_111, %swap3A_112] {strides = array<i32>} : memref<32x512xf32, #tpu.memory_space<vmem>>, vector<16xf32>,
        tpu.vector_store %arg18[%swap3A_111, %swap3A_112], %gather3A_107 {strides = array<i32>} : memref<32x512xf32, #tpu.memory_space<vmem>>, vector<16xf32>,
        %add3A_114 = arith.constant 2 : i32
        %add3A_115 = vector.broadcast %add3A_114 : i32 to vector<16xi32>
        %add3A_116 = arith.addi %shift_left3A_71, %add3A_115 : vector<16xi32>
        %gather3A_117 = tpu.vector_load_idx %arg15[%add3A_79, %add3A_116] : memref<64x128xf32, #tpu.memory_space<vmem>>[vector<16xi32>, vector<16xi32>], vector<16xf32>,
        %add3A_118 = arith.constant 2 : i32
        %add3A_119 = vector.broadcast %add3A_118 : i32 to vector<16xi32>
        %add3A_120 = arith.addi %shift_left3A_77, %add3A_119 : vector<16xi32>
        %gather3A_121 = tpu.vector_load_idx %arg16[%add3A_79, %add3A_120] : memref<64x128xf32, #tpu.memory_space<vmem>>[vector<16xi32>, vector<16xi32>], vector<16xf32>,
        %add3A_122 = arith.constant 2 : i32
        %add3A_123 = vector.broadcast %add3A_122 : i32 to vector<16xi32>
        %add3A_124 = arith.addi %shift_left3A_77, %add3A_123 : vector<16xi32>
        %gather3A_125 = tpu.vector_load_idx %arg17[%add3A_79, %add3A_124] : memref<64x128xf32, #tpu.memory_space<vmem>>[vector<16xi32>, vector<16xi32>], vector<16xf32>,
        %mul3A_126 = arith.mulf %gather3A_117, %gather3A_121 : vector<16xf32>
        %add3A_127 = arith.addf %add3A_109, %mul3A_126 : vector<16xf32>
        %swap3A_128 = arith.constant 2 : i32
        %swap3A_129 = arith.index_cast %swap3A_128 : i32 to index
        %swap3A_130 = arith.index_cast %add3A_64 : i32 to index
        %swap3A_131 = tpu.vector_load %arg18[%swap3A_129, %swap3A_130] {strides = array<i32>} : memref<32x512xf32, #tpu.memory_space<vmem>>, vector<16xf32>,
        tpu.vector_store %arg18[%swap3A_129, %swap3A_130], %gather3A_125 {strides = array<i32>} : memref<32x512xf32, #tpu.memory_space<vmem>>, vector<16xf32>,
        %add3A_132 = arith.constant 3 : i32
        %add3A_133 = vector.broadcast %add3A_132 : i32 to vector<16xi32>
        %add3A_134 = arith.addi %shift_left3A_71, %add3A_133 : vector<16xi32>
        %gather3A_135 = tpu.vector_load_idx %arg15[%add3A_79, %add3A_134] : memref<64x128xf32, #tpu.memory_space<vmem>>[vector<16xi32>, vector<16xi32>], vector<16xf32>,
        %add3A_136 = arith.constant 3 : i32
        %add3A_137 = vector.broadcast %add3A_136 : i32 to vector<16xi32>
        %add3A_138 = arith.addi %shift_left3A_77, %add3A_137 : vector<16xi32>
        %gather3A_139 = tpu.vector_load_idx %arg16[%add3A_79, %add3A_138] : memref<64x128xf32, #tpu.memory_space<vmem>>[vector<16xi32>, vector<16xi32>], vector<16xf32>,
        %add3A_140 = arith.constant 3 : i32
        %add3A_141 = vector.broadcast %add3A_140 : i32 to vector<16xi32>
        %add3A_142 = arith.addi %shift_left3A_77, %add3A_141 : vector<16xi32>
        %gather3A_143 = tpu.vector_load_idx %arg17[%add3A_79, %add3A_142] : memref<64x128xf32, #tpu.memory_space<vmem>>[vector<16xi32>, vector<16xi32>], vector<16xf32>,
        %mul3A_144 = arith.mulf %gather3A_135, %gather3A_139 : vector<16xf32>
        %add3A_145 = arith.addf %add3A_127, %mul3A_144 : vector<16xf32>
        %swap3A_146 = arith.constant 3 : i32
        %swap3A_147 = arith.index_cast %swap3A_146 : i32 to index
        %swap3A_148 = arith.index_cast %add3A_64 : i32 to index
        %swap3A_149 = tpu.vector_load %arg18[%swap3A_147, %swap3A_148] {strides = array<i32>} : memref<32x512xf32, #tpu.memory_space<vmem>>, vector<16xf32>,
        tpu.vector_store %arg18[%swap3A_147, %swap3A_148], %gather3A_143 {strides = array<i32>} : memref<32x512xf32, #tpu.memory_space<vmem>>, vector<16xf32>,
        %add3A_150 = arith.constant 4 : i32
        %add3A_151 = vector.broadcast %add3A_150 : i32 to vector<16xi32>
        %add3A_152 = arith.addi %shift_left3A_71, %add3A_151 : vector<16xi32>
        %gather3A_153 = tpu.vector_load_idx %arg15[%add3A_79, %add3A_152] : memref<64x128xf32, #tpu.memory_space<vmem>>[vector<16xi32>, vector<16xi32>], vector<16xf32>,
        %add3A_154 = arith.constant 4 : i32
        %add3A_155 = vector.broadcast %add3A_154 : i32 to vector<16xi32>
        %add3A_156 = arith.addi %shift_left3A_77, %add3A_155 : vector<16xi32>
        %gather3A_157 = tpu.vector_load_idx %arg16[%add3A_79, %add3A_156] : memref<64x128xf32, #tpu.memory_space<vmem>>[vector<16xi32>, vector<16xi32>], vector<16xf32>,
        %add3A_158 = arith.constant 4 : i32
        %add3A_159 = vector.broadcast %add3A_158 : i32 to vector<16xi32>
        %add3A_160 = arith.addi %shift_left3A_77, %add3A_159 : vector<16xi32>
        %gather3A_161 = tpu.vector_load_idx %arg17[%add3A_79, %add3A_160] : memref<64x128xf32, #tpu.memory_space<vmem>>[vector<16xi32>, vector<16xi32>], vector<16xf32>,
        %mul3A_162 = arith.mulf %gather3A_153, %gather3A_157 : vector<16xf32>
        %add3A_163 = arith.addf %add3A_145, %mul3A_162 : vector<16xf32>
        %swap3A_164 = arith.constant 4 : i32
        %swap3A_165 = arith.index_cast %swap3A_164 : i32 to index
        %swap3A_166 = arith.index_cast %add3A_64 : i32 to index
        %swap3A_167 = tpu.vector_load %arg18[%swap3A_165, %swap3A_166] {strides = array<i32>} : memref<32x512xf32, #tpu.memory_space<vmem>>, vector<16xf32>,
        tpu.vector_store %arg18[%swap3A_165, %swap3A_166], %gather3A_161 {strides = array<i32>} : memref<32x512xf32, #tpu.memory_space<vmem>>, vector<16xf32>,
        %add3A_168 = arith.constant 5 : i32
        %add3A_169 = vector.broadcast %add3A_168 : i32 to vector<16xi32>
        %add3A_170 = arith.addi %shift_left3A_71, %add3A_169 : vector<16xi32>
        %gather3A_171 = tpu.vector_load_idx %arg15[%add3A_79, %add3A_170] : memref<64x128xf32, #tpu.memory_space<vmem>>[vector<16xi32>, vector<16xi32>], vector<16xf32>,
        %add3A_172 = arith.constant 5 : i32
        %add3A_173 = vector.broadcast %add3A_172 : i32 to vector<16xi32>
        %add3A_174 = arith.addi %shift_left3A_77, %add3A_173 : vector<16xi32>
        %gather3A_175 = tpu.vector_load_idx %arg16[%add3A_79, %add3A_174] : memref<64x128xf32, #tpu.memory_space<vmem>>[vector<16xi32>, vector<16xi32>], vector<16xf32>,
        %add3A_176 = arith.constant 5 : i32
        %add3A_177 = vector.broadcast %add3A_176 : i32 to vector<16xi32>
        %add3A_178 = arith.addi %shift_left3A_77, %add3A_177 : vector<16xi32>
        %gather3A_179 = tpu.vector_load_idx %arg17[%add3A_79, %add3A_178] : memref<64x128xf32, #tpu.memory_space<vmem>>[vector<16xi32>, vector<16xi32>], vector<16xf32>,
        %mul3A_180 = arith.mulf %gather3A_171, %gather3A_175 : vector<16xf32>
        %add3A_181 = arith.addf %add3A_163, %mul3A_180 : vector<16xf32>
        %swap3A_182 = arith.constant 5 : i32
        %swap3A_183 = arith.index_cast %swap3A_182 : i32 to index
        %swap3A_184 = arith.index_cast %add3A_64 : i32 to index
        %swap3A_185 = tpu.vector_load %arg18[%swap3A_183, %swap3A_184] {strides = array<i32>} : memref<32x512xf32, #tpu.memory_space<vmem>>, vector<16xf32>,
        tpu.vector_store %arg18[%swap3A_183, %swap3A_184], %gather3A_179 {strides = array<i32>} : memref<32x512xf32, #tpu.memory_space<vmem>>, vector<16xf32>,
        %add3A_186 = arith.constant 6 : i32
        %add3A_187 = vector.broadcast %add3A_186 : i32 to vector<16xi32>
        %add3A_188 = arith.addi %shift_left3A_71, %add3A_187 : vector<16xi32>
        %gather3A_189 = tpu.vector_load_idx %arg15[%add3A_79, %add3A_188] : memref<64x128xf32, #tpu.memory_space<vmem>>[vector<16xi32>, vector<16xi32>], vector<16xf32>,
        %add3A_190 = arith.constant 6 : i32
        %add3A_191 = vector.broadcast %add3A_190 : i32 to vector<16xi32>
        %add3A_192 = arith.addi %shift_left3A_77, %add3A_191 : vector<16xi32>
        %gather3A_193 = tpu.vector_load_idx %arg16[%add3A_79, %add3A_192] : memref<64x128xf32, #tpu.memory_space<vmem>>[vector<16xi32>, vector<16xi32>], vector<16xf32>,
        %add3A_194 = arith.constant 6 : i32
        %add3A_195 = vector.broadcast %add3A_194 : i32 to vector<16xi32>
        %add3A_196 = arith.addi %shift_left3A_77, %add3A_195 : vector<16xi32>
        %gather3A_197 = tpu.vector_load_idx %arg17[%add3A_79, %add3A_196] : memref<64x128xf32, #tpu.memory_space<vmem>>[vector<16xi32>, vector<16xi32>], vector<16xf32>,
        %mul3A_198 = arith.mulf %gather3A_189, %gather3A_193 : vector<16xf32>
        %add3A_199 = arith.addf %add3A_181, %mul3A_198 : vector<16xf32>
        %swap3A_200 = arith.constant 6 : i32
        %swap3A_201 = arith.index_cast %swap3A_200 : i32 to index
        %swap3A_202 = arith.index_cast %add3A_64 : i32 to index
        %swap3A_203 = tpu.vector_load %arg18[%swap3A_201, %swap3A_202] {strides = array<i32>} : memref<32x512xf32, #tpu.memory_space<vmem>>, vector<16xf32>,
        tpu.vector_store %arg18[%swap3A_201, %swap3A_202], %gather3A_197 {strides = array<i32>} : memref<32x512xf32, #tpu.memory_space<vmem>>, vector<16xf32>,
        %add3A_204 = arith.constant 7 : i32
        %add3A_205 = vector.broadcast %add3A_204 : i32 to vector<16xi32>
        %add3A_206 = arith.addi %shift_left3A_71, %add3A_205 : vector<16xi32>
        %gather3A_207 = tpu.vector_load_idx %arg15[%add3A_79, %add3A_206] : memref<64x128xf32, #tpu.memory_space<vmem>>[vector<16xi32>, vector<16xi32>], vector<16xf32>,
        %add3A_208 = arith.constant 7 : i32
        %add3A_209 = vector.broadcast %add3A_208 : i32 to vector<16xi32>
        %add3A_210 = arith.addi %shift_left3A_77, %add3A_209 : vector<16xi32>
        %gather3A_211 = tpu.vector_load_idx %arg16[%add3A_79, %add3A_210] : memref<64x128xf32, #tpu.memory_space<vmem>>[vector<16xi32>, vector<16xi32>], vector<16xf32>,
        %add3A_212 = arith.constant 7 : i32
        %add3A_213 = vector.broadcast %add3A_212 : i32 to vector<16xi32>
        %add3A_214 = arith.addi %shift_left3A_77, %add3A_213 : vector<16xi32>
        %gather3A_215 = tpu.vector_load_idx %arg17[%add3A_79, %add3A_214] : memref<64x128xf32, #tpu.memory_space<vmem>>[vector<16xi32>, vector<16xi32>], vector<16xf32>,
        %mul3A_216 = arith.mulf %gather3A_207, %gather3A_211 : vector<16xf32>
        %add3A_217 = arith.addf %add3A_199, %mul3A_216 : vector<16xf32>
        %swap3A_218 = arith.constant 7 : i32
        %swap3A_219 = arith.index_cast %swap3A_218 : i32 to index
        %swap3A_220 = arith.index_cast %add3A_64 : i32 to index
        %swap3A_221 = tpu.vector_load %arg18[%swap3A_219, %swap3A_220] {strides = array<i32>} : memref<32x512xf32, #tpu.memory_space<vmem>>, vector<16xf32>,
        tpu.vector_store %arg18[%swap3A_219, %swap3A_220], %gather3A_215 {strides = array<i32>} : memref<32x512xf32, #tpu.memory_space<vmem>>, vector<16xf32>,
        %add3A_222 = arith.constant 8 : i32
        %add3A_223 = vector.broadcast %add3A_222 : i32 to vector<16xi32>
        %add3A_224 = arith.addi %shift_left3A_71, %add3A_223 : vector<16xi32>
        %gather3A_225 = tpu.vector_load_idx %arg15[%add3A_79, %add3A_224] : memref<64x128xf32, #tpu.memory_space<vmem>>[vector<16xi32>, vector<16xi32>], vector<16xf32>,
        %add3A_226 = arith.constant 8 : i32
        %add3A_227 = vector.broadcast %add3A_226 : i32 to vector<16xi32>
        %add3A_228 = arith.addi %shift_left3A_77, %add3A_227 : vector<16xi32>
        %gather3A_229 = tpu.vector_load_idx %arg16[%add3A_79, %add3A_228] : memref<64x128xf32, #tpu.memory_space<vmem>>[vector<16xi32>, vector<16xi32>], vector<16xf32>,
        %add3A_230 = arith.constant 8 : i32
        %add3A_231 = vector.broadcast %add3A_230 : i32 to vector<16xi32>
        %add3A_232 = arith.addi %shift_left3A_77, %add3A_231 : vector<16xi32>
        %gather3A_233 = tpu.vector_load_idx %arg17[%add3A_79, %add3A_232] : memref<64x128xf32, #tpu.memory_space<vmem>>[vector<16xi32>, vector<16xi32>], vector<16xf32>,
        %mul3A_234 = arith.mulf %gather3A_225, %gather3A_229 : vector<16xf32>
        %add3A_235 = arith.addf %add3A_217, %mul3A_234 : vector<16xf32>
        %swap3A_236 = arith.constant 8 : i32
        %swap3A_237 = arith.index_cast %swap3A_236 : i32 to index
        %swap3A_238 = arith.index_cast %add3A_64 : i32 to index
        %swap3A_239 = tpu.vector_load %arg18[%swap3A_237, %swap3A_238] {strides = array<i32>} : memref<32x512xf32, #tpu.memory_space<vmem>>, vector<16xf32>,
        tpu.vector_store %arg18[%swap3A_237, %swap3A_238], %gather3A_233 {strides = array<i32>} : memref<32x512xf32, #tpu.memory_space<vmem>>, vector<16xf32>,
        %add3A_240 = arith.constant 9 : i32
        %add3A_241 = vector.broadcast %add3A_240 : i32 to vector<16xi32>
        %add3A_242 = arith.addi %shift_left3A_71, %add3A_241 : vector<16xi32>
        %gather3A_243 = tpu.vector_load_idx %arg15[%add3A_79, %add3A_242] : memref<64x128xf32, #tpu.memory_space<vmem>>[vector<16xi32>, vector<16xi32>], vector<16xf32>,
        %add3A_244 = arith.constant 9 : i32
        %add3A_245 = vector.broadcast %add3A_244 : i32 to vector<16xi32>
        %add3A_246 = arith.addi %shift_left3A_77, %add3A_245 : vector<16xi32>
        %gather3A_247 = tpu.vector_load_idx %arg16[%add3A_79, %add3A_246] : memref<64x128xf32, #tpu.memory_space<vmem>>[vector<16xi32>, vector<16xi32>], vector<16xf32>,
        %add3A_248 = arith.constant 9 : i32
        %add3A_249 = vector.broadcast %add3A_248 : i32 to vector<16xi32>
        %add3A_250 = arith.addi %shift_left3A_77, %add3A_249 : vector<16xi32>
        %gather3A_251 = tpu.vector_load_idx %arg17[%add3A_79, %add3A_250] : memref<64x128xf32, #tpu.memory_space<vmem>>[vector<16xi32>, vector<16xi32>], vector<16xf32>,
        %mul3A_252 = arith.mulf %gather3A_243, %gather3A_247 : vector<16xf32>
        %add3A_253 = arith.addf %add3A_235, %mul3A_252 : vector<16xf32>
        %swap3A_254 = arith.constant 9 : i32
        %swap3A_255 = arith.index_cast %swap3A_254 : i32 to index
        %swap3A_256 = arith.index_cast %add3A_64 : i32 to index
        %swap3A_257 = tpu.vector_load %arg18[%swap3A_255, %swap3A_256] {strides = array<i32>} : memref<32x512xf32, #tpu.memory_space<vmem>>, vector<16xf32>,
        tpu.vector_store %arg18[%swap3A_255, %swap3A_256], %gather3A_251 {strides = array<i32>} : memref<32x512xf32, #tpu.memory_space<vmem>>, vector<16xf32>,
        %add3A_258 = arith.constant 10 : i32
        %add3A_259 = vector.broadcast %add3A_258 : i32 to vector<16xi32>
        %add3A_260 = arith.addi %shift_left3A_71, %add3A_259 : vector<16xi32>
        %gather3A_261 = tpu.vector_load_idx %arg15[%add3A_79, %add3A_260] : memref<64x128xf32, #tpu.memory_space<vmem>>[vector<16xi32>, vector<16xi32>], vector<16xf32>,
        %add3A_262 = arith.constant 10 : i32
        %add3A_263 = vector.broadcast %add3A_262 : i32 to vector<16xi32>
        %add3A_264 = arith.addi %shift_left3A_77, %add3A_263 : vector<16xi32>
        %gather3A_265 = tpu.vector_load_idx %arg16[%add3A_79, %add3A_264] : memref<64x128xf32, #tpu.memory_space<vmem>>[vector<16xi32>, vector<16xi32>], vector<16xf32>,
        %add3A_266 = arith.constant 10 : i32
        %add3A_267 = vector.broadcast %add3A_266 : i32 to vector<16xi32>
        %add3A_268 = arith.addi %shift_left3A_77, %add3A_267 : vector<16xi32>
        %gather3A_269 = tpu.vector_load_idx %arg17[%add3A_79, %add3A_268] : memref<64x128xf32, #tpu.memory_space<vmem>>[vector<16xi32>, vector<16xi32>], vector<16xf32>,
        %mul3A_270 = arith.mulf %gather3A_261, %gather3A_265 : vector<16xf32>
        %add3A_271 = arith.addf %add3A_253, %mul3A_270 : vector<16xf32>
        %swap3A_272 = arith.constant 10 : i32
        %swap3A_273 = arith.index_cast %swap3A_272 : i32 to index
        %swap3A_274 = arith.index_cast %add3A_64 : i32 to index
        %swap3A_275 = tpu.vector_load %arg18[%swap3A_273, %swap3A_274] {strides = array<i32>} : memref<32x512xf32, #tpu.memory_space<vmem>>, vector<16xf32>,
        tpu.vector_store %arg18[%swap3A_273, %swap3A_274], %gather3A_269 {strides = array<i32>} : memref<32x512xf32, #tpu.memory_space<vmem>>, vector<16xf32>,
        %add3A_276 = arith.constant 11 : i32
        %add3A_277 = vector.broadcast %add3A_276 : i32 to vector<16xi32>
        %add3A_278 = arith.addi %shift_left3A_71, %add3A_277 : vector<16xi32>
        %gather3A_279 = tpu.vector_load_idx %arg15[%add3A_79, %add3A_278] : memref<64x128xf32, #tpu.memory_space<vmem>>[vector<16xi32>, vector<16xi32>], vector<16xf32>,
        %add3A_280 = arith.constant 11 : i32
        %add3A_281 = vector.broadcast %add3A_280 : i32 to vector<16xi32>
        %add3A_282 = arith.addi %shift_left3A_77, %add3A_281 : vector<16xi32>
        %gather3A_283 = tpu.vector_load_idx %arg16[%add3A_79, %add3A_282] : memref<64x128xf32, #tpu.memory_space<vmem>>[vector<16xi32>, vector<16xi32>], vector<16xf32>,
        %add3A_284 = arith.constant 11 : i32
        %add3A_285 = vector.broadcast %add3A_284 : i32 to vector<16xi32>
        %add3A_286 = arith.addi %shift_left3A_77, %add3A_285 : vector<16xi32>
        %gather3A_287 = tpu.vector_load_idx %arg17[%add3A_79, %add3A_286] : memref<64x128xf32, #tpu.memory_space<vmem>>[vector<16xi32>, vector<16xi32>], vector<16xf32>,
        %mul3A_288 = arith.mulf %gather3A_279, %gather3A_283 : vector<16xf32>
        %add3A_289 = arith.addf %add3A_271, %mul3A_288 : vector<16xf32>
        %swap3A_290 = arith.constant 11 : i32
        %swap3A_291 = arith.index_cast %swap3A_290 : i32 to index
        %swap3A_292 = arith.index_cast %add3A_64 : i32 to index
        %swap3A_293 = tpu.vector_load %arg18[%swap3A_291, %swap3A_292] {strides = array<i32>} : memref<32x512xf32, #tpu.memory_space<vmem>>, vector<16xf32>,
        tpu.vector_store %arg18[%swap3A_291, %swap3A_292], %gather3A_287 {strides = array<i32>} : memref<32x512xf32, #tpu.memory_space<vmem>>, vector<16xf32>,
        %add3A_294 = arith.constant 12 : i32
        %add3A_295 = vector.broadcast %add3A_294 : i32 to vector<16xi32>
        %add3A_296 = arith.addi %shift_left3A_71, %add3A_295 : vector<16xi32>
        %gather3A_297 = tpu.vector_load_idx %arg15[%add3A_79, %add3A_296] : memref<64x128xf32, #tpu.memory_space<vmem>>[vector<16xi32>, vector<16xi32>], vector<16xf32>,
        %add3A_298 = arith.constant 12 : i32
        %add3A_299 = vector.broadcast %add3A_298 : i32 to vector<16xi32>
        %add3A_300 = arith.addi %shift_left3A_77, %add3A_299 : vector<16xi32>
        %gather3A_301 = tpu.vector_load_idx %arg16[%add3A_79, %add3A_300] : memref<64x128xf32, #tpu.memory_space<vmem>>[vector<16xi32>, vector<16xi32>], vector<16xf32>,
        %add3A_302 = arith.constant 12 : i32
        %add3A_303 = vector.broadcast %add3A_302 : i32 to vector<16xi32>
        %add3A_304 = arith.addi %shift_left3A_77, %add3A_303 : vector<16xi32>
        %gather3A_305 = tpu.vector_load_idx %arg17[%add3A_79, %add3A_304] : memref<64x128xf32, #tpu.memory_space<vmem>>[vector<16xi32>, vector<16xi32>], vector<16xf32>,
        %mul3A_306 = arith.mulf %gather3A_297, %gather3A_301 : vector<16xf32>
        %add3A_307 = arith.addf %add3A_289, %mul3A_306 : vector<16xf32>
        %swap3A_308 = arith.constant 12 : i32
        %swap3A_309 = arith.index_cast %swap3A_308 : i32 to index
        %swap3A_310 = arith.index_cast %add3A_64 : i32 to index
        %swap3A_311 = tpu.vector_load %arg18[%swap3A_309, %swap3A_310] {strides = array<i32>} : memref<32x512xf32, #tpu.memory_space<vmem>>, vector<16xf32>,
        tpu.vector_store %arg18[%swap3A_309, %swap3A_310], %gather3A_305 {strides = array<i32>} : memref<32x512xf32, #tpu.memory_space<vmem>>, vector<16xf32>,
        %add3A_312 = arith.constant 13 : i32
        %add3A_313 = vector.broadcast %add3A_312 : i32 to vector<16xi32>
        %add3A_314 = arith.addi %shift_left3A_71, %add3A_313 : vector<16xi32>
        %gather3A_315 = tpu.vector_load_idx %arg15[%add3A_79, %add3A_314] : memref<64x128xf32, #tpu.memory_space<vmem>>[vector<16xi32>, vector<16xi32>], vector<16xf32>,
        %add3A_316 = arith.constant 13 : i32
        %add3A_317 = vector.broadcast %add3A_316 : i32 to vector<16xi32>
        %add3A_318 = arith.addi %shift_left3A_77, %add3A_317 : vector<16xi32>
        %gather3A_319 = tpu.vector_load_idx %arg16[%add3A_79, %add3A_318] : memref<64x128xf32, #tpu.memory_space<vmem>>[vector<16xi32>, vector<16xi32>], vector<16xf32>,
        %add3A_320 = arith.constant 13 : i32
        %add3A_321 = vector.broadcast %add3A_320 : i32 to vector<16xi32>
        %add3A_322 = arith.addi %shift_left3A_77, %add3A_321 : vector<16xi32>
        %gather3A_323 = tpu.vector_load_idx %arg17[%add3A_79, %add3A_322] : memref<64x128xf32, #tpu.memory_space<vmem>>[vector<16xi32>, vector<16xi32>], vector<16xf32>,
        %mul3A_324 = arith.mulf %gather3A_315, %gather3A_319 : vector<16xf32>
        %add3A_325 = arith.addf %add3A_307, %mul3A_324 : vector<16xf32>
        %swap3A_326 = arith.constant 13 : i32
        %swap3A_327 = arith.index_cast %swap3A_326 : i32 to index
        %swap3A_328 = arith.index_cast %add3A_64 : i32 to index
        %swap3A_329 = tpu.vector_load %arg18[%swap3A_327, %swap3A_328] {strides = array<i32>} : memref<32x512xf32, #tpu.memory_space<vmem>>, vector<16xf32>,
        tpu.vector_store %arg18[%swap3A_327, %swap3A_328], %gather3A_323 {strides = array<i32>} : memref<32x512xf32, #tpu.memory_space<vmem>>, vector<16xf32>,
        %add3A_330 = arith.constant 14 : i32
        %add3A_331 = vector.broadcast %add3A_330 : i32 to vector<16xi32>
        %add3A_332 = arith.addi %shift_left3A_71, %add3A_331 : vector<16xi32>
        %gather3A_333 = tpu.vector_load_idx %arg15[%add3A_79, %add3A_332] : memref<64x128xf32, #tpu.memory_space<vmem>>[vector<16xi32>, vector<16xi32>], vector<16xf32>,
        %add3A_334 = arith.constant 14 : i32
        %add3A_335 = vector.broadcast %add3A_334 : i32 to vector<16xi32>
        %add3A_336 = arith.addi %shift_left3A_77, %add3A_335 : vector<16xi32>
        %gather3A_337 = tpu.vector_load_idx %arg16[%add3A_79, %add3A_336] : memref<64x128xf32, #tpu.memory_space<vmem>>[vector<16xi32>, vector<16xi32>], vector<16xf32>,
        %add3A_338 = arith.constant 14 : i32
        %add3A_339 = vector.broadcast %add3A_338 : i32 to vector<16xi32>
        %add3A_340 = arith.addi %shift_left3A_77, %add3A_339 : vector<16xi32>
        %gather3A_341 = tpu.vector_load_idx %arg17[%add3A_79, %add3A_340] : memref<64x128xf32, #tpu.memory_space<vmem>>[vector<16xi32>, vector<16xi32>], vector<16xf32>,
        %mul3A_342 = arith.mulf %gather3A_333, %gather3A_337 : vector<16xf32>
        %add3A_343 = arith.addf %add3A_325, %mul3A_342 : vector<16xf32>
        %swap3A_344 = arith.constant 14 : i32
        %swap3A_345 = arith.index_cast %swap3A_344 : i32 to index
        %swap3A_346 = arith.index_cast %add3A_64 : i32 to index
        %swap3A_347 = tpu.vector_load %arg18[%swap3A_345, %swap3A_346] {strides = array<i32>} : memref<32x512xf32, #tpu.memory_space<vmem>>, vector<16xf32>,
        tpu.vector_store %arg18[%swap3A_345, %swap3A_346], %gather3A_341 {strides = array<i32>} : memref<32x512xf32, #tpu.memory_space<vmem>>, vector<16xf32>,
        %add3A_348 = arith.constant 15 : i32
        %add3A_349 = vector.broadcast %add3A_348 : i32 to vector<16xi32>
        %add3A_350 = arith.addi %shift_left3A_71, %add3A_349 : vector<16xi32>
        %gather3A_351 = tpu.vector_load_idx %arg15[%add3A_79, %add3A_350] : memref<64x128xf32, #tpu.memory_space<vmem>>[vector<16xi32>, vector<16xi32>], vector<16xf32>,
        %add3A_352 = arith.constant 15 : i32
        %add3A_353 = vector.broadcast %add3A_352 : i32 to vector<16xi32>
        %add3A_354 = arith.addi %shift_left3A_77, %add3A_353 : vector<16xi32>
        %gather3A_355 = tpu.vector_load_idx %arg16[%add3A_79, %add3A_354] : memref<64x128xf32, #tpu.memory_space<vmem>>[vector<16xi32>, vector<16xi32>], vector<16xf32>,
        %add3A_356 = arith.constant 15 : i32
        %add3A_357 = vector.broadcast %add3A_356 : i32 to vector<16xi32>
        %add3A_358 = arith.addi %shift_left3A_77, %add3A_357 : vector<16xi32>
        %gather3A_359 = tpu.vector_load_idx %arg17[%add3A_79, %add3A_358] : memref<64x128xf32, #tpu.memory_space<vmem>>[vector<16xi32>, vector<16xi32>], vector<16xf32>,
        %mul3A_360 = arith.mulf %gather3A_351, %gather3A_355 : vector<16xf32>
        %add3A_361 = arith.addf %add3A_343, %mul3A_360 : vector<16xf32>
        %swap3A_362 = arith.constant 15 : i32
        %swap3A_363 = arith.index_cast %swap3A_362 : i32 to index
        %swap3A_364 = arith.index_cast %add3A_64 : i32 to index
        %swap3A_365 = tpu.vector_load %arg18[%swap3A_363, %swap3A_364] {strides = array<i32>} : memref<32x512xf32, #tpu.memory_space<vmem>>, vector<16xf32>,
        tpu.vector_store %arg18[%swap3A_363, %swap3A_364], %gather3A_359 {strides = array<i32>} : memref<32x512xf32, #tpu.memory_space<vmem>>, vector<16xf32>,
        %add3A_366 = arith.constant 16 : i32
        %add3A_367 = vector.broadcast %add3A_366 : i32 to vector<16xi32>
        %add3A_368 = arith.addi %shift_left3A_71, %add3A_367 : vector<16xi32>
        %gather3A_369 = tpu.vector_load_idx %arg15[%add3A_79, %add3A_368] : memref<64x128xf32, #tpu.memory_space<vmem>>[vector<16xi32>, vector<16xi32>], vector<16xf32>,
        %add3A_370 = arith.constant 16 : i32
        %add3A_371 = vector.broadcast %add3A_370 : i32 to vector<16xi32>
        %add3A_372 = arith.addi %shift_left3A_77, %add3A_371 : vector<16xi32>
        %gather3A_373 = tpu.vector_load_idx %arg16[%add3A_79, %add3A_372] : memref<64x128xf32, #tpu.memory_space<vmem>>[vector<16xi32>, vector<16xi32>], vector<16xf32>,
        %add3A_374 = arith.constant 16 : i32
        %add3A_375 = vector.broadcast %add3A_374 : i32 to vector<16xi32>
        %add3A_376 = arith.addi %shift_left3A_77, %add3A_375 : vector<16xi32>
        %gather3A_377 = tpu.vector_load_idx %arg17[%add3A_79, %add3A_376] : memref<64x128xf32, #tpu.memory_space<vmem>>[vector<16xi32>, vector<16xi32>], vector<16xf32>,
        %mul3A_378 = arith.mulf %gather3A_369, %gather3A_373 : vector<16xf32>
        %add3A_379 = arith.addf %add3A_361, %mul3A_378 : vector<16xf32>
        %swap3A_380 = arith.constant 16 : i32
        %swap3A_381 = arith.index_cast %swap3A_380 : i32 to index
        %swap3A_382 = arith.index_cast %add3A_64 : i32 to index
        %swap3A_383 = tpu.vector_load %arg18[%swap3A_381, %swap3A_382] {strides = array<i32>} : memref<32x512xf32, #tpu.memory_space<vmem>>, vector<16xf32>,
        tpu.vector_store %arg18[%swap3A_381, %swap3A_382], %gather3A_377 {strides = array<i32>} : memref<32x512xf32, #tpu.memory_space<vmem>>, vector<16xf32>,
        %add3A_384 = arith.constant 17 : i32
        %add3A_385 = vector.broadcast %add3A_384 : i32 to vector<16xi32>
        %add3A_386 = arith.addi %shift_left3A_71, %add3A_385 : vector<16xi32>
        %gather3A_387 = tpu.vector_load_idx %arg15[%add3A_79, %add3A_386] : memref<64x128xf32, #tpu.memory_space<vmem>>[vector<16xi32>, vector<16xi32>], vector<16xf32>,
        %add3A_388 = arith.constant 17 : i32
        %add3A_389 = vector.broadcast %add3A_388 : i32 to vector<16xi32>
        %add3A_390 = arith.addi %shift_left3A_77, %add3A_389 : vector<16xi32>
        %gather3A_391 = tpu.vector_load_idx %arg16[%add3A_79, %add3A_390] : memref<64x128xf32, #tpu.memory_space<vmem>>[vector<16xi32>, vector<16xi32>], vector<16xf32>,
        %add3A_392 = arith.constant 17 : i32
        %add3A_393 = vector.broadcast %add3A_392 : i32 to vector<16xi32>
        %add3A_394 = arith.addi %shift_left3A_77, %add3A_393 : vector<16xi32>
        %gather3A_395 = tpu.vector_load_idx %arg17[%add3A_79, %add3A_394] : memref<64x128xf32, #tpu.memory_space<vmem>>[vector<16xi32>, vector<16xi32>], vector<16xf32>,
        %mul3A_396 = arith.mulf %gather3A_387, %gather3A_391 : vector<16xf32>
        %add3A_397 = arith.addf %add3A_379, %mul3A_396 : vector<16xf32>
        %swap3A_398 = arith.constant 17 : i32
        %swap3A_399 = arith.index_cast %swap3A_398 : i32 to index
        %swap3A_400 = arith.index_cast %add3A_64 : i32 to index
        %swap3A_401 = tpu.vector_load %arg18[%swap3A_399, %swap3A_400] {strides = array<i32>} : memref<32x512xf32, #tpu.memory_space<vmem>>, vector<16xf32>,
        tpu.vector_store %arg18[%swap3A_399, %swap3A_400], %gather3A_395 {strides = array<i32>} : memref<32x512xf32, #tpu.memory_space<vmem>>, vector<16xf32>,
        %add3A_402 = arith.constant 18 : i32
        %add3A_403 = vector.broadcast %add3A_402 : i32 to vector<16xi32>
        %add3A_404 = arith.addi %shift_left3A_71, %add3A_403 : vector<16xi32>
        %gather3A_405 = tpu.vector_load_idx %arg15[%add3A_79, %add3A_404] : memref<64x128xf32, #tpu.memory_space<vmem>>[vector<16xi32>, vector<16xi32>], vector<16xf32>,
        %add3A_406 = arith.constant 18 : i32
        %add3A_407 = vector.broadcast %add3A_406 : i32 to vector<16xi32>
        %add3A_408 = arith.addi %shift_left3A_77, %add3A_407 : vector<16xi32>
        %gather3A_409 = tpu.vector_load_idx %arg16[%add3A_79, %add3A_408] : memref<64x128xf32, #tpu.memory_space<vmem>>[vector<16xi32>, vector<16xi32>], vector<16xf32>,
        %add3A_410 = arith.constant 18 : i32
        %add3A_411 = vector.broadcast %add3A_410 : i32 to vector<16xi32>
        %add3A_412 = arith.addi %shift_left3A_77, %add3A_411 : vector<16xi32>
        %gather3A_413 = tpu.vector_load_idx %arg17[%add3A_79, %add3A_412] : memref<64x128xf32, #tpu.memory_space<vmem>>[vector<16xi32>, vector<16xi32>], vector<16xf32>,
        %mul3A_414 = arith.mulf %gather3A_405, %gather3A_409 : vector<16xf32>
        %add3A_415 = arith.addf %add3A_397, %mul3A_414 : vector<16xf32>
        %swap3A_416 = arith.constant 18 : i32
        %swap3A_417 = arith.index_cast %swap3A_416 : i32 to index
        %swap3A_418 = arith.index_cast %add3A_64 : i32 to index
        %swap3A_419 = tpu.vector_load %arg18[%swap3A_417, %swap3A_418] {strides = array<i32>} : memref<32x512xf32, #tpu.memory_space<vmem>>, vector<16xf32>,
        tpu.vector_store %arg18[%swap3A_417, %swap3A_418], %gather3A_413 {strides = array<i32>} : memref<32x512xf32, #tpu.memory_space<vmem>>, vector<16xf32>,
        %add3A_420 = arith.constant 19 : i32
        %add3A_421 = vector.broadcast %add3A_420 : i32 to vector<16xi32>
        %add3A_422 = arith.addi %shift_left3A_71, %add3A_421 : vector<16xi32>
        %gather3A_423 = tpu.vector_load_idx %arg15[%add3A_79, %add3A_422] : memref<64x128xf32, #tpu.memory_space<vmem>>[vector<16xi32>, vector<16xi32>], vector<16xf32>,
        %add3A_424 = arith.constant 19 : i32
        %add3A_425 = vector.broadcast %add3A_424 : i32 to vector<16xi32>
        %add3A_426 = arith.addi %shift_left3A_77, %add3A_425 : vector<16xi32>
        %gather3A_427 = tpu.vector_load_idx %arg16[%add3A_79, %add3A_426] : memref<64x128xf32, #tpu.memory_space<vmem>>[vector<16xi32>, vector<16xi32>], vector<16xf32>,
        %add3A_428 = arith.constant 19 : i32
        %add3A_429 = vector.broadcast %add3A_428 : i32 to vector<16xi32>
        %add3A_430 = arith.addi %shift_left3A_77, %add3A_429 : vector<16xi32>
        %gather3A_431 = tpu.vector_load_idx %arg17[%add3A_79, %add3A_430] : memref<64x128xf32, #tpu.memory_space<vmem>>[vector<16xi32>, vector<16xi32>], vector<16xf32>,
        %mul3A_432 = arith.mulf %gather3A_423, %gather3A_427 : vector<16xf32>
        %add3A_433 = arith.addf %add3A_415, %mul3A_432 : vector<16xf32>
        %swap3A_434 = arith.constant 19 : i32
        %swap3A_435 = arith.index_cast %swap3A_434 : i32 to index
        %swap3A_436 = arith.index_cast %add3A_64 : i32 to index
        %swap3A_437 = tpu.vector_load %arg18[%swap3A_435, %swap3A_436] {strides = array<i32>} : memref<32x512xf32, #tpu.memory_space<vmem>>, vector<16xf32>,
        tpu.vector_store %arg18[%swap3A_435, %swap3A_436], %gather3A_431 {strides = array<i32>} : memref<32x512xf32, #tpu.memory_space<vmem>>, vector<16xf32>,
        %add3A_438 = arith.constant 20 : i32
        %add3A_439 = vector.broadcast %add3A_438 : i32 to vector<16xi32>
        %add3A_440 = arith.addi %shift_left3A_71, %add3A_439 : vector<16xi32>
        %gather3A_441 = tpu.vector_load_idx %arg15[%add3A_79, %add3A_440] : memref<64x128xf32, #tpu.memory_space<vmem>>[vector<16xi32>, vector<16xi32>], vector<16xf32>,
        %add3A_442 = arith.constant 20 : i32
        %add3A_443 = vector.broadcast %add3A_442 : i32 to vector<16xi32>
        %add3A_444 = arith.addi %shift_left3A_77, %add3A_443 : vector<16xi32>
        %gather3A_445 = tpu.vector_load_idx %arg16[%add3A_79, %add3A_444] : memref<64x128xf32, #tpu.memory_space<vmem>>[vector<16xi32>, vector<16xi32>], vector<16xf32>,
        %add3A_446 = arith.constant 20 : i32
        %add3A_447 = vector.broadcast %add3A_446 : i32 to vector<16xi32>
        %add3A_448 = arith.addi %shift_left3A_77, %add3A_447 : vector<16xi32>
        %gather3A_449 = tpu.vector_load_idx %arg17[%add3A_79, %add3A_448] : memref<64x128xf32, #tpu.memory_space<vmem>>[vector<16xi32>, vector<16xi32>], vector<16xf32>,
        %mul3A_450 = arith.mulf %gather3A_441, %gather3A_445 : vector<16xf32>
        %add3A_451 = arith.addf %add3A_433, %mul3A_450 : vector<16xf32>
        %swap3A_452 = arith.constant 20 : i32
        %swap3A_453 = arith.index_cast %swap3A_452 : i32 to index
        %swap3A_454 = arith.index_cast %add3A_64 : i32 to index
        %swap3A_455 = tpu.vector_load %arg18[%swap3A_453, %swap3A_454] {strides = array<i32>} : memref<32x512xf32, #tpu.memory_space<vmem>>, vector<16xf32>,
        tpu.vector_store %arg18[%swap3A_453, %swap3A_454], %gather3A_449 {strides = array<i32>} : memref<32x512xf32, #tpu.memory_space<vmem>>, vector<16xf32>,
        %add3A_456 = arith.constant 21 : i32
        %add3A_457 = vector.broadcast %add3A_456 : i32 to vector<16xi32>
        %add3A_458 = arith.addi %shift_left3A_71, %add3A_457 : vector<16xi32>
        %gather3A_459 = tpu.vector_load_idx %arg15[%add3A_79, %add3A_458] : memref<64x128xf32, #tpu.memory_space<vmem>>[vector<16xi32>, vector<16xi32>], vector<16xf32>,
        %add3A_460 = arith.constant 21 : i32
        %add3A_461 = vector.broadcast %add3A_460 : i32 to vector<16xi32>
        %add3A_462 = arith.addi %shift_left3A_77, %add3A_461 : vector<16xi32>
        %gather3A_463 = tpu.vector_load_idx %arg16[%add3A_79, %add3A_462] : memref<64x128xf32, #tpu.memory_space<vmem>>[vector<16xi32>, vector<16xi32>], vector<16xf32>,
        %add3A_464 = arith.constant 21 : i32
        %add3A_465 = vector.broadcast %add3A_464 : i32 to vector<16xi32>
        %add3A_466 = arith.addi %shift_left3A_77, %add3A_465 : vector<16xi32>
        %gather3A_467 = tpu.vector_load_idx %arg17[%add3A_79, %add3A_466] : memref<64x128xf32, #tpu.memory_space<vmem>>[vector<16xi32>, vector<16xi32>], vector<16xf32>,
        %mul3A_468 = arith.mulf %gather3A_459, %gather3A_463 : vector<16xf32>
        %add3A_469 = arith.addf %add3A_451, %mul3A_468 : vector<16xf32>
        %swap3A_470 = arith.constant 21 : i32
        %swap3A_471 = arith.index_cast %swap3A_470 : i32 to index
        %swap3A_472 = arith.index_cast %add3A_64 : i32 to index
        %swap3A_473 = tpu.vector_load %arg18[%swap3A_471, %swap3A_472] {strides = array<i32>} : memref<32x512xf32, #tpu.memory_space<vmem>>, vector<16xf32>,
        tpu.vector_store %arg18[%swap3A_471, %swap3A_472], %gather3A_467 {strides = array<i32>} : memref<32x512xf32, #tpu.memory_space<vmem>>, vector<16xf32>,
        %add3A_474 = arith.constant 22 : i32
        %add3A_475 = vector.broadcast %add3A_474 : i32 to vector<16xi32>
        %add3A_476 = arith.addi %shift_left3A_71, %add3A_475 : vector<16xi32>
        %gather3A_477 = tpu.vector_load_idx %arg15[%add3A_79, %add3A_476] : memref<64x128xf32, #tpu.memory_space<vmem>>[vector<16xi32>, vector<16xi32>], vector<16xf32>,
        %add3A_478 = arith.constant 22 : i32
        %add3A_479 = vector.broadcast %add3A_478 : i32 to vector<16xi32>
        %add3A_480 = arith.addi %shift_left3A_77, %add3A_479 : vector<16xi32>
        %gather3A_481 = tpu.vector_load_idx %arg16[%add3A_79, %add3A_480] : memref<64x128xf32, #tpu.memory_space<vmem>>[vector<16xi32>, vector<16xi32>], vector<16xf32>,
        %add3A_482 = arith.constant 22 : i32
        %add3A_483 = vector.broadcast %add3A_482 : i32 to vector<16xi32>
        %add3A_484 = arith.addi %shift_left3A_77, %add3A_483 : vector<16xi32>
        %gather3A_485 = tpu.vector_load_idx %arg17[%add3A_79, %add3A_484] : memref<64x128xf32, #tpu.memory_space<vmem>>[vector<16xi32>, vector<16xi32>], vector<16xf32>,
        %mul3A_486 = arith.mulf %gather3A_477, %gather3A_481 : vector<16xf32>
        %add3A_487 = arith.addf %add3A_469, %mul3A_486 : vector<16xf32>
        %swap3A_488 = arith.constant 22 : i32
        %swap3A_489 = arith.index_cast %swap3A_488 : i32 to index
        %swap3A_490 = arith.index_cast %add3A_64 : i32 to index
        %swap3A_491 = tpu.vector_load %arg18[%swap3A_489, %swap3A_490] {strides = array<i32>} : memref<32x512xf32, #tpu.memory_space<vmem>>, vector<16xf32>,
        tpu.vector_store %arg18[%swap3A_489, %swap3A_490], %gather3A_485 {strides = array<i32>} : memref<32x512xf32, #tpu.memory_space<vmem>>, vector<16xf32>,
        %add3A_492 = arith.constant 23 : i32
        %add3A_493 = vector.broadcast %add3A_492 : i32 to vector<16xi32>
        %add3A_494 = arith.addi %shift_left3A_71, %add3A_493 : vector<16xi32>
        %gather3A_495 = tpu.vector_load_idx %arg15[%add3A_79, %add3A_494] : memref<64x128xf32, #tpu.memory_space<vmem>>[vector<16xi32>, vector<16xi32>], vector<16xf32>,
        %add3A_496 = arith.constant 23 : i32
        %add3A_497 = vector.broadcast %add3A_496 : i32 to vector<16xi32>
        %add3A_498 = arith.addi %shift_left3A_77, %add3A_497 : vector<16xi32>
        %gather3A_499 = tpu.vector_load_idx %arg16[%add3A_79, %add3A_498] : memref<64x128xf32, #tpu.memory_space<vmem>>[vector<16xi32>, vector<16xi32>], vector<16xf32>,
        %add3A_500 = arith.constant 23 : i32
        %add3A_501 = vector.broadcast %add3A_500 : i32 to vector<16xi32>
        %add3A_502 = arith.addi %shift_left3A_77, %add3A_501 : vector<16xi32>
        %gather3A_503 = tpu.vector_load_idx %arg17[%add3A_79, %add3A_502] : memref<64x128xf32, #tpu.memory_space<vmem>>[vector<16xi32>, vector<16xi32>], vector<16xf32>,
        %mul3A_504 = arith.mulf %gather3A_495, %gather3A_499 : vector<16xf32>
        %add3A_505 = arith.addf %add3A_487, %mul3A_504 : vector<16xf32>
        %swap3A_506 = arith.constant 23 : i32
        %swap3A_507 = arith.index_cast %swap3A_506 : i32 to index
        %swap3A_508 = arith.index_cast %add3A_64 : i32 to index
        %swap3A_509 = tpu.vector_load %arg18[%swap3A_507, %swap3A_508] {strides = array<i32>} : memref<32x512xf32, #tpu.memory_space<vmem>>, vector<16xf32>,
        tpu.vector_store %arg18[%swap3A_507, %swap3A_508], %gather3A_503 {strides = array<i32>} : memref<32x512xf32, #tpu.memory_space<vmem>>, vector<16xf32>,
        %add3A_510 = arith.constant 24 : i32
        %add3A_511 = vector.broadcast %add3A_510 : i32 to vector<16xi32>
        %add3A_512 = arith.addi %shift_left3A_71, %add3A_511 : vector<16xi32>
        %gather3A_513 = tpu.vector_load_idx %arg15[%add3A_79, %add3A_512] : memref<64x128xf32, #tpu.memory_space<vmem>>[vector<16xi32>, vector<16xi32>], vector<16xf32>,
        %add3A_514 = arith.constant 24 : i32
        %add3A_515 = vector.broadcast %add3A_514 : i32 to vector<16xi32>
        %add3A_516 = arith.addi %shift_left3A_77, %add3A_515 : vector<16xi32>
        %gather3A_517 = tpu.vector_load_idx %arg16[%add3A_79, %add3A_516] : memref<64x128xf32, #tpu.memory_space<vmem>>[vector<16xi32>, vector<16xi32>], vector<16xf32>,
        %add3A_518 = arith.constant 24 : i32
        %add3A_519 = vector.broadcast %add3A_518 : i32 to vector<16xi32>
        %add3A_520 = arith.addi %shift_left3A_77, %add3A_519 : vector<16xi32>
        %gather3A_521 = tpu.vector_load_idx %arg17[%add3A_79, %add3A_520] : memref<64x128xf32, #tpu.memory_space<vmem>>[vector<16xi32>, vector<16xi32>], vector<16xf32>,
        %mul3A_522 = arith.mulf %gather3A_513, %gather3A_517 : vector<16xf32>
        %add3A_523 = arith.addf %add3A_505, %mul3A_522 : vector<16xf32>
        %swap3A_524 = arith.constant 24 : i32
        %swap3A_525 = arith.index_cast %swap3A_524 : i32 to index
        %swap3A_526 = arith.index_cast %add3A_64 : i32 to index
        %swap3A_527 = tpu.vector_load %arg18[%swap3A_525, %swap3A_526] {strides = array<i32>} : memref<32x512xf32, #tpu.memory_space<vmem>>, vector<16xf32>,
        tpu.vector_store %arg18[%swap3A_525, %swap3A_526], %gather3A_521 {strides = array<i32>} : memref<32x512xf32, #tpu.memory_space<vmem>>, vector<16xf32>,
        %add3A_528 = arith.constant 25 : i32
        %add3A_529 = vector.broadcast %add3A_528 : i32 to vector<16xi32>
        %add3A_530 = arith.addi %shift_left3A_71, %add3A_529 : vector<16xi32>
        %gather3A_531 = tpu.vector_load_idx %arg15[%add3A_79, %add3A_530] : memref<64x128xf32, #tpu.memory_space<vmem>>[vector<16xi32>, vector<16xi32>], vector<16xf32>,
        %add3A_532 = arith.constant 25 : i32
        %add3A_533 = vector.broadcast %add3A_532 : i32 to vector<16xi32>
        %add3A_534 = arith.addi %shift_left3A_77, %add3A_533 : vector<16xi32>
        %gather3A_535 = tpu.vector_load_idx %arg16[%add3A_79, %add3A_534] : memref<64x128xf32, #tpu.memory_space<vmem>>[vector<16xi32>, vector<16xi32>], vector<16xf32>,
        %add3A_536 = arith.constant 25 : i32
        %add3A_537 = vector.broadcast %add3A_536 : i32 to vector<16xi32>
        %add3A_538 = arith.addi %shift_left3A_77, %add3A_537 : vector<16xi32>
        %gather3A_539 = tpu.vector_load_idx %arg17[%add3A_79, %add3A_538] : memref<64x128xf32, #tpu.memory_space<vmem>>[vector<16xi32>, vector<16xi32>], vector<16xf32>,
        %mul3A_540 = arith.mulf %gather3A_531, %gather3A_535 : vector<16xf32>
        %add3A_541 = arith.addf %add3A_523, %mul3A_540 : vector<16xf32>
        %swap3A_542 = arith.constant 25 : i32
        %swap3A_543 = arith.index_cast %swap3A_542 : i32 to index
        %swap3A_544 = arith.index_cast %add3A_64 : i32 to index
        %swap3A_545 = tpu.vector_load %arg18[%swap3A_543, %swap3A_544] {strides = array<i32>} : memref<32x512xf32, #tpu.memory_space<vmem>>, vector<16xf32>,
        tpu.vector_store %arg18[%swap3A_543, %swap3A_544], %gather3A_539 {strides = array<i32>} : memref<32x512xf32, #tpu.memory_space<vmem>>, vector<16xf32>,
        %add3A_546 = arith.constant 26 : i32
        %add3A_547 = vector.broadcast %add3A_546 : i32 to vector<16xi32>
        %add3A_548 = arith.addi %shift_left3A_71, %add3A_547 : vector<16xi32>
        %gather3A_549 = tpu.vector_load_idx %arg15[%add3A_79, %add3A_548] : memref<64x128xf32, #tpu.memory_space<vmem>>[vector<16xi32>, vector<16xi32>], vector<16xf32>,
        %add3A_550 = arith.constant 26 : i32
        %add3A_551 = vector.broadcast %add3A_550 : i32 to vector<16xi32>
        %add3A_552 = arith.addi %shift_left3A_77, %add3A_551 : vector<16xi32>
        %gather3A_553 = tpu.vector_load_idx %arg16[%add3A_79, %add3A_552] : memref<64x128xf32, #tpu.memory_space<vmem>>[vector<16xi32>, vector<16xi32>], vector<16xf32>,
        %add3A_554 = arith.constant 26 : i32
        %add3A_555 = vector.broadcast %add3A_554 : i32 to vector<16xi32>
        %add3A_556 = arith.addi %shift_left3A_77, %add3A_555 : vector<16xi32>
        %gather3A_557 = tpu.vector_load_idx %arg17[%add3A_79, %add3A_556] : memref<64x128xf32, #tpu.memory_space<vmem>>[vector<16xi32>, vector<16xi32>], vector<16xf32>,
        %mul3A_558 = arith.mulf %gather3A_549, %gather3A_553 : vector<16xf32>
        %add3A_559 = arith.addf %add3A_541, %mul3A_558 : vector<16xf32>
        %swap3A_560 = arith.constant 26 : i32
        %swap3A_561 = arith.index_cast %swap3A_560 : i32 to index
        %swap3A_562 = arith.index_cast %add3A_64 : i32 to index
        %swap3A_563 = tpu.vector_load %arg18[%swap3A_561, %swap3A_562] {strides = array<i32>} : memref<32x512xf32, #tpu.memory_space<vmem>>, vector<16xf32>,
        tpu.vector_store %arg18[%swap3A_561, %swap3A_562], %gather3A_557 {strides = array<i32>} : memref<32x512xf32, #tpu.memory_space<vmem>>, vector<16xf32>,
        %add3A_564 = arith.constant 27 : i32
        %add3A_565 = vector.broadcast %add3A_564 : i32 to vector<16xi32>
        %add3A_566 = arith.addi %shift_left3A_71, %add3A_565 : vector<16xi32>
        %gather3A_567 = tpu.vector_load_idx %arg15[%add3A_79, %add3A_566] : memref<64x128xf32, #tpu.memory_space<vmem>>[vector<16xi32>, vector<16xi32>], vector<16xf32>,
        %add3A_568 = arith.constant 27 : i32
        %add3A_569 = vector.broadcast %add3A_568 : i32 to vector<16xi32>
        %add3A_570 = arith.addi %shift_left3A_77, %add3A_569 : vector<16xi32>
        %gather3A_571 = tpu.vector_load_idx %arg16[%add3A_79, %add3A_570] : memref<64x128xf32, #tpu.memory_space<vmem>>[vector<16xi32>, vector<16xi32>], vector<16xf32>,
        %add3A_572 = arith.constant 27 : i32
        %add3A_573 = vector.broadcast %add3A_572 : i32 to vector<16xi32>
        %add3A_574 = arith.addi %shift_left3A_77, %add3A_573 : vector<16xi32>
        %gather3A_575 = tpu.vector_load_idx %arg17[%add3A_79, %add3A_574] : memref<64x128xf32, #tpu.memory_space<vmem>>[vector<16xi32>, vector<16xi32>], vector<16xf32>,
        %mul3A_576 = arith.mulf %gather3A_567, %gather3A_571 : vector<16xf32>
        %add3A_577 = arith.addf %add3A_559, %mul3A_576 : vector<16xf32>
        %swap3A_578 = arith.constant 27 : i32
        %swap3A_579 = arith.index_cast %swap3A_578 : i32 to index
        %swap3A_580 = arith.index_cast %add3A_64 : i32 to index
        %swap3A_581 = tpu.vector_load %arg18[%swap3A_579, %swap3A_580] {strides = array<i32>} : memref<32x512xf32, #tpu.memory_space<vmem>>, vector<16xf32>,
        tpu.vector_store %arg18[%swap3A_579, %swap3A_580], %gather3A_575 {strides = array<i32>} : memref<32x512xf32, #tpu.memory_space<vmem>>, vector<16xf32>,
        %add3A_582 = arith.constant 28 : i32
        %add3A_583 = vector.broadcast %add3A_582 : i32 to vector<16xi32>
        %add3A_584 = arith.addi %shift_left3A_71, %add3A_583 : vector<16xi32>
        %gather3A_585 = tpu.vector_load_idx %arg15[%add3A_79, %add3A_584] : memref<64x128xf32, #tpu.memory_space<vmem>>[vector<16xi32>, vector<16xi32>], vector<16xf32>,
        %add3A_586 = arith.constant 28 : i32
        %add3A_587 = vector.broadcast %add3A_586 : i32 to vector<16xi32>
        %add3A_588 = arith.addi %shift_left3A_77, %add3A_587 : vector<16xi32>
        %gather3A_589 = tpu.vector_load_idx %arg16[%add3A_79, %add3A_588] : memref<64x128xf32, #tpu.memory_space<vmem>>[vector<16xi32>, vector<16xi32>], vector<16xf32>,
        %add3A_590 = arith.constant 28 : i32
        %add3A_591 = vector.broadcast %add3A_590 : i32 to vector<16xi32>
        %add3A_592 = arith.addi %shift_left3A_77, %add3A_591 : vector<16xi32>
        %gather3A_593 = tpu.vector_load_idx %arg17[%add3A_79, %add3A_592] : memref<64x128xf32, #tpu.memory_space<vmem>>[vector<16xi32>, vector<16xi32>], vector<16xf32>,
        %mul3A_594 = arith.mulf %gather3A_585, %gather3A_589 : vector<16xf32>
        %add3A_595 = arith.addf %add3A_577, %mul3A_594 : vector<16xf32>
        %swap3A_596 = arith.constant 28 : i32
        %swap3A_597 = arith.index_cast %swap3A_596 : i32 to index
        %swap3A_598 = arith.index_cast %add3A_64 : i32 to index
        %swap3A_599 = tpu.vector_load %arg18[%swap3A_597, %swap3A_598] {strides = array<i32>} : memref<32x512xf32, #tpu.memory_space<vmem>>, vector<16xf32>,
        tpu.vector_store %arg18[%swap3A_597, %swap3A_598], %gather3A_593 {strides = array<i32>} : memref<32x512xf32, #tpu.memory_space<vmem>>, vector<16xf32>,
        %add3A_600 = arith.constant 29 : i32
        %add3A_601 = vector.broadcast %add3A_600 : i32 to vector<16xi32>
        %add3A_602 = arith.addi %shift_left3A_71, %add3A_601 : vector<16xi32>
        %gather3A_603 = tpu.vector_load_idx %arg15[%add3A_79, %add3A_602] : memref<64x128xf32, #tpu.memory_space<vmem>>[vector<16xi32>, vector<16xi32>], vector<16xf32>,
        %add3A_604 = arith.constant 29 : i32
        %add3A_605 = vector.broadcast %add3A_604 : i32 to vector<16xi32>
        %add3A_606 = arith.addi %shift_left3A_77, %add3A_605 : vector<16xi32>
        %gather3A_607 = tpu.vector_load_idx %arg16[%add3A_79, %add3A_606] : memref<64x128xf32, #tpu.memory_space<vmem>>[vector<16xi32>, vector<16xi32>], vector<16xf32>,
        %add3A_608 = arith.constant 29 : i32
        %add3A_609 = vector.broadcast %add3A_608 : i32 to vector<16xi32>
        %add3A_610 = arith.addi %shift_left3A_77, %add3A_609 : vector<16xi32>
        %gather3A_611 = tpu.vector_load_idx %arg17[%add3A_79, %add3A_610] : memref<64x128xf32, #tpu.memory_space<vmem>>[vector<16xi32>, vector<16xi32>], vector<16xf32>,
        %mul3A_612 = arith.mulf %gather3A_603, %gather3A_607 : vector<16xf32>
        %add3A_613 = arith.addf %add3A_595, %mul3A_612 : vector<16xf32>
        %swap3A_614 = arith.constant 29 : i32
        %swap3A_615 = arith.index_cast %swap3A_614 : i32 to index
        %swap3A_616 = arith.index_cast %add3A_64 : i32 to index
        %swap3A_617 = tpu.vector_load %arg18[%swap3A_615, %swap3A_616] {strides = array<i32>} : memref<32x512xf32, #tpu.memory_space<vmem>>, vector<16xf32>,
        tpu.vector_store %arg18[%swap3A_615, %swap3A_616], %gather3A_611 {strides = array<i32>} : memref<32x512xf32, #tpu.memory_space<vmem>>, vector<16xf32>,
        %add3A_618 = arith.constant 30 : i32
        %add3A_619 = vector.broadcast %add3A_618 : i32 to vector<16xi32>
        %add3A_620 = arith.addi %shift_left3A_71, %add3A_619 : vector<16xi32>
        %gather3A_621 = tpu.vector_load_idx %arg15[%add3A_79, %add3A_620] : memref<64x128xf32, #tpu.memory_space<vmem>>[vector<16xi32>, vector<16xi32>], vector<16xf32>,
        %add3A_622 = arith.constant 30 : i32
        %add3A_623 = vector.broadcast %add3A_622 : i32 to vector<16xi32>
        %add3A_624 = arith.addi %shift_left3A_77, %add3A_623 : vector<16xi32>
        %gather3A_625 = tpu.vector_load_idx %arg16[%add3A_79, %add3A_624] : memref<64x128xf32, #tpu.memory_space<vmem>>[vector<16xi32>, vector<16xi32>], vector<16xf32>,
        %add3A_626 = arith.constant 30 : i32
        %add3A_627 = vector.broadcast %add3A_626 : i32 to vector<16xi32>
        %add3A_628 = arith.addi %shift_left3A_77, %add3A_627 : vector<16xi32>
        %gather3A_629 = tpu.vector_load_idx %arg17[%add3A_79, %add3A_628] : memref<64x128xf32, #tpu.memory_space<vmem>>[vector<16xi32>, vector<16xi32>], vector<16xf32>,
        %mul3A_630 = arith.mulf %gather3A_621, %gather3A_625 : vector<16xf32>
        %add3A_631 = arith.addf %add3A_613, %mul3A_630 : vector<16xf32>
        %swap3A_632 = arith.constant 30 : i32
        %swap3A_633 = arith.index_cast %swap3A_632 : i32 to index
        %swap3A_634 = arith.index_cast %add3A_64 : i32 to index
        %swap3A_635 = tpu.vector_load %arg18[%swap3A_633, %swap3A_634] {strides = array<i32>} : memref<32x512xf32, #tpu.memory_space<vmem>>, vector<16xf32>,
        tpu.vector_store %arg18[%swap3A_633, %swap3A_634], %gather3A_629 {strides = array<i32>} : memref<32x512xf32, #tpu.memory_space<vmem>>, vector<16xf32>,
        %add3A_636 = arith.constant 31 : i32
        %add3A_637 = vector.broadcast %add3A_636 : i32 to vector<16xi32>
        %add3A_638 = arith.addi %shift_left3A_71, %add3A_637 : vector<16xi32>
        %gather3A_639 = tpu.vector_load_idx %arg15[%add3A_79, %add3A_638] : memref<64x128xf32, #tpu.memory_space<vmem>>[vector<16xi32>, vector<16xi32>], vector<16xf32>,
        %add3A_640 = arith.constant 31 : i32
        %add3A_641 = vector.broadcast %add3A_640 : i32 to vector<16xi32>
        %add3A_642 = arith.addi %shift_left3A_77, %add3A_641 : vector<16xi32>
        %gather3A_643 = tpu.vector_load_idx %arg16[%add3A_79, %add3A_642] : memref<64x128xf32, #tpu.memory_space<vmem>>[vector<16xi32>, vector<16xi32>], vector<16xf32>,
        %add3A_644 = arith.constant 31 : i32
        %add3A_645 = vector.broadcast %add3A_644 : i32 to vector<16xi32>
        %add3A_646 = arith.addi %shift_left3A_77, %add3A_645 : vector<16xi32>
        %gather3A_647 = tpu.vector_load_idx %arg17[%add3A_79, %add3A_646] : memref<64x128xf32, #tpu.memory_space<vmem>>[vector<16xi32>, vector<16xi32>], vector<16xf32>,
        %mul3A_648 = arith.mulf %gather3A_639, %gather3A_643 : vector<16xf32>
        %add3A_649 = arith.addf %add3A_631, %mul3A_648 : vector<16xf32>
        %swap3A_650 = arith.constant 31 : i32
        %swap3A_651 = arith.index_cast %swap3A_650 : i32 to index
        %swap3A_652 = arith.index_cast %add3A_64 : i32 to index
        %swap3A_653 = tpu.vector_load %arg18[%swap3A_651, %swap3A_652] {strides = array<i32>} : memref<32x512xf32, #tpu.memory_space<vmem>>, vector<16xf32>,
        tpu.vector_store %arg18[%swap3A_651, %swap3A_652], %gather3A_647 {strides = array<i32>} : memref<32x512xf32, #tpu.memory_space<vmem>>, vector<16xf32>,
        %swap3A_654 = arith.index_cast %add3A_64 : i32 to index
        %swap3A_655 = tpu.vector_load %arg20[%swap3A_654] {strides = array<i32>} : memref<512xf32, #tpu.memory_space<vmem>>, vector<16xf32>,
        tpu.vector_store %arg20[%swap3A_654], %add3A_649 {strides = array<i32>} : memref<512xf32, #tpu.memory_space<vmem>>, vector<16xf32>,
      }
      %scan3A_59 = arith.constant 4 : i32
    }
    %scan3A_16 = arith.constant 8 : i32
    %scan3A_17 = arith.constant 0 : i32
    %scan3A_18 = arith.constant 0 : i32
    %scan3A_19 = arith.constant 32 : i32
    %scan3A_20 = arith.addi %scan3A_18, %scan3A_19 : i32
    %scan3A_21 = arith.constant 1 : i32
    scf.for %scan3A_23 = %scan3A_18 to %scan3A_20 step %scan3A_21  : i32 {
      %mul3A_24 = arith.constant 16 : i32
      %mul3A_25 = arith.muli %scan3A_23, %mul3A_24 : i32
      %multiple_of3A = tpu.assume_multiple %mul3A_25, 16 : i32
      %add3A_26 = vector.broadcast %multiple_of3A : i32 to vector<16xi32>
      %add3A_27 = arith.addi %add3A_26, %iota3A : vector<16xi32>
      %shift_left3A = arith.constant 5 : i32
      %shift_left3A_28 = vector.broadcast %shift_left3A : i32 to vector<16xi32>
      %shift_left3A_29 = arith.shli %add3A_27, %shift_left3A_28 : vector<16xi32>
      %add3A_30 = arith.constant 0 : i32
      %add3A_31 = vector.broadcast %add3A_30 : i32 to vector<16xi32>
      %add3A_32 = arith.addi %shift_left3A_29, %add3A_31 : vector<16xi32>
      %shift_right_logical3A = arith.constant 7 : i32
      %shift_right_logical3A_33 = vector.broadcast %shift_right_logical3A : i32 to vector<16xi32>
      %shift_right_logical3A_34 = arith.shrui %add3A_32, %shift_right_logical3A_33 : vector<16xi32>
      %and3A = arith.constant 127 : i32
      %and3A_35 = vector.broadcast %and3A : i32 to vector<16xi32>
      %and3A_36 = arith.andi %add3A_32, %and3A_35 : vector<16xi32>
      %gather3A = tpu.vector_load_idx %arg19[%shift_right_logical3A_34, %and3A_36] : memref<128x128xf32, #tpu.memory_space<vmem>>[vector<16xi32>, vector<16xi32>], vector<16xf32>,
      %get3A = arith.constant 0 : i32
      %get3A_37 = arith.index_cast %get3A : i32 to index
      %get3A_38 = arith.index_cast %multiple_of3A : i32 to index
      %get3A_39 = tpu.vector_load %arg18[%get3A_37, %get3A_38] {strides = array<i32>} : memref<32x512xf32, #tpu.memory_space<vmem>>, vector<16xf32>,
      %mul3A_40 = arith.mulf %gather3A, %get3A_39 : vector<16xf32>
      %add3A_41 = arith.addf %broadcast_in_dim3A_5, %mul3A_40 : vector<16xf32>
      %add3A_42 = arith.constant 1 : i32
      %add3A_43 = vector.broadcast %add3A_42 : i32 to vector<16xi32>
      %add3A_44 = arith.addi %shift_left3A_29, %add3A_43 : vector<16xi32>
      %shift_right_logical3A_45 = arith.constant 7 : i32
      %shift_right_logical3A_46 = vector.broadcast %shift_right_logical3A_45 : i32 to vector<16xi32>
      %shift_right_logical3A_47 = arith.shrui %add3A_44, %shift_right_logical3A_46 : vector<16xi32>
      %and3A_48 = arith.constant 127 : i32
      %and3A_49 = vector.broadcast %and3A_48 : i32 to vector<16xi32>
      %and3A_50 = arith.andi %add3A_44, %and3A_49 : vector<16xi32>
      %gather3A_51 = tpu.vector_load_idx %arg19[%shift_right_logical3A_47, %and3A_50] : memref<128x128xf32, #tpu.memory_space<vmem>>[vector<16xi32>, vector<16xi32>], vector<16xf32>,
      %get3A_52 = arith.constant 1 : i32
      %get3A_53 = arith.index_cast %get3A_52 : i32 to index
      %get3A_54 = arith.index_cast %multiple_of3A : i32 to index
      %get3A_55 = tpu.vector_load %arg18[%get3A_53, %get3A_54] {strides = array<i32>} : memref<32x512xf32, #tpu.memory_space<vmem>>, vector<16xf32>,
      %mul3A_56 = arith.mulf %gather3A_51, %get3A_55 : vector<16xf32>
      %add3A_57 = arith.addf %add3A_41, %mul3A_56 : vector<16xf32>
      %add3A_58 = arith.constant 2 : i32
      %add3A_59 = vector.broadcast %add3A_58 : i32 to vector<16xi32>
      %add3A_60 = arith.addi %shift_left3A_29, %add3A_59 : vector<16xi32>
      %shift_right_logical3A_61 = arith.constant 7 : i32
      %shift_right_logical3A_62 = vector.broadcast %shift_right_logical3A_61 : i32 to vector<16xi32>
      %shift_right_logical3A_63 = arith.shrui %add3A_60, %shift_right_logical3A_62 : vector<16xi32>
      %and3A_64 = arith.constant 127 : i32
      %and3A_65 = vector.broadcast %and3A_64 : i32 to vector<16xi32>
      %and3A_66 = arith.andi %add3A_60, %and3A_65 : vector<16xi32>
      %gather3A_67 = tpu.vector_load_idx %arg19[%shift_right_logical3A_63, %and3A_66] : memref<128x128xf32, #tpu.memory_space<vmem>>[vector<16xi32>, vector<16xi32>], vector<16xf32>,
      %get3A_68 = arith.constant 2 : i32
      %get3A_69 = arith.index_cast %get3A_68 : i32 to index
      %get3A_70 = arith.index_cast %multiple_of3A : i32 to index
      %get3A_71 = tpu.vector_load %arg18[%get3A_69, %get3A_70] {strides = array<i32>} : memref<32x512xf32, #tpu.memory_space<vmem>>, vector<16xf32>,
      %mul3A_72 = arith.mulf %gather3A_67, %get3A_71 : vector<16xf32>
      %add3A_73 = arith.addf %add3A_57, %mul3A_72 : vector<16xf32>
      %add3A_74 = arith.constant 3 : i32
      %add3A_75 = vector.broadcast %add3A_74 : i32 to vector<16xi32>
      %add3A_76 = arith.addi %shift_left3A_29, %add3A_75 : vector<16xi32>
      %shift_right_logical3A_77 = arith.constant 7 : i32
      %shift_right_logical3A_78 = vector.broadcast %shift_right_logical3A_77 : i32 to vector<16xi32>
      %shift_right_logical3A_79 = arith.shrui %add3A_76, %shift_right_logical3A_78 : vector<16xi32>
      %and3A_80 = arith.constant 127 : i32
      %and3A_81 = vector.broadcast %and3A_80 : i32 to vector<16xi32>
      %and3A_82 = arith.andi %add3A_76, %and3A_81 : vector<16xi32>
      %gather3A_83 = tpu.vector_load_idx %arg19[%shift_right_logical3A_79, %and3A_82] : memref<128x128xf32, #tpu.memory_space<vmem>>[vector<16xi32>, vector<16xi32>], vector<16xf32>,
      %get3A_84 = arith.constant 3 : i32
      %get3A_85 = arith.index_cast %get3A_84 : i32 to index
      %get3A_86 = arith.index_cast %multiple_of3A : i32 to index
      %get3A_87 = tpu.vector_load %arg18[%get3A_85, %get3A_86] {strides = array<i32>} : memref<32x512xf32, #tpu.memory_space<vmem>>, vector<16xf32>,
      %mul3A_88 = arith.mulf %gather3A_83, %get3A_87 : vector<16xf32>
      %add3A_89 = arith.addf %add3A_73, %mul3A_88 : vector<16xf32>
      %add3A_90 = arith.constant 4 : i32
      %add3A_91 = vector.broadcast %add3A_90 : i32 to vector<16xi32>
      %add3A_92 = arith.addi %shift_left3A_29, %add3A_91 : vector<16xi32>
      %shift_right_logical3A_93 = arith.constant 7 : i32
      %shift_right_logical3A_94 = vector.broadcast %shift_right_logical3A_93 : i32 to vector<16xi32>
      %shift_right_logical3A_95 = arith.shrui %add3A_92, %shift_right_logical3A_94 : vector<16xi32>
      %and3A_96 = arith.constant 127 : i32
      %and3A_97 = vector.broadcast %and3A_96 : i32 to vector<16xi32>
      %and3A_98 = arith.andi %add3A_92, %and3A_97 : vector<16xi32>
      %gather3A_99 = tpu.vector_load_idx %arg19[%shift_right_logical3A_95, %and3A_98] : memref<128x128xf32, #tpu.memory_space<vmem>>[vector<16xi32>, vector<16xi32>], vector<16xf32>,
      %get3A_100 = arith.constant 4 : i32
      %get3A_101 = arith.index_cast %get3A_100 : i32 to index
      %get3A_102 = arith.index_cast %multiple_of3A : i32 to index
      %get3A_103 = tpu.vector_load %arg18[%get3A_101, %get3A_102] {strides = array<i32>} : memref<32x512xf32, #tpu.memory_space<vmem>>, vector<16xf32>,
      %mul3A_104 = arith.mulf %gather3A_99, %get3A_103 : vector<16xf32>
      %add3A_105 = arith.addf %add3A_89, %mul3A_104 : vector<16xf32>
      %add3A_106 = arith.constant 5 : i32
      %add3A_107 = vector.broadcast %add3A_106 : i32 to vector<16xi32>
      %add3A_108 = arith.addi %shift_left3A_29, %add3A_107 : vector<16xi32>
      %shift_right_logical3A_109 = arith.constant 7 : i32
      %shift_right_logical3A_110 = vector.broadcast %shift_right_logical3A_109 : i32 to vector<16xi32>
      %shift_right_logical3A_111 = arith.shrui %add3A_108, %shift_right_logical3A_110 : vector<16xi32>
      %and3A_112 = arith.constant 127 : i32
      %and3A_113 = vector.broadcast %and3A_112 : i32 to vector<16xi32>
      %and3A_114 = arith.andi %add3A_108, %and3A_113 : vector<16xi32>
      %gather3A_115 = tpu.vector_load_idx %arg19[%shift_right_logical3A_111, %and3A_114] : memref<128x128xf32, #tpu.memory_space<vmem>>[vector<16xi32>, vector<16xi32>], vector<16xf32>,
      %get3A_116 = arith.constant 5 : i32
      %get3A_117 = arith.index_cast %get3A_116 : i32 to index
      %get3A_118 = arith.index_cast %multiple_of3A : i32 to index
      %get3A_119 = tpu.vector_load %arg18[%get3A_117, %get3A_118] {strides = array<i32>} : memref<32x512xf32, #tpu.memory_space<vmem>>, vector<16xf32>,
      %mul3A_120 = arith.mulf %gather3A_115, %get3A_119 : vector<16xf32>
      %add3A_121 = arith.addf %add3A_105, %mul3A_120 : vector<16xf32>
      %add3A_122 = arith.constant 6 : i32
      %add3A_123 = vector.broadcast %add3A_122 : i32 to vector<16xi32>
      %add3A_124 = arith.addi %shift_left3A_29, %add3A_123 : vector<16xi32>
      %shift_right_logical3A_125 = arith.constant 7 : i32
      %shift_right_logical3A_126 = vector.broadcast %shift_right_logical3A_125 : i32 to vector<16xi32>
      %shift_right_logical3A_127 = arith.shrui %add3A_124, %shift_right_logical3A_126 : vector<16xi32>
      %and3A_128 = arith.constant 127 : i32
      %and3A_129 = vector.broadcast %and3A_128 : i32 to vector<16xi32>
      %and3A_130 = arith.andi %add3A_124, %and3A_129 : vector<16xi32>
      %gather3A_131 = tpu.vector_load_idx %arg19[%shift_right_logical3A_127, %and3A_130] : memref<128x128xf32, #tpu.memory_space<vmem>>[vector<16xi32>, vector<16xi32>], vector<16xf32>,
      %get3A_132 = arith.constant 6 : i32
      %get3A_133 = arith.index_cast %get3A_132 : i32 to index
      %get3A_134 = arith.index_cast %multiple_of3A : i32 to index
      %get3A_135 = tpu.vector_load %arg18[%get3A_133, %get3A_134] {strides = array<i32>} : memref<32x512xf32, #tpu.memory_space<vmem>>, vector<16xf32>,
      %mul3A_136 = arith.mulf %gather3A_131, %get3A_135 : vector<16xf32>
      %add3A_137 = arith.addf %add3A_121, %mul3A_136 : vector<16xf32>
      %add3A_138 = arith.constant 7 : i32
      %add3A_139 = vector.broadcast %add3A_138 : i32 to vector<16xi32>
      %add3A_140 = arith.addi %shift_left3A_29, %add3A_139 : vector<16xi32>
      %shift_right_logical3A_141 = arith.constant 7 : i32
      %shift_right_logical3A_142 = vector.broadcast %shift_right_logical3A_141 : i32 to vector<16xi32>
      %shift_right_logical3A_143 = arith.shrui %add3A_140, %shift_right_logical3A_142 : vector<16xi32>
      %and3A_144 = arith.constant 127 : i32
      %and3A_145 = vector.broadcast %and3A_144 : i32 to vector<16xi32>
      %and3A_146 = arith.andi %add3A_140, %and3A_145 : vector<16xi32>
      %gather3A_147 = tpu.vector_load_idx %arg19[%shift_right_logical3A_143, %and3A_146] : memref<128x128xf32, #tpu.memory_space<vmem>>[vector<16xi32>, vector<16xi32>], vector<16xf32>,
      %get3A_148 = arith.constant 7 : i32
      %get3A_149 = arith.index_cast %get3A_148 : i32 to index
      %get3A_150 = arith.index_cast %multiple_of3A : i32 to index
      %get3A_151 = tpu.vector_load %arg18[%get3A_149, %get3A_150] {strides = array<i32>} : memref<32x512xf32, #tpu.memory_space<vmem>>, vector<16xf32>,
      %mul3A_152 = arith.mulf %gather3A_147, %get3A_151 : vector<16xf32>
      %add3A_153 = arith.addf %add3A_137, %mul3A_152 : vector<16xf32>
      %add3A_154 = arith.constant 8 : i32
      %add3A_155 = vector.broadcast %add3A_154 : i32 to vector<16xi32>
      %add3A_156 = arith.addi %shift_left3A_29, %add3A_155 : vector<16xi32>
      %shift_right_logical3A_157 = arith.constant 7 : i32
      %shift_right_logical3A_158 = vector.broadcast %shift_right_logical3A_157 : i32 to vector<16xi32>
      %shift_right_logical3A_159 = arith.shrui %add3A_156, %shift_right_logical3A_158 : vector<16xi32>
      %and3A_160 = arith.constant 127 : i32
      %and3A_161 = vector.broadcast %and3A_160 : i32 to vector<16xi32>
      %and3A_162 = arith.andi %add3A_156, %and3A_161 : vector<16xi32>
      %gather3A_163 = tpu.vector_load_idx %arg19[%shift_right_logical3A_159, %and3A_162] : memref<128x128xf32, #tpu.memory_space<vmem>>[vector<16xi32>, vector<16xi32>], vector<16xf32>,
      %get3A_164 = arith.constant 8 : i32
      %get3A_165 = arith.index_cast %get3A_164 : i32 to index
      %get3A_166 = arith.index_cast %multiple_of3A : i32 to index
      %get3A_167 = tpu.vector_load %arg18[%get3A_165, %get3A_166] {strides = array<i32>} : memref<32x512xf32, #tpu.memory_space<vmem>>, vector<16xf32>,
      %mul3A_168 = arith.mulf %gather3A_163, %get3A_167 : vector<16xf32>
      %add3A_169 = arith.addf %add3A_153, %mul3A_168 : vector<16xf32>
      %add3A_170 = arith.constant 9 : i32
      %add3A_171 = vector.broadcast %add3A_170 : i32 to vector<16xi32>
      %add3A_172 = arith.addi %shift_left3A_29, %add3A_171 : vector<16xi32>
      %shift_right_logical3A_173 = arith.constant 7 : i32
      %shift_right_logical3A_174 = vector.broadcast %shift_right_logical3A_173 : i32 to vector<16xi32>
      %shift_right_logical3A_175 = arith.shrui %add3A_172, %shift_right_logical3A_174 : vector<16xi32>
      %and3A_176 = arith.constant 127 : i32
      %and3A_177 = vector.broadcast %and3A_176 : i32 to vector<16xi32>
      %and3A_178 = arith.andi %add3A_172, %and3A_177 : vector<16xi32>
      %gather3A_179 = tpu.vector_load_idx %arg19[%shift_right_logical3A_175, %and3A_178] : memref<128x128xf32, #tpu.memory_space<vmem>>[vector<16xi32>, vector<16xi32>], vector<16xf32>,
      %get3A_180 = arith.constant 9 : i32
      %get3A_181 = arith.index_cast %get3A_180 : i32 to index
      %get3A_182 = arith.index_cast %multiple_of3A : i32 to index
      %get3A_183 = tpu.vector_load %arg18[%get3A_181, %get3A_182] {strides = array<i32>} : memref<32x512xf32, #tpu.memory_space<vmem>>, vector<16xf32>,
      %mul3A_184 = arith.mulf %gather3A_179, %get3A_183 : vector<16xf32>
      %add3A_185 = arith.addf %add3A_169, %mul3A_184 : vector<16xf32>
      %add3A_186 = arith.constant 10 : i32
      %add3A_187 = vector.broadcast %add3A_186 : i32 to vector<16xi32>
      %add3A_188 = arith.addi %shift_left3A_29, %add3A_187 : vector<16xi32>
      %shift_right_logical3A_189 = arith.constant 7 : i32
      %shift_right_logical3A_190 = vector.broadcast %shift_right_logical3A_189 : i32 to vector<16xi32>
      %shift_right_logical3A_191 = arith.shrui %add3A_188, %shift_right_logical3A_190 : vector<16xi32>
      %and3A_192 = arith.constant 127 : i32
      %and3A_193 = vector.broadcast %and3A_192 : i32 to vector<16xi32>
      %and3A_194 = arith.andi %add3A_188, %and3A_193 : vector<16xi32>
      %gather3A_195 = tpu.vector_load_idx %arg19[%shift_right_logical3A_191, %and3A_194] : memref<128x128xf32, #tpu.memory_space<vmem>>[vector<16xi32>, vector<16xi32>], vector<16xf32>,
      %get3A_196 = arith.constant 10 : i32
      %get3A_197 = arith.index_cast %get3A_196 : i32 to index
      %get3A_198 = arith.index_cast %multiple_of3A : i32 to index
      %get3A_199 = tpu.vector_load %arg18[%get3A_197, %get3A_198] {strides = array<i32>} : memref<32x512xf32, #tpu.memory_space<vmem>>, vector<16xf32>,
      %mul3A_200 = arith.mulf %gather3A_195, %get3A_199 : vector<16xf32>
      %add3A_201 = arith.addf %add3A_185, %mul3A_200 : vector<16xf32>
      %add3A_202 = arith.constant 11 : i32
      %add3A_203 = vector.broadcast %add3A_202 : i32 to vector<16xi32>
      %add3A_204 = arith.addi %shift_left3A_29, %add3A_203 : vector<16xi32>
      %shift_right_logical3A_205 = arith.constant 7 : i32
      %shift_right_logical3A_206 = vector.broadcast %shift_right_logical3A_205 : i32 to vector<16xi32>
      %shift_right_logical3A_207 = arith.shrui %add3A_204, %shift_right_logical3A_206 : vector<16xi32>
      %and3A_208 = arith.constant 127 : i32
      %and3A_209 = vector.broadcast %and3A_208 : i32 to vector<16xi32>
      %and3A_210 = arith.andi %add3A_204, %and3A_209 : vector<16xi32>
      %gather3A_211 = tpu.vector_load_idx %arg19[%shift_right_logical3A_207, %and3A_210] : memref<128x128xf32, #tpu.memory_space<vmem>>[vector<16xi32>, vector<16xi32>], vector<16xf32>,
      %get3A_212 = arith.constant 11 : i32
      %get3A_213 = arith.index_cast %get3A_212 : i32 to index
      %get3A_214 = arith.index_cast %multiple_of3A : i32 to index
      %get3A_215 = tpu.vector_load %arg18[%get3A_213, %get3A_214] {strides = array<i32>} : memref<32x512xf32, #tpu.memory_space<vmem>>, vector<16xf32>,
      %mul3A_216 = arith.mulf %gather3A_211, %get3A_215 : vector<16xf32>
      %add3A_217 = arith.addf %add3A_201, %mul3A_216 : vector<16xf32>
      %add3A_218 = arith.constant 12 : i32
      %add3A_219 = vector.broadcast %add3A_218 : i32 to vector<16xi32>
      %add3A_220 = arith.addi %shift_left3A_29, %add3A_219 : vector<16xi32>
      %shift_right_logical3A_221 = arith.constant 7 : i32
      %shift_right_logical3A_222 = vector.broadcast %shift_right_logical3A_221 : i32 to vector<16xi32>
      %shift_right_logical3A_223 = arith.shrui %add3A_220, %shift_right_logical3A_222 : vector<16xi32>
      %and3A_224 = arith.constant 127 : i32
      %and3A_225 = vector.broadcast %and3A_224 : i32 to vector<16xi32>
      %and3A_226 = arith.andi %add3A_220, %and3A_225 : vector<16xi32>
      %gather3A_227 = tpu.vector_load_idx %arg19[%shift_right_logical3A_223, %and3A_226] : memref<128x128xf32, #tpu.memory_space<vmem>>[vector<16xi32>, vector<16xi32>], vector<16xf32>,
      %get3A_228 = arith.constant 12 : i32
      %get3A_229 = arith.index_cast %get3A_228 : i32 to index
      %get3A_230 = arith.index_cast %multiple_of3A : i32 to index
      %get3A_231 = tpu.vector_load %arg18[%get3A_229, %get3A_230] {strides = array<i32>} : memref<32x512xf32, #tpu.memory_space<vmem>>, vector<16xf32>,
      %mul3A_232 = arith.mulf %gather3A_227, %get3A_231 : vector<16xf32>
      %add3A_233 = arith.addf %add3A_217, %mul3A_232 : vector<16xf32>
      %add3A_234 = arith.constant 13 : i32
      %add3A_235 = vector.broadcast %add3A_234 : i32 to vector<16xi32>
      %add3A_236 = arith.addi %shift_left3A_29, %add3A_235 : vector<16xi32>
      %shift_right_logical3A_237 = arith.constant 7 : i32
      %shift_right_logical3A_238 = vector.broadcast %shift_right_logical3A_237 : i32 to vector<16xi32>
      %shift_right_logical3A_239 = arith.shrui %add3A_236, %shift_right_logical3A_238 : vector<16xi32>
      %and3A_240 = arith.constant 127 : i32
      %and3A_241 = vector.broadcast %and3A_240 : i32 to vector<16xi32>
      %and3A_242 = arith.andi %add3A_236, %and3A_241 : vector<16xi32>
      %gather3A_243 = tpu.vector_load_idx %arg19[%shift_right_logical3A_239, %and3A_242] : memref<128x128xf32, #tpu.memory_space<vmem>>[vector<16xi32>, vector<16xi32>], vector<16xf32>,
      %get3A_244 = arith.constant 13 : i32
      %get3A_245 = arith.index_cast %get3A_244 : i32 to index
      %get3A_246 = arith.index_cast %multiple_of3A : i32 to index
      %get3A_247 = tpu.vector_load %arg18[%get3A_245, %get3A_246] {strides = array<i32>} : memref<32x512xf32, #tpu.memory_space<vmem>>, vector<16xf32>,
      %mul3A_248 = arith.mulf %gather3A_243, %get3A_247 : vector<16xf32>
      %add3A_249 = arith.addf %add3A_233, %mul3A_248 : vector<16xf32>
      %add3A_250 = arith.constant 14 : i32
      %add3A_251 = vector.broadcast %add3A_250 : i32 to vector<16xi32>
      %add3A_252 = arith.addi %shift_left3A_29, %add3A_251 : vector<16xi32>
      %shift_right_logical3A_253 = arith.constant 7 : i32
      %shift_right_logical3A_254 = vector.broadcast %shift_right_logical3A_253 : i32 to vector<16xi32>
      %shift_right_logical3A_255 = arith.shrui %add3A_252, %shift_right_logical3A_254 : vector<16xi32>
      %and3A_256 = arith.constant 127 : i32
      %and3A_257 = vector.broadcast %and3A_256 : i32 to vector<16xi32>
      %and3A_258 = arith.andi %add3A_252, %and3A_257 : vector<16xi32>
      %gather3A_259 = tpu.vector_load_idx %arg19[%shift_right_logical3A_255, %and3A_258] : memref<128x128xf32, #tpu.memory_space<vmem>>[vector<16xi32>, vector<16xi32>], vector<16xf32>,
      %get3A_260 = arith.constant 14 : i32
      %get3A_261 = arith.index_cast %get3A_260 : i32 to index
      %get3A_262 = arith.index_cast %multiple_of3A : i32 to index
      %get3A_263 = tpu.vector_load %arg18[%get3A_261, %get3A_262] {strides = array<i32>} : memref<32x512xf32, #tpu.memory_space<vmem>>, vector<16xf32>,
      %mul3A_264 = arith.mulf %gather3A_259, %get3A_263 : vector<16xf32>
      %add3A_265 = arith.addf %add3A_249, %mul3A_264 : vector<16xf32>
      %add3A_266 = arith.constant 15 : i32
      %add3A_267 = vector.broadcast %add3A_266 : i32 to vector<16xi32>
      %add3A_268 = arith.addi %shift_left3A_29, %add3A_267 : vector<16xi32>
      %shift_right_logical3A_269 = arith.constant 7 : i32
      %shift_right_logical3A_270 = vector.broadcast %shift_right_logical3A_269 : i32 to vector<16xi32>
      %shift_right_logical3A_271 = arith.shrui %add3A_268, %shift_right_logical3A_270 : vector<16xi32>
      %and3A_272 = arith.constant 127 : i32
      %and3A_273 = vector.broadcast %and3A_272 : i32 to vector<16xi32>
      %and3A_274 = arith.andi %add3A_268, %and3A_273 : vector<16xi32>
      %gather3A_275 = tpu.vector_load_idx %arg19[%shift_right_logical3A_271, %and3A_274] : memref<128x128xf32, #tpu.memory_space<vmem>>[vector<16xi32>, vector<16xi32>], vector<16xf32>,
      %get3A_276 = arith.constant 15 : i32
      %get3A_277 = arith.index_cast %get3A_276 : i32 to index
      %get3A_278 = arith.index_cast %multiple_of3A : i32 to index
      %get3A_279 = tpu.vector_load %arg18[%get3A_277, %get3A_278] {strides = array<i32>} : memref<32x512xf32, #tpu.memory_space<vmem>>, vector<16xf32>,
      %mul3A_280 = arith.mulf %gather3A_275, %get3A_279 : vector<16xf32>
      %add3A_281 = arith.addf %add3A_265, %mul3A_280 : vector<16xf32>
      %add3A_282 = arith.constant 16 : i32
      %add3A_283 = vector.broadcast %add3A_282 : i32 to vector<16xi32>
      %add3A_284 = arith.addi %shift_left3A_29, %add3A_283 : vector<16xi32>
      %shift_right_logical3A_285 = arith.constant 7 : i32
      %shift_right_logical3A_286 = vector.broadcast %shift_right_logical3A_285 : i32 to vector<16xi32>
      %shift_right_logical3A_287 = arith.shrui %add3A_284, %shift_right_logical3A_286 : vector<16xi32>
      %and3A_288 = arith.constant 127 : i32
      %and3A_289 = vector.broadcast %and3A_288 : i32 to vector<16xi32>
      %and3A_290 = arith.andi %add3A_284, %and3A_289 : vector<16xi32>
      %gather3A_291 = tpu.vector_load_idx %arg19[%shift_right_logical3A_287, %and3A_290] : memref<128x128xf32, #tpu.memory_space<vmem>>[vector<16xi32>, vector<16xi32>], vector<16xf32>,
      %get3A_292 = arith.constant 16 : i32
      %get3A_293 = arith.index_cast %get3A_292 : i32 to index
      %get3A_294 = arith.index_cast %multiple_of3A : i32 to index
      %get3A_295 = tpu.vector_load %arg18[%get3A_293, %get3A_294] {strides = array<i32>} : memref<32x512xf32, #tpu.memory_space<vmem>>, vector<16xf32>,
      %mul3A_296 = arith.mulf %gather3A_291, %get3A_295 : vector<16xf32>
      %add3A_297 = arith.addf %add3A_281, %mul3A_296 : vector<16xf32>
      %add3A_298 = arith.constant 17 : i32
      %add3A_299 = vector.broadcast %add3A_298 : i32 to vector<16xi32>
      %add3A_300 = arith.addi %shift_left3A_29, %add3A_299 : vector<16xi32>
      %shift_right_logical3A_301 = arith.constant 7 : i32
      %shift_right_logical3A_302 = vector.broadcast %shift_right_logical3A_301 : i32 to vector<16xi32>
      %shift_right_logical3A_303 = arith.shrui %add3A_300, %shift_right_logical3A_302 : vector<16xi32>
      %and3A_304 = arith.constant 127 : i32
      %and3A_305 = vector.broadcast %and3A_304 : i32 to vector<16xi32>
      %and3A_306 = arith.andi %add3A_300, %and3A_305 : vector<16xi32>
      %gather3A_307 = tpu.vector_load_idx %arg19[%shift_right_logical3A_303, %and3A_306] : memref<128x128xf32, #tpu.memory_space<vmem>>[vector<16xi32>, vector<16xi32>], vector<16xf32>,
      %get3A_308 = arith.constant 17 : i32
      %get3A_309 = arith.index_cast %get3A_308 : i32 to index
      %get3A_310 = arith.index_cast %multiple_of3A : i32 to index
      %get3A_311 = tpu.vector_load %arg18[%get3A_309, %get3A_310] {strides = array<i32>} : memref<32x512xf32, #tpu.memory_space<vmem>>, vector<16xf32>,
      %mul3A_312 = arith.mulf %gather3A_307, %get3A_311 : vector<16xf32>
      %add3A_313 = arith.addf %add3A_297, %mul3A_312 : vector<16xf32>
      %add3A_314 = arith.constant 18 : i32
      %add3A_315 = vector.broadcast %add3A_314 : i32 to vector<16xi32>
      %add3A_316 = arith.addi %shift_left3A_29, %add3A_315 : vector<16xi32>
      %shift_right_logical3A_317 = arith.constant 7 : i32
      %shift_right_logical3A_318 = vector.broadcast %shift_right_logical3A_317 : i32 to vector<16xi32>
      %shift_right_logical3A_319 = arith.shrui %add3A_316, %shift_right_logical3A_318 : vector<16xi32>
      %and3A_320 = arith.constant 127 : i32
      %and3A_321 = vector.broadcast %and3A_320 : i32 to vector<16xi32>
      %and3A_322 = arith.andi %add3A_316, %and3A_321 : vector<16xi32>
      %gather3A_323 = tpu.vector_load_idx %arg19[%shift_right_logical3A_319, %and3A_322] : memref<128x128xf32, #tpu.memory_space<vmem>>[vector<16xi32>, vector<16xi32>], vector<16xf32>,
      %get3A_324 = arith.constant 18 : i32
      %get3A_325 = arith.index_cast %get3A_324 : i32 to index
      %get3A_326 = arith.index_cast %multiple_of3A : i32 to index
      %get3A_327 = tpu.vector_load %arg18[%get3A_325, %get3A_326] {strides = array<i32>} : memref<32x512xf32, #tpu.memory_space<vmem>>, vector<16xf32>,
      %mul3A_328 = arith.mulf %gather3A_323, %get3A_327 : vector<16xf32>
      %add3A_329 = arith.addf %add3A_313, %mul3A_328 : vector<16xf32>
      %add3A_330 = arith.constant 19 : i32
      %add3A_331 = vector.broadcast %add3A_330 : i32 to vector<16xi32>
      %add3A_332 = arith.addi %shift_left3A_29, %add3A_331 : vector<16xi32>
      %shift_right_logical3A_333 = arith.constant 7 : i32
      %shift_right_logical3A_334 = vector.broadcast %shift_right_logical3A_333 : i32 to vector<16xi32>
      %shift_right_logical3A_335 = arith.shrui %add3A_332, %shift_right_logical3A_334 : vector<16xi32>
      %and3A_336 = arith.constant 127 : i32
      %and3A_337 = vector.broadcast %and3A_336 : i32 to vector<16xi32>
      %and3A_338 = arith.andi %add3A_332, %and3A_337 : vector<16xi32>
      %gather3A_339 = tpu.vector_load_idx %arg19[%shift_right_logical3A_335, %and3A_338] : memref<128x128xf32, #tpu.memory_space<vmem>>[vector<16xi32>, vector<16xi32>], vector<16xf32>,
      %get3A_340 = arith.constant 19 : i32
      %get3A_341 = arith.index_cast %get3A_340 : i32 to index
      %get3A_342 = arith.index_cast %multiple_of3A : i32 to index
      %get3A_343 = tpu.vector_load %arg18[%get3A_341, %get3A_342] {strides = array<i32>} : memref<32x512xf32, #tpu.memory_space<vmem>>, vector<16xf32>,
      %mul3A_344 = arith.mulf %gather3A_339, %get3A_343 : vector<16xf32>
      %add3A_345 = arith.addf %add3A_329, %mul3A_344 : vector<16xf32>
      %add3A_346 = arith.constant 20 : i32
      %add3A_347 = vector.broadcast %add3A_346 : i32 to vector<16xi32>
      %add3A_348 = arith.addi %shift_left3A_29, %add3A_347 : vector<16xi32>
      %shift_right_logical3A_349 = arith.constant 7 : i32
      %shift_right_logical3A_350 = vector.broadcast %shift_right_logical3A_349 : i32 to vector<16xi32>
      %shift_right_logical3A_351 = arith.shrui %add3A_348, %shift_right_logical3A_350 : vector<16xi32>
      %and3A_352 = arith.constant 127 : i32
      %and3A_353 = vector.broadcast %and3A_352 : i32 to vector<16xi32>
      %and3A_354 = arith.andi %add3A_348, %and3A_353 : vector<16xi32>
      %gather3A_355 = tpu.vector_load_idx %arg19[%shift_right_logical3A_351, %and3A_354] : memref<128x128xf32, #tpu.memory_space<vmem>>[vector<16xi32>, vector<16xi32>], vector<16xf32>,
      %get3A_356 = arith.constant 20 : i32
      %get3A_357 = arith.index_cast %get3A_356 : i32 to index
      %get3A_358 = arith.index_cast %multiple_of3A : i32 to index
      %get3A_359 = tpu.vector_load %arg18[%get3A_357, %get3A_358] {strides = array<i32>} : memref<32x512xf32, #tpu.memory_space<vmem>>, vector<16xf32>,
      %mul3A_360 = arith.mulf %gather3A_355, %get3A_359 : vector<16xf32>
      %add3A_361 = arith.addf %add3A_345, %mul3A_360 : vector<16xf32>
      %add3A_362 = arith.constant 21 : i32
      %add3A_363 = vector.broadcast %add3A_362 : i32 to vector<16xi32>
      %add3A_364 = arith.addi %shift_left3A_29, %add3A_363 : vector<16xi32>
      %shift_right_logical3A_365 = arith.constant 7 : i32
      %shift_right_logical3A_366 = vector.broadcast %shift_right_logical3A_365 : i32 to vector<16xi32>
      %shift_right_logical3A_367 = arith.shrui %add3A_364, %shift_right_logical3A_366 : vector<16xi32>
      %and3A_368 = arith.constant 127 : i32
      %and3A_369 = vector.broadcast %and3A_368 : i32 to vector<16xi32>
      %and3A_370 = arith.andi %add3A_364, %and3A_369 : vector<16xi32>
      %gather3A_371 = tpu.vector_load_idx %arg19[%shift_right_logical3A_367, %and3A_370] : memref<128x128xf32, #tpu.memory_space<vmem>>[vector<16xi32>, vector<16xi32>], vector<16xf32>,
      %get3A_372 = arith.constant 21 : i32
      %get3A_373 = arith.index_cast %get3A_372 : i32 to index
      %get3A_374 = arith.index_cast %multiple_of3A : i32 to index
      %get3A_375 = tpu.vector_load %arg18[%get3A_373, %get3A_374] {strides = array<i32>} : memref<32x512xf32, #tpu.memory_space<vmem>>, vector<16xf32>,
      %mul3A_376 = arith.mulf %gather3A_371, %get3A_375 : vector<16xf32>
      %add3A_377 = arith.addf %add3A_361, %mul3A_376 : vector<16xf32>
      %add3A_378 = arith.constant 22 : i32
      %add3A_379 = vector.broadcast %add3A_378 : i32 to vector<16xi32>
      %add3A_380 = arith.addi %shift_left3A_29, %add3A_379 : vector<16xi32>
      %shift_right_logical3A_381 = arith.constant 7 : i32
      %shift_right_logical3A_382 = vector.broadcast %shift_right_logical3A_381 : i32 to vector<16xi32>
      %shift_right_logical3A_383 = arith.shrui %add3A_380, %shift_right_logical3A_382 : vector<16xi32>
      %and3A_384 = arith.constant 127 : i32
      %and3A_385 = vector.broadcast %and3A_384 : i32 to vector<16xi32>
      %and3A_386 = arith.andi %add3A_380, %and3A_385 : vector<16xi32>
      %gather3A_387 = tpu.vector_load_idx %arg19[%shift_right_logical3A_383, %and3A_386] : memref<128x128xf32, #tpu.memory_space<vmem>>[vector<16xi32>, vector<16xi32>], vector<16xf32>,
      %get3A_388 = arith.constant 22 : i32
      %get3A_389 = arith.index_cast %get3A_388 : i32 to index
      %get3A_390 = arith.index_cast %multiple_of3A : i32 to index
      %get3A_391 = tpu.vector_load %arg18[%get3A_389, %get3A_390] {strides = array<i32>} : memref<32x512xf32, #tpu.memory_space<vmem>>, vector<16xf32>,
      %mul3A_392 = arith.mulf %gather3A_387, %get3A_391 : vector<16xf32>
      %add3A_393 = arith.addf %add3A_377, %mul3A_392 : vector<16xf32>
      %add3A_394 = arith.constant 23 : i32
      %add3A_395 = vector.broadcast %add3A_394 : i32 to vector<16xi32>
      %add3A_396 = arith.addi %shift_left3A_29, %add3A_395 : vector<16xi32>
      %shift_right_logical3A_397 = arith.constant 7 : i32
      %shift_right_logical3A_398 = vector.broadcast %shift_right_logical3A_397 : i32 to vector<16xi32>
      %shift_right_logical3A_399 = arith.shrui %add3A_396, %shift_right_logical3A_398 : vector<16xi32>
      %and3A_400 = arith.constant 127 : i32
      %and3A_401 = vector.broadcast %and3A_400 : i32 to vector<16xi32>
      %and3A_402 = arith.andi %add3A_396, %and3A_401 : vector<16xi32>
      %gather3A_403 = tpu.vector_load_idx %arg19[%shift_right_logical3A_399, %and3A_402] : memref<128x128xf32, #tpu.memory_space<vmem>>[vector<16xi32>, vector<16xi32>], vector<16xf32>,
      %get3A_404 = arith.constant 23 : i32
      %get3A_405 = arith.index_cast %get3A_404 : i32 to index
      %get3A_406 = arith.index_cast %multiple_of3A : i32 to index
      %get3A_407 = tpu.vector_load %arg18[%get3A_405, %get3A_406] {strides = array<i32>} : memref<32x512xf32, #tpu.memory_space<vmem>>, vector<16xf32>,
      %mul3A_408 = arith.mulf %gather3A_403, %get3A_407 : vector<16xf32>
      %add3A_409 = arith.addf %add3A_393, %mul3A_408 : vector<16xf32>
      %add3A_410 = arith.constant 24 : i32
      %add3A_411 = vector.broadcast %add3A_410 : i32 to vector<16xi32>
      %add3A_412 = arith.addi %shift_left3A_29, %add3A_411 : vector<16xi32>
      %shift_right_logical3A_413 = arith.constant 7 : i32
      %shift_right_logical3A_414 = vector.broadcast %shift_right_logical3A_413 : i32 to vector<16xi32>
      %shift_right_logical3A_415 = arith.shrui %add3A_412, %shift_right_logical3A_414 : vector<16xi32>
      %and3A_416 = arith.constant 127 : i32
      %and3A_417 = vector.broadcast %and3A_416 : i32 to vector<16xi32>
      %and3A_418 = arith.andi %add3A_412, %and3A_417 : vector<16xi32>
      %gather3A_419 = tpu.vector_load_idx %arg19[%shift_right_logical3A_415, %and3A_418] : memref<128x128xf32, #tpu.memory_space<vmem>>[vector<16xi32>, vector<16xi32>], vector<16xf32>,
      %get3A_420 = arith.constant 24 : i32
      %get3A_421 = arith.index_cast %get3A_420 : i32 to index
      %get3A_422 = arith.index_cast %multiple_of3A : i32 to index
      %get3A_423 = tpu.vector_load %arg18[%get3A_421, %get3A_422] {strides = array<i32>} : memref<32x512xf32, #tpu.memory_space<vmem>>, vector<16xf32>,
      %mul3A_424 = arith.mulf %gather3A_419, %get3A_423 : vector<16xf32>
      %add3A_425 = arith.addf %add3A_409, %mul3A_424 : vector<16xf32>
      %add3A_426 = arith.constant 25 : i32
      %add3A_427 = vector.broadcast %add3A_426 : i32 to vector<16xi32>
      %add3A_428 = arith.addi %shift_left3A_29, %add3A_427 : vector<16xi32>
      %shift_right_logical3A_429 = arith.constant 7 : i32
      %shift_right_logical3A_430 = vector.broadcast %shift_right_logical3A_429 : i32 to vector<16xi32>
      %shift_right_logical3A_431 = arith.shrui %add3A_428, %shift_right_logical3A_430 : vector<16xi32>
      %and3A_432 = arith.constant 127 : i32
      %and3A_433 = vector.broadcast %and3A_432 : i32 to vector<16xi32>
      %and3A_434 = arith.andi %add3A_428, %and3A_433 : vector<16xi32>
      %gather3A_435 = tpu.vector_load_idx %arg19[%shift_right_logical3A_431, %and3A_434] : memref<128x128xf32, #tpu.memory_space<vmem>>[vector<16xi32>, vector<16xi32>], vector<16xf32>,
      %get3A_436 = arith.constant 25 : i32
      %get3A_437 = arith.index_cast %get3A_436 : i32 to index
      %get3A_438 = arith.index_cast %multiple_of3A : i32 to index
      %get3A_439 = tpu.vector_load %arg18[%get3A_437, %get3A_438] {strides = array<i32>} : memref<32x512xf32, #tpu.memory_space<vmem>>, vector<16xf32>,
      %mul3A_440 = arith.mulf %gather3A_435, %get3A_439 : vector<16xf32>
      %add3A_441 = arith.addf %add3A_425, %mul3A_440 : vector<16xf32>
      %add3A_442 = arith.constant 26 : i32
      %add3A_443 = vector.broadcast %add3A_442 : i32 to vector<16xi32>
      %add3A_444 = arith.addi %shift_left3A_29, %add3A_443 : vector<16xi32>
      %shift_right_logical3A_445 = arith.constant 7 : i32
      %shift_right_logical3A_446 = vector.broadcast %shift_right_logical3A_445 : i32 to vector<16xi32>
      %shift_right_logical3A_447 = arith.shrui %add3A_444, %shift_right_logical3A_446 : vector<16xi32>
      %and3A_448 = arith.constant 127 : i32
      %and3A_449 = vector.broadcast %and3A_448 : i32 to vector<16xi32>
      %and3A_450 = arith.andi %add3A_444, %and3A_449 : vector<16xi32>
      %gather3A_451 = tpu.vector_load_idx %arg19[%shift_right_logical3A_447, %and3A_450] : memref<128x128xf32, #tpu.memory_space<vmem>>[vector<16xi32>, vector<16xi32>], vector<16xf32>,
      %get3A_452 = arith.constant 26 : i32
      %get3A_453 = arith.index_cast %get3A_452 : i32 to index
      %get3A_454 = arith.index_cast %multiple_of3A : i32 to index
      %get3A_455 = tpu.vector_load %arg18[%get3A_453, %get3A_454] {strides = array<i32>} : memref<32x512xf32, #tpu.memory_space<vmem>>, vector<16xf32>,
      %mul3A_456 = arith.mulf %gather3A_451, %get3A_455 : vector<16xf32>
      %add3A_457 = arith.addf %add3A_441, %mul3A_456 : vector<16xf32>
      %add3A_458 = arith.constant 27 : i32
      %add3A_459 = vector.broadcast %add3A_458 : i32 to vector<16xi32>
      %add3A_460 = arith.addi %shift_left3A_29, %add3A_459 : vector<16xi32>
      %shift_right_logical3A_461 = arith.constant 7 : i32
      %shift_right_logical3A_462 = vector.broadcast %shift_right_logical3A_461 : i32 to vector<16xi32>
      %shift_right_logical3A_463 = arith.shrui %add3A_460, %shift_right_logical3A_462 : vector<16xi32>
      %and3A_464 = arith.constant 127 : i32
      %and3A_465 = vector.broadcast %and3A_464 : i32 to vector<16xi32>
      %and3A_466 = arith.andi %add3A_460, %and3A_465 : vector<16xi32>
      %gather3A_467 = tpu.vector_load_idx %arg19[%shift_right_logical3A_463, %and3A_466] : memref<128x128xf32, #tpu.memory_space<vmem>>[vector<16xi32>, vector<16xi32>], vector<16xf32>,
      %get3A_468 = arith.constant 27 : i32
      %get3A_469 = arith.index_cast %get3A_468 : i32 to index
      %get3A_470 = arith.index_cast %multiple_of3A : i32 to index
      %get3A_471 = tpu.vector_load %arg18[%get3A_469, %get3A_470] {strides = array<i32>} : memref<32x512xf32, #tpu.memory_space<vmem>>, vector<16xf32>,
      %mul3A_472 = arith.mulf %gather3A_467, %get3A_471 : vector<16xf32>
      %add3A_473 = arith.addf %add3A_457, %mul3A_472 : vector<16xf32>
      %add3A_474 = arith.constant 28 : i32
      %add3A_475 = vector.broadcast %add3A_474 : i32 to vector<16xi32>
      %add3A_476 = arith.addi %shift_left3A_29, %add3A_475 : vector<16xi32>
      %shift_right_logical3A_477 = arith.constant 7 : i32
      %shift_right_logical3A_478 = vector.broadcast %shift_right_logical3A_477 : i32 to vector<16xi32>
      %shift_right_logical3A_479 = arith.shrui %add3A_476, %shift_right_logical3A_478 : vector<16xi32>
      %and3A_480 = arith.constant 127 : i32
      %and3A_481 = vector.broadcast %and3A_480 : i32 to vector<16xi32>
      %and3A_482 = arith.andi %add3A_476, %and3A_481 : vector<16xi32>
      %gather3A_483 = tpu.vector_load_idx %arg19[%shift_right_logical3A_479, %and3A_482] : memref<128x128xf32, #tpu.memory_space<vmem>>[vector<16xi32>, vector<16xi32>], vector<16xf32>,
      %get3A_484 = arith.constant 28 : i32
      %get3A_485 = arith.index_cast %get3A_484 : i32 to index
      %get3A_486 = arith.index_cast %multiple_of3A : i32 to index
      %get3A_487 = tpu.vector_load %arg18[%get3A_485, %get3A_486] {strides = array<i32>} : memref<32x512xf32, #tpu.memory_space<vmem>>, vector<16xf32>,
      %mul3A_488 = arith.mulf %gather3A_483, %get3A_487 : vector<16xf32>
      %add3A_489 = arith.addf %add3A_473, %mul3A_488 : vector<16xf32>
      %add3A_490 = arith.constant 29 : i32
      %add3A_491 = vector.broadcast %add3A_490 : i32 to vector<16xi32>
      %add3A_492 = arith.addi %shift_left3A_29, %add3A_491 : vector<16xi32>
      %shift_right_logical3A_493 = arith.constant 7 : i32
      %shift_right_logical3A_494 = vector.broadcast %shift_right_logical3A_493 : i32 to vector<16xi32>
      %shift_right_logical3A_495 = arith.shrui %add3A_492, %shift_right_logical3A_494 : vector<16xi32>
      %and3A_496 = arith.constant 127 : i32
      %and3A_497 = vector.broadcast %and3A_496 : i32 to vector<16xi32>
      %and3A_498 = arith.andi %add3A_492, %and3A_497 : vector<16xi32>
      %gather3A_499 = tpu.vector_load_idx %arg19[%shift_right_logical3A_495, %and3A_498] : memref<128x128xf32, #tpu.memory_space<vmem>>[vector<16xi32>, vector<16xi32>], vector<16xf32>,
      %get3A_500 = arith.constant 29 : i32
      %get3A_501 = arith.index_cast %get3A_500 : i32 to index
      %get3A_502 = arith.index_cast %multiple_of3A : i32 to index
      %get3A_503 = tpu.vector_load %arg18[%get3A_501, %get3A_502] {strides = array<i32>} : memref<32x512xf32, #tpu.memory_space<vmem>>, vector<16xf32>,
      %mul3A_504 = arith.mulf %gather3A_499, %get3A_503 : vector<16xf32>
      %add3A_505 = arith.addf %add3A_489, %mul3A_504 : vector<16xf32>
      %add3A_506 = arith.constant 30 : i32
      %add3A_507 = vector.broadcast %add3A_506 : i32 to vector<16xi32>
      %add3A_508 = arith.addi %shift_left3A_29, %add3A_507 : vector<16xi32>
      %shift_right_logical3A_509 = arith.constant 7 : i32
      %shift_right_logical3A_510 = vector.broadcast %shift_right_logical3A_509 : i32 to vector<16xi32>
      %shift_right_logical3A_511 = arith.shrui %add3A_508, %shift_right_logical3A_510 : vector<16xi32>
      %and3A_512 = arith.constant 127 : i32
      %and3A_513 = vector.broadcast %and3A_512 : i32 to vector<16xi32>
      %and3A_514 = arith.andi %add3A_508, %and3A_513 : vector<16xi32>
      %gather3A_515 = tpu.vector_load_idx %arg19[%shift_right_logical3A_511, %and3A_514] : memref<128x128xf32, #tpu.memory_space<vmem>>[vector<16xi32>, vector<16xi32>], vector<16xf32>,
      %get3A_516 = arith.constant 30 : i32
      %get3A_517 = arith.index_cast %get3A_516 : i32 to index
      %get3A_518 = arith.index_cast %multiple_of3A : i32 to index
      %get3A_519 = tpu.vector_load %arg18[%get3A_517, %get3A_518] {strides = array<i32>} : memref<32x512xf32, #tpu.memory_space<vmem>>, vector<16xf32>,
      %mul3A_520 = arith.mulf %gather3A_515, %get3A_519 : vector<16xf32>
      %add3A_521 = arith.addf %add3A_505, %mul3A_520 : vector<16xf32>
      %add3A_522 = arith.constant 31 : i32
      %add3A_523 = vector.broadcast %add3A_522 : i32 to vector<16xi32>
      %add3A_524 = arith.addi %shift_left3A_29, %add3A_523 : vector<16xi32>
      %shift_right_logical3A_525 = arith.constant 7 : i32
      %shift_right_logical3A_526 = vector.broadcast %shift_right_logical3A_525 : i32 to vector<16xi32>
      %shift_right_logical3A_527 = arith.shrui %add3A_524, %shift_right_logical3A_526 : vector<16xi32>
      %and3A_528 = arith.constant 127 : i32
      %and3A_529 = vector.broadcast %and3A_528 : i32 to vector<16xi32>
      %and3A_530 = arith.andi %add3A_524, %and3A_529 : vector<16xi32>
      %gather3A_531 = tpu.vector_load_idx %arg19[%shift_right_logical3A_527, %and3A_530] : memref<128x128xf32, #tpu.memory_space<vmem>>[vector<16xi32>, vector<16xi32>], vector<16xf32>,
      %get3A_532 = arith.constant 31 : i32
      %get3A_533 = arith.index_cast %get3A_532 : i32 to index
      %get3A_534 = arith.index_cast %multiple_of3A : i32 to index
      %get3A_535 = tpu.vector_load %arg18[%get3A_533, %get3A_534] {strides = array<i32>} : memref<32x512xf32, #tpu.memory_space<vmem>>, vector<16xf32>,
      %mul3A_536 = arith.mulf %gather3A_531, %get3A_535 : vector<16xf32>
      %add3A_537 = arith.addf %add3A_521, %mul3A_536 : vector<16xf32>
      %get3A_538 = arith.index_cast %multiple_of3A : i32 to index
      %get3A_539 = tpu.vector_load %arg14[%get3A_538] {strides = array<i32>} : memref<512xf32, #tpu.memory_space<vmem>>, vector<16xf32>,
      %get3A_540 = arith.index_cast %multiple_of3A : i32 to index
      %get3A_541 = tpu.vector_load %arg20[%get3A_540] {strides = array<i32>} : memref<512xf32, #tpu.memory_space<vmem>>, vector<16xf32>,
      %div3A = arith.divf %add3A_537, %get3A_539 : vector<16xf32>
      %add3A_542 = arith.addf %get3A_541, %div3A : vector<16xf32>
      %swap3A = arith.index_cast %multiple_of3A : i32 to index
      %swap3A_543 = tpu.vector_load %arg20[%swap3A] {strides = array<i32>} : memref<512xf32, #tpu.memory_space<vmem>>, vector<16xf32>,
      tpu.vector_store %arg20[%swap3A], %add3A_542 {strides = array<i32>} : memref<512xf32, #tpu.memory_space<vmem>>, vector<16xf32>,
    }
    %scan3A_22 = arith.constant 32 : i32
    "tpu.region"() ({
      %run_scoped3A = tpu.sem_alloc : memref<!tpu.dma_semaphore, #tpu.memory_space<semaphore_mem>>
      %dma_start3A = tpu.memref_slice %arg9[%mul3A_2] : memref<16384xf32, #tpu.memory_space<hbm>> -> memref<512xf32, #tpu.memory_space<hbm>>
      %dma_start3A_23 = tpu.memref_slice %arg9[%mul3A_2] : memref<16384xf32, #tpu.memory_space<hbm>> -> memref<512xf32, #tpu.memory_space<hbm>>
      tpu.enqueue_dma source(%arg20 : memref<512xf32, #tpu.memory_space<vmem>>) target(%dma_start3A_23 : memref<512xf32, #tpu.memory_space<hbm>>) target_semaphore(%run_scoped3A : memref<!tpu.dma_semaphore, #tpu.memory_space<semaphore_mem>>)
      %dma_wait3A = tpu.memref_slice %arg9[%mul3A_2] : memref<16384xf32, #tpu.memory_space<hbm>> -> memref<512xf32, #tpu.memory_space<hbm>>
      %dma_wait3A_24 = tpu.memref_slice %arg9[%mul3A_2] : memref<16384xf32, #tpu.memory_space<hbm>> -> memref<512xf32, #tpu.memory_space<hbm>>
      tpu.wait_dma2 semaphore(%run_scoped3A : memref<!tpu.dma_semaphore, #tpu.memory_space<semaphore_mem>>) src(%arg20 : memref<512xf32, #tpu.memory_space<vmem>>) dst(%dma_wait3A_24 : memref<512xf32, #tpu.memory_space<hbm>>)
      tpu.yield
    }) : () -> ()
    return
  }
}

</mosaic_0001>

<sc_bundles>
// kernel: kernel.4.cloned.1.call-start
scs
__scs_entry_jumppad:
0x0: {  	(pc) =	sbr.rel $0x88, $3  }
0x1: {  	(tag) =	ssettag $0x0;
	lr =	simm.s32 $0x1  }
0x2: {  	[smem:$0x3F99] =	sst lr;
	_ =	strace $0xD0000000  }
0x3: {  	_ = 	snop  }
0x4: {  	_ = 	snop  }
0x5: {  	_ = 	snop  }
0x6: {  	_ = 	snop  }
0x7: {  	_ = 	snop  }
__scs_overlays_trampoline_lowered:
0x8: {  	[smem:$0x3FA8] =	sst s0  }
0x9: {  	[smem:$0x3FA9] =	sst s1  }
0xa: {  	[smem:$0x3FAA] =	sst s2  }
0xb: {  	[smem:$0x3FAB] =	sst s3  }
0xc: {  	[smem:$0x3FAC] =	sst s4  }
0xd: {  	[smem:$0x3FAD] =	sst s5  }
0xe: {  	[smem:$0x3FAE] =	sst s6  }
0xf: {  	[smem:$0x3FAF] =	sst s7  }
0x10: {  	[smem:$0x3FB0] =	sst s8  }
0x11: {  	[smem:$0x3FB1] =	sst s9;
	s0 =	simm.s32 @!p0 $0x0  }
0x12: {  	s1 =	sld [smem:$0x3F97];
	s0 =	simm.s32 @p0 $0x1  }
0x13: {  	[smem:$0x3FB2] =	sst s0;
	s0 =	simm.s32 @!p1 $0x0  }
0x14: {  	s2 =	sld [smem:$0x3F96];
	s0 =	simm.s32 @p1 $0x1  }
0x15: {  	[smem:$0x3FB3] =	sst s0;
	s0 =	simm.s32 @!p2 $0x0  }
0x16: {  	s3 =	sld [smem:$0x3FDB];
	s0 =	simm.s32 @p2 $0x1  }
0x17: {  	s4 =	simm.s32 $0x1BF5;
	[smem:$0x3FB5] =	sst s0  }
0x18: {  	s0 =	sld [smem:$0x3F98];
	_ =	swait.ge [sflag:s4], $0x0  }
0x19: {  	s7 =	sld [smem:$0x3F99]  }
0x1a: {  	s8 =	sadd.s32 $0xFFFFE003, lr  }
0x1b: {  	s9 =	sadd.s32 $0xFFFFFEF7, lr;
	s5 =	simm.s32 $0xFFFFFFFF;
	p2 =	slt.u32 s8, $0xFFFFF086  }
0x1c: {  	p1 =	slt.u32 s9, $0xF7A;
	s5 =	simm.s32 @!p2 $0x0  }
0x1d: {  	s5 =	simm.s32 @p1 $0x1;
	p0 =	seq.s32 s7, s2  }
0x1e: {  	s7 =	smul.u32 @!p0 $0xF7A, s2;
	p2 =	seq.s32 @!p0 s5, $0x0  }
0x1f: {  	s9 =	smul.u32 $0xF7A, s1;
	s8 =	simm.s32 @!p0 $0x1BF5;
	p2 =	por !p2, p0  }
0x20: {  	[sflag:s8] =	ssyncset.s32 @!p0 $0xFFFFF086;
	s6 =	sadd.s32 @!p0 s3, s7;
	s7 =	simm.s32 @!p0 $0x108  }
0x21: {  	s3 =	sadd.s32 s3, s9;
	s6 =	sadd.s32 @!p0 $0x88, s6;
	s7 =	simm.s32 @p2 $0x1082  }
0x22: {  	[simem:s7], [sflag:s8] =	dma.local @!p0 [hbm:s6], $0xF7A  }
0x23: {  	s9 =	sor.u32 $0xD0000000, s2;
	s6 =	simm.s32 $0x108;
	_ =	swait.ge @!p0 [sflag:s8], $0x0  }
0x24: {  	s3 =	sadd.s32 $0x88, s3;
	s6 =	simm.s32 @!p1 $0x1082;
	[sflag:s4] =	ssyncset.s32 $0xFFFFF086  }
0x25: {  	[simem:s6], [sflag:s4] =	dma.local [hbm:s3], $0xF7A  }
0x26: {  	[smem:$0x3F99] =	sst s1;
	(tag) =	ssettag s2;
	_ =	strace s9  }
0x27: {  	s1 =	sld [smem:$0x3FA9]  }
0x28: {  	s2 =	sld [smem:$0x3FAA]  }
0x29: {  	s4 =	sld [smem:$0x3FAC]  }
0x2a: {  	p0 =	seq.s32 s5, $0x0;
	s5 =	sld [smem:$0x3FAD]  }
0x2b: {  	s6 =	sld [smem:$0x3FAE]  }
0x2c: {  	s7 =	sld [smem:$0x3FAF]  }
0x2d: {  	s3 =	simm.s32 $0x108;
	s8 =	sld [smem:$0x3FB0]  }
0x2e: {  	s3 =	simm.s32 @!p0 $0x1082;
	s9 =	sld [smem:$0x3FB1]  }
0x2f: {  	lr =	sadd.s32 s0, s3;
	s0 =	sld [smem:$0x3FA8]  }
0x30: {  	s3 =	sld [smem:$0x3FAB]  }
0x31: {  	[smem:$0x3FB4] =	sst s10  }
0x32: {  	s10 =	sld [smem:$0x3FB2];
	_ =	sdelay $0x3  }
0x33: {  	p0 =	seq.s32 s10, $0x1;
	s10 =	sld [smem:$0x3FB4];
	_ =	sdelay $0x3  }
0x34: {  	[smem:$0x3FB4] =	sst s10  }
0x35: {  	s10 =	sld [smem:$0x3FB3];
	_ =	sdelay $0x3  }
0x36: {  	p1 =	seq.s32 s10, $0x1;
	s10 =	sld [smem:$0x3FB4];
	_ =	sdelay $0x3  }
0x37: {  	[smem:$0x3FB4] =	sst s10  }
0x38: {  	s10 =	sld [smem:$0x3FB5]  }
0x39: {  	_ = 	snop;
	(pc) =	sbr.ind lr, $3  }
0x3a: {  	_ = 	snop  }
0x3b: {  	_ = 	snop  }
0x3c: {  	p2 =	seq.s32 s10, $0x1;
	s10 =	sld [smem:$0x3FB4]  }
0x3d: {  	_ =	shalt  }
0x3e: {  	_ =	shalt  }
0x3f: {  	_ =	shalt  }
0x40: {  	_ =	shalt  }
0x41: {  	_ =	shalt  }
0x42: {  	_ =	shalt  }
0x43: {  	_ =	shalt  }
0x44: {  	_ =	shalt  }
0x45: {  	_ =	shalt  }
0x46: {  	_ =	shalt  }
0x47: {  	_ =	shalt  }
0x48: {  	_ =	shalt  }
0x49: {  	_ =	shalt  }
0x4a: {  	_ =	shalt  }
0x4b: {  	_ =	shalt  }
0x4c: {  	_ =	shalt  }
0x4d: {  	_ =	shalt  }
0x4e: {  	_ =	shalt  }
0x4f: {  	_ =	shalt  }
0x50: {  	_ =	shalt  }
0x51: {  	_ =	shalt  }
0x52: {  	_ =	shalt  }
0x53: {  	_ =	shalt  }
0x54: {  	_ =	shalt  }
0x55: {  	_ =	shalt  }
0x56: {  	_ =	shalt  }
0x57: {  	_ =	shalt  }
0x58: {  	_ =	shalt  }
0x59: {  	_ =	shalt  }
0x5a: {  	_ =	shalt  }
0x5b: {  	_ =	shalt  }
0x5c: {  	_ =	shalt  }
0x5d: {  	_ =	shalt  }
0x5e: {  	_ =	shalt  }
0x5f: {  	_ =	shalt  }
0x60: {  	_ =	shalt  }
0x61: {  	_ =	shalt  }
0x62: {  	_ =	shalt  }
0x63: {  	_ =	shalt  }
0x64: {  	_ =	shalt  }
0x65: {  	_ =	shalt  }
0x66: {  	_ =	shalt  }
0x67: {  	_ =	shalt  }
0x68: {  	_ =	shalt  }
0x69: {  	_ =	shalt  }
0x6a: {  	_ =	shalt  }
0x6b: {  	_ =	shalt  }
0x6c: {  	_ =	shalt  }
0x6d: {  	_ =	shalt  }
0x6e: {  	_ =	shalt  }
0x6f: {  	_ =	shalt  }
0x70: {  	_ =	shalt  }
0x71: {  	_ =	shalt  }
0x72: {  	_ =	shalt  }
0x73: {  	_ =	shalt  }
0x74: {  	_ =	shalt  }
0x75: {  	_ =	shalt  }
0x76: {  	_ =	shalt  }
0x77: {  	_ =	shalt  }
0x78: {  	_ =	shalt  }
0x79: {  	_ =	shalt  }
0x7a: {  	_ =	shalt  }
0x7b: {  	_ =	shalt  }
0x7c: {  	_ =	shalt  }
0x7d: {  	_ =	shalt  }
0x7e: {  	_ =	shalt  }
0x7f: {  	_ =	shalt  }
0x80: {  	_ =	shalt  }
0x81: {  	_ =	shalt  }
0x82: {  	_ =	shalt  }
0x83: {  	_ =	shalt  }
0x84: {  	_ =	shalt  }
0x85: {  	_ =	shalt  }
0x86: {  	_ =	shalt  }
0x87: {  	_ =	shalt  }
.Lfunc_end0:
.L_simem_size_0:
called_computation_lowered:
.L_overlay_start_0:
0x88: {  	s2 =	sld [smem:$0x3FD9]  }
0x89: {  	s3 =	sld [smem:$0x3FFE];
	_ =	sdelay $0x1  }
0x8a: {  	s1 =	srdreg.scid  }
0x8b: {  	s0 =	sand.u32 $0x1, s1  }
0x8c: {  	s16 =	sshll.u32 s0, $0xA;
	s2 =	sadd.s32 s3, s2  }
0x8d: {  	s2 =	sadd.s32 s2, s16  }
0x8e: {  	[smem:$0x3FC0] =	sst s2  }
0x8f: {  	_ = 	snop  }
0x90: {  	(tm) =	ssettm $0x1  }
0x91: {  	s17 =	sld [smem:$0x3FFB];
	_ =	sdelay $0x3  }
0x92: {  	_ =	strace s17  }
0x93: {  	s2 =	sld [smem:$0x3FFC];
	_ =	sdelay $0x3  }
0x94: {  	_ =	strace s2  }
0x95: {  	s2 =	sld [smem:$0x3FFD];
	_ =	sdelay $0x3  }
0x96: {  	_ =	strace s2  }
0x97: {  	_ =	strace $0x8FFFFFFF  }
0x98: {  	s18 =	sld [smem:$0x3FDB];
	_ =	sdelay $0x1  }
0x99: {  	s19 =	simm.s32 $_scs_section_size  }
0x9a: {  	s4 =	simm.s32 $_size__tile_overlayer_lowered;
	s5 =	simm.s32 $_tile_overlayer_lowered  }
0x9b: {  	s22 =	simm.s32 $0x1BFF;
	s21 =	sshll.u32 s5, $0x1;
	s2 =	sadd.s32 s19, s18  }
0x9c: {  	s6 =	simm.s32 $0x0;
	s20 =	sshll.u32 s4, $0x1;
	s4 =	sadd.s32 s21, s2  }
0x9d: {  	[timem:s6], [sflag:s22] =	dma.local [hbm:s4], s20  }
0x9e: {  	_ =	swait.ge [sflag:s22], s20  }
0x9f: {  	s3 =	ssub.s32 $0x0, s20;
	[sflag:s22] =	ssyncset.done $0x0  }
0xa0: {  	[sflag:s22] =	ssyncadd.s32 s3;
	_ =	sdelay $0x1  }
0xa1: {  	s23 =	simm.s32 $0x1B8B  }
0xa2: {  	_ =	swait.ge [sflag:s23], $0x1  }
0xa3: {  	[sflag:s23] =	ssyncset.done $0x0  }
0xa4: {  	s25 =	simm.s32 $0x1B8E;
	s24 =	sld [smem:$0x3FFE];
	[sflag:s23] =	ssyncadd.s32 $0xFFFFFFFF  }
0xa5: {  	s26 =	simm.s32 $execute0_lowered;
	[smem:$0x3FD2] =	sst s25  }
0xa6: {  	s4 =	sshll.u32 s26, $0x1;
	_ =	strace $0x80000046;
	[dreg:$0x1] =	wrdreg $0xFFFFFFFF  }
0xa7: {  	s28 =	simm.s32 $_size_execute0_lowered;
	s2 =	sadd.s32 s2, s4;
	[dreg:$0x0] =	wrdreg $0x0  }
0xa8: {  	s4 =	sshll.u32 s28, $0x1;
	[dreg:$0x2] =	wrdreg s2  }
0xa9: {  	[dreg:$0x3] =	wrdreg s4  }
0xaa: {  	[dreg:$0x4] =	wrdreg $0xC0  }
0xab: {  	_ =	task [dreg:s6], $0x5FFFF  }
0xac: {  	[dreg:$0x1] =	wrdreg $0xFFFFFFFF  }
0xad: {  	[dreg:$0x0] =	wrdreg $0x60  }
0xae: {  	[dreg:$0x2] =	wrdreg s24  }
0xaf: {  	[dreg:$0x3] =	wrdreg $0x9  }
0xb0: {  	_ =	task.clear_ibuf [dreg:s6], $0x4FFFF;
	_ =	strace $0x90000046  }
0xb1: {  	s29 =	simm.s32 $0x9;
	_ =	strace $0x80000048  }
0xb2: {  	_ =	swait.ge [sflag:s29], $0x1  }
0xb3: {  	[sflag:s29] =	ssyncadd.s32 $0xFFFFFFFF  }
0xb4: {  	_ =	strace $0x90000048  }
0xb5: {  	_ =	sfence  }
0xb6: {  	s30 =	sld [smem:$0x0];
	_ =	sdelay $0x2  }
0xb7: {  	s31 =	sshll.u32 s1, $0xD;
	s1 =	sshrl.u32 s1, $0x2  }
0xb8: {  	s3 =	sand.u32 $0x4000, s31;
	s1 =	sadd.s32 s1, s30  }
0xb9: {  	s0 =	sor.u32 s3, s0;
	s1 =	sshll.u32 s1, $0x11  }
0xba: {  	s0 =	sor.u32 s1, s0  }
0xbb: {  	s0 =	sadd.s32 $0x8F2B, s0  }
0xbc: {  	[sflag:s0] =	ssyncadd.remote.s32 $0x1  }
0xbd: {  	_ =	sfence.sel $0xFFFF  }
0xbe: {  	[dreg:$0x0] =	wrdreg $0xFFFFFFFF;
	(pc) =	sbr.abs _section_cstart, $3  }
0xbf: {  	[dreg:$0x1] =	wrdreg $0xFFFFFFFF  }
0xc0: {  	_ =	task.clear_ibuf [dreg:s6], $0x2FFFF;
	_ =	strace $0x9FFFFFFF  }
0xc1: {  	(tm) =	ssettm $0x7FFFFFFF  }
tec
execute0_lowered:
.L_overlay_start_1:
0x0: {  	(tag) =	ssettag $0x1  }
0x1: {  	s1 =	srdreg.scid;
	s0 =	stileid.u32  }
0x2: {  	s4 =	rddreg [dreg:$0x0];
	s2 =	simm.s32 $0x0;
	s8 =	simm.s32 $0x80  }
0x3: {  	s9 =	simm.s32 $0x1;
	s10 =	simm.s32 $0xA400;
	s11 =	simm.s32 $0x0  }
0x4: {  	s3 =	sand.u32 $0x1, s1;
	s5 =	sshll.u32 s0, $0x1;
	[smem:$0x7FF] =	sst s2  }
0x5: {  	s1 =	rddreg [dreg:$0x1];
	s5 =	sor.u32 s3, s5;
	_ =	strace $0x80000047  }
0x6: {  	s7 =	ssub.s32 $0x2, s3;
	s6 =	smul.u32 $0xC80, s5;
	s5 =	sshll.u32 s5, $0xB  }
0x7: {  	s3 =	sadd.s32 $0xF43000, s4;
	s31 =	sshrl.u32 s7, $0x1;
	s5 =	sadd.s32 s5, s4  }
0x8: {  	s7 =	ssub.s32 s7, s31;
	s6 =	sadd.s32 s6, s4;
	s5 =	sadd.s32 $0x19A00, s5  }
0x9: {  	v0 =	vimm.f32 $0.0e+00;
	s4 =	sadd.s32 $0xA00, s6;
	s6 =	smax.u32 s7, $0x1;
	s7 =	simm.s32 $0x2  }
.LBB2_1:
0xa: {  	[tilespmem:s2], [sflag:$0x2] =	stream.linear.gather [hbm4b:s4+s2], $0x6400, $0x38;
	[tilespmem:$0xE400] =	vst v63  }
0xb: {  	_ =	swait.ge [sflag:s7], $0x6400  }
0xc: {  	[sflag:s7] =	ssyncset.done $0x0  }
0xd: {  	s12 =	simm.s32 $0x0;
	[sflag:s7] =	ssyncadd.s32 $0xFFFF9C00  }
.LBB2_2:
0xe: {  	p0 =	sne.s32 s12, $0xFF80  }
.Ltmp0:
0xf: {  	_ = 	snop;
	(pc) =	sbr.rel @p0 .LBB2_2-.Ltmp0, $4  }
0x10: {  	_ = 	snop  }
0x11: {  	s13 =	sshra.s32 s12, $0x2  }
0x12: {  	[tilespmem:s13+$0x6400] =	vst v0  }
0x13: {  	s12 =	sadd.s32 $0x80, s12;
	[tilespmem:s13+$0x6410] =	vst v0  }
0x14: {  	s12 =	simm.s32 $0x0  }
0x15: {  	s13 =	sand.u32 $0xC000, s12  }
0x16: {  	s13 =	sshrl.u32 s13, $0x2  }
0x17: {  	s13 =	sadd.s32 $0x6400, s13  }
0x18: {  	[tilespmem:s13], [sflag:$0x1] =	stream.indirect.gather.add.f32 [hbm:s3], $0x20, s12, s8, $0xb8;
	[tilespmem:$0xE400] =	vst v63  }
0x19: {  	s13 =	simm.s32 $0x4000  }
.LBB2_4:
0x1a: {  	p0 =	sne.s32 s13, $0x31C000  }
.Ltmp1:
0x1b: {  	_ = 	snop;
	(pc) =	sbr.rel @p0 .LBB2_4-.Ltmp1, $4  }
0x1c: {  	s14 =	sand.u32 $0xC000, s13  }
0x1d: {  	s14 =	sshrl.u32 s14, $0x2  }
0x1e: {  	s13 =	sadd.s32 $0x4000, s13;
	s12 =	sadd.s32 $0x80, s12;
	s14 =	sadd.s32 $0x6400, s14  }
0x1f: {  	[tilespmem:s14], [sflag:$0x1] =	stream.indirect.gather.add.f32 [hbm:s3], $0x20, s12, s8, $0xb8;
	[tilespmem:$0xE400] =	vst v63  }
0x20: {  	s12 =	simm.s32 $0xC8  }
.LBB2_6:
0x21: {  	p0 =	sne.s32 s12, $0x1  }
.Ltmp2:
0x22: {  	_ = 	snop;
	(pc) =	sbr.rel @p0 .LBB2_6-.Ltmp2, $4  }
0x23: {  	_ = 	snop  }
0x24: {  	_ =	swait.ge [sflag:s9], $0x1000  }
0x25: {  	[sflag:s9] =	ssyncset.done $0x0  }
0x26: {  	s12 =	sadd.s32 $0xFFFFFFFF, s12;
	[sflag:s9] =	ssyncadd.s32 $0xFFFFF000  }
0x27: {  	s12 =	simm.s32 $0x0  }
0x28: {  	v4 =	vld [tilespmem:s12+$0x6470]  }
0x29: {  	v5 =	vld [tilespmem:s12+$0x6400]  }
0x2a: {  	v6 =	vld [tilespmem:s12+$0x6410]  }
0x2b: {  	v3 =	vld [tilespmem:s12+$0x6420]  }
0x2c: {  	v1 =	vld [tilespmem:s12+$0x6430]  }
0x2d: {  	v2 =	vld [tilespmem:s12+$0x6440];
	[tilespmem:s12+$0xA470] =	vst v4  }
0x2e: {  	[tilespmem:s12+$0xA400] =	vst v5;
	v4 =	vld [tilespmem:s12+$0x6450]  }
0x2f: {  	s13 =	simm.s32 $0x80;
	s14 =	simm.s32 $0x400;
	[tilespmem:s12+$0xA410] =	vst v6;
	v5 =	vld [tilespmem:s12+$0x6460]  }
.LBB2_8:
0x30: {  	p0 =	sne.s32 s14, $0xFE00;
	v6 =	vld [tilespmem:s13+$0x6470];
	[tilespmem:s12+$0xA420] =	vst v3  }
0x31: {  	v7 =	vld [tilespmem:s13+$0x6400];
	[tilespmem:s12+$0xA430] =	vst v1  }
0x32: {  	v8 =	vld [tilespmem:s13+$0x6410];
	[tilespmem:s12+$0xA440] =	vst v2  }
.Ltmp3:
0x33: {  	v3 =	vld [tilespmem:s13+$0x6420];
	[tilespmem:s12+$0xA450] =	vst v4;
	(pc) =	sbr.rel @p0 .LBB2_8-.Ltmp3, $4  }
0x34: {  	v1 =	vld [tilespmem:s13+$0x6430];
	[tilespmem:s12+$0xA460] =	vst v5;
	s12 =	smov.u32 s13  }
0x35: {  	v2 =	vld [tilespmem:s12+$0x6440];
	[tilespmem:s12+$0xA470] =	vst v6  }
0x36: {  	[tilespmem:s12+$0xA400] =	vst v7;
	v4 =	vld [tilespmem:s12+$0x6450]  }
0x37: {  	s13 =	sshra.s32 s14, $0x2;
	s14 =	sadd.s32 $0x200, s14;
	[tilespmem:s12+$0xA410] =	vst v8;
	v5 =	vld [tilespmem:s12+$0x6460]  }
0x38: {  	v6 =	vld [tilespmem:s13+$0x6470];
	[tilespmem:s12+$0xA420] =	vst v3  }
0x39: {  	v3 =	vld [tilespmem:s13+$0x6400];
	[tilespmem:s12+$0xA430] =	vst v1  }
0x3a: {  	v1 =	vld [tilespmem:s13+$0x6410];
	[tilespmem:s12+$0xA440] =	vst v2  }
0x3b: {  	v2 =	vld [tilespmem:s13+$0x6420];
	[tilespmem:s12+$0xA450] =	vst v4  }
0x3c: {  	v4 =	vld [tilespmem:s13+$0x6430];
	[tilespmem:s12+$0xA460] =	vst v5  }
0x3d: {  	v5 =	vld [tilespmem:s13+$0x6440];
	[tilespmem:s13+$0xA470] =	vst v6  }
0x3e: {  	[tilespmem:s13+$0xA400] =	vst v3;
	v3 =	vld [tilespmem:s13+$0x6450]  }
0x3f: {  	[tilespmem:s13+$0xA410] =	vst v1;
	v1 =	vld [tilespmem:s13+$0x6460]  }
0x40: {  	[tilespmem:s13+$0xA420] =	vst v2  }
0x41: {  	[tilespmem:s13+$0xA430] =	vst v4  }
0x42: {  	s11 =	sadd.s32 $0x1, s11;
	[tilespmem:s13+$0xA440] =	vst v5  }
0x43: {  	p0 =	sne.s32 s11, s6;
	[tilespmem:s13+$0xA450] =	vst v3  }
.Ltmp4:
0x44: {  	[tilespmem:s13+$0xA460] =	vst v1;
	(pc) =	sbr.rel @p0 .LBB2_1-.Ltmp4, $4  }
0x45: {  	[hbm4b:s5+s2] =	stream.linear.scatter [tilespmem:s10], [sflag:$0x2], $0x4000, $0x38;
	[tilespmem:$0xE400] =	vst v63  }
0x46: {  	_ =	swait.ge [sflag:s7], $0x4000  }
0x47: {  	[sflag:s7] =	ssyncset.done $0x0  }
0x48: {  	[sflag:s7] =	ssyncadd.s32 $0xFFFFC000  }
0x49: {  	_ =	sfence.sel $0x180000  }
0x4a: {  	[bflag:$0x0] =	sbarrier.arrive $0xFFFF  }
0x4b: {  	p0 =	sne.s32 s0, $0x0;
	_ =	strace $0x90000047  }
0x4c: {  	s0 =	sadd.s32 @!p0 $0x100000, s1;
	[bflag:$0x2] =	sbarrier.arrive $0xFFFF  }
0x4d: {  	[sflag:s0] =	ssyncadd.tile.s32 @!p0 $0x1;
	_ =	shalt  }
.Lfunc_end2:
_tile_overlayer_lowered:
.L_overlay_start_2:
0x4e: {  	(tag) =	ssettag $0x2  }
0x4f: {  	s0 =	rddreg [dreg:$0x0];
	s2 =	stileid.u32  }
0x50: {  	s1 =	rddreg [dreg:$0x1];
	p0 =	sne.s32 s2, $0x0  }
0x51: {  	s3 =	rddreg [dreg:$0x2];
	[bflag:$0x3] =	sbarrier.arrive $0xFFFF;
	s2 =	simm.s32 @!p0 $0x1C02  }
0x52: {  	[timem:s3], [sflag:s2] =	dma.local @!p0 [hbm:s0], s1  }
0x53: {  	s0 =	simm.s32 @!p0 $0x2  }
0x54: {  	_ =	swait.ge @!p0 [sflag:s0], s1  }
0x55: {  	s1 =	ssub.s32 @!p0 $0x0, s1;
	[sflag:s0] =	ssyncset.done @!p0 $0x0  }
0x56: {  	[sflag:s0] =	ssyncadd.s32 @!p0 s1  }
0x57: {  	[bflag:$0x3] =	sbarrier.arrive $0xFFFF  }
0x58: {  	_ =	shalt  }

// kernel: kernel.7.cloned.1.call-start
scs
__scs_entry_jumppad:
0x0: {  	(pc) =	sbr.rel $0x88, $3  }
0x1: {  	(tag) =	ssettag $0x0;
	lr =	simm.s32 $0x1  }
0x2: {  	[smem:$0x3F99] =	sst lr;
	_ =	strace $0xD0000000  }
0x3: {  	_ = 	snop  }
0x4: {  	_ = 	snop  }
0x5: {  	_ = 	snop  }
0x6: {  	_ = 	snop  }
0x7: {  	_ = 	snop  }
__scs_overlays_trampoline_lowered:
0x8: {  	[smem:$0x3FA8] =	sst s0  }
0x9: {  	[smem:$0x3FA9] =	sst s1  }
0xa: {  	[smem:$0x3FAA] =	sst s2  }
0xb: {  	[smem:$0x3FAB] =	sst s3  }
0xc: {  	[smem:$0x3FAC] =	sst s4  }
0xd: {  	[smem:$0x3FAD] =	sst s5  }
0xe: {  	[smem:$0x3FAE] =	sst s6  }
0xf: {  	[smem:$0x3FAF] =	sst s7  }
0x10: {  	[smem:$0x3FB0] =	sst s8  }
0x11: {  	[smem:$0x3FB1] =	sst s9;
	s0 =	simm.s32 @!p0 $0x0  }
0x12: {  	s1 =	sld [smem:$0x3F97];
	s0 =	simm.s32 @p0 $0x1  }
0x13: {  	[smem:$0x3FB2] =	sst s0;
	s0 =	simm.s32 @!p1 $0x0  }
0x14: {  	s2 =	sld [smem:$0x3F96];
	s0 =	simm.s32 @p1 $0x1  }
0x15: {  	[smem:$0x3FB3] =	sst s0;
	s0 =	simm.s32 @!p2 $0x0  }
0x16: {  	s3 =	sld [smem:$0x3FDB];
	s0 =	simm.s32 @p2 $0x1  }
0x17: {  	s4 =	simm.s32 $0x1BF5;
	[smem:$0x3FB5] =	sst s0  }
0x18: {  	s0 =	sld [smem:$0x3F98];
	_ =	swait.ge [sflag:s4], $0x0  }
0x19: {  	s7 =	sld [smem:$0x3F99]  }
0x1a: {  	s8 =	sadd.s32 $0xFFFFE003, lr  }
0x1b: {  	s9 =	sadd.s32 $0xFFFFFEF7, lr;
	s5 =	simm.s32 $0xFFFFFFFF;
	p2 =	slt.u32 s8, $0xFFFFF086  }
0x1c: {  	p1 =	slt.u32 s9, $0xF7A;
	s5 =	simm.s32 @!p2 $0x0  }
0x1d: {  	s5 =	simm.s32 @p1 $0x1;
	p0 =	seq.s32 s7, s2  }
0x1e: {  	s7 =	smul.u32 @!p0 $0xF7A, s2;
	p2 =	seq.s32 @!p0 s5, $0x0  }
0x1f: {  	s9 =	smul.u32 $0xF7A, s1;
	s8 =	simm.s32 @!p0 $0x1BF5;
	p2 =	por !p2, p0  }
0x20: {  	[sflag:s8] =	ssyncset.s32 @!p0 $0xFFFFF086;
	s6 =	sadd.s32 @!p0 s3, s7;
	s7 =	simm.s32 @!p0 $0x108  }
0x21: {  	s3 =	sadd.s32 s3, s9;
	s6 =	sadd.s32 @!p0 $0x88, s6;
	s7 =	simm.s32 @p2 $0x1082  }
0x22: {  	[simem:s7], [sflag:s8] =	dma.local @!p0 [hbm:s6], $0xF7A  }
0x23: {  	s9 =	sor.u32 $0xD0000000, s2;
	s6 =	simm.s32 $0x108;
	_ =	swait.ge @!p0 [sflag:s8], $0x0  }
0x24: {  	s3 =	sadd.s32 $0x88, s3;
	s6 =	simm.s32 @!p1 $0x1082;
	[sflag:s4] =	ssyncset.s32 $0xFFFFF086  }
0x25: {  	[simem:s6], [sflag:s4] =	dma.local [hbm:s3], $0xF7A  }
0x26: {  	[smem:$0x3F99] =	sst s1;
	(tag) =	ssettag s2;
	_ =	strace s9  }
0x27: {  	s1 =	sld [smem:$0x3FA9]  }
0x28: {  	s2 =	sld [smem:$0x3FAA]  }
0x29: {  	s4 =	sld [smem:$0x3FAC]  }
0x2a: {  	p0 =	seq.s32 s5, $0x0;
	s5 =	sld [smem:$0x3FAD]  }
0x2b: {  	s6 =	sld [smem:$0x3FAE]  }
0x2c: {  	s7 =	sld [smem:$0x3FAF]  }
0x2d: {  	s3 =	simm.s32 $0x108;
	s8 =	sld [smem:$0x3FB0]  }
0x2e: {  	s3 =	simm.s32 @!p0 $0x1082;
	s9 =	sld [smem:$0x3FB1]  }
0x2f: {  	lr =	sadd.s32 s0, s3;
	s0 =	sld [smem:$0x3FA8]  }
0x30: {  	s3 =	sld [smem:$0x3FAB]  }
0x31: {  	[smem:$0x3FB4] =	sst s10  }
0x32: {  	s10 =	sld [smem:$0x3FB2];
	_ =	sdelay $0x3  }
0x33: {  	p0 =	seq.s32 s10, $0x1;
	s10 =	sld [smem:$0x3FB4];
	_ =	sdelay $0x3  }
0x34: {  	[smem:$0x3FB4] =	sst s10  }
0x35: {  	s10 =	sld [smem:$0x3FB3];
	_ =	sdelay $0x3  }
0x36: {  	p1 =	seq.s32 s10, $0x1;
	s10 =	sld [smem:$0x3FB4];
	_ =	sdelay $0x3  }
0x37: {  	[smem:$0x3FB4] =	sst s10  }
0x38: {  	s10 =	sld [smem:$0x3FB5]  }
0x39: {  	_ = 	snop;
	(pc) =	sbr.ind lr, $3  }
0x3a: {  	_ = 	snop  }
0x3b: {  	_ = 	snop  }
0x3c: {  	p2 =	seq.s32 s10, $0x1;
	s10 =	sld [smem:$0x3FB4]  }
0x3d: {  	_ =	shalt  }
0x3e: {  	_ =	shalt  }
0x3f: {  	_ =	shalt  }
0x40: {  	_ =	shalt  }
0x41: {  	_ =	shalt  }
0x42: {  	_ =	shalt  }
0x43: {  	_ =	shalt  }
0x44: {  	_ =	shalt  }
0x45: {  	_ =	shalt  }
0x46: {  	_ =	shalt  }
0x47: {  	_ =	shalt  }
0x48: {  	_ =	shalt  }
0x49: {  	_ =	shalt  }
0x4a: {  	_ =	shalt  }
0x4b: {  	_ =	shalt  }
0x4c: {  	_ =	shalt  }
0x4d: {  	_ =	shalt  }
0x4e: {  	_ =	shalt  }
0x4f: {  	_ =	shalt  }
0x50: {  	_ =	shalt  }
0x51: {  	_ =	shalt  }
0x52: {  	_ =	shalt  }
0x53: {  	_ =	shalt  }
0x54: {  	_ =	shalt  }
0x55: {  	_ =	shalt  }
0x56: {  	_ =	shalt  }
0x57: {  	_ =	shalt  }
0x58: {  	_ =	shalt  }
0x59: {  	_ =	shalt  }
0x5a: {  	_ =	shalt  }
0x5b: {  	_ =	shalt  }
0x5c: {  	_ =	shalt  }
0x5d: {  	_ =	shalt  }
0x5e: {  	_ =	shalt  }
0x5f: {  	_ =	shalt  }
0x60: {  	_ =	shalt  }
0x61: {  	_ =	shalt  }
0x62: {  	_ =	shalt  }
0x63: {  	_ =	shalt  }
0x64: {  	_ =	shalt  }
0x65: {  	_ =	shalt  }
0x66: {  	_ =	shalt  }
0x67: {  	_ =	shalt  }
0x68: {  	_ =	shalt  }
0x69: {  	_ =	shalt  }
0x6a: {  	_ =	shalt  }
0x6b: {  	_ =	shalt  }
0x6c: {  	_ =	shalt  }
0x6d: {  	_ =	shalt  }
0x6e: {  	_ =	shalt  }
0x6f: {  	_ =	shalt  }
0x70: {  	_ =	shalt  }
0x71: {  	_ =	shalt  }
0x72: {  	_ =	shalt  }
0x73: {  	_ =	shalt  }
0x74: {  	_ =	shalt  }
0x75: {  	_ =	shalt  }
0x76: {  	_ =	shalt  }
0x77: {  	_ =	shalt  }
0x78: {  	_ =	shalt  }
0x79: {  	_ =	shalt  }
0x7a: {  	_ =	shalt  }
0x7b: {  	_ =	shalt  }
0x7c: {  	_ =	shalt  }
0x7d: {  	_ =	shalt  }
0x7e: {  	_ =	shalt  }
0x7f: {  	_ =	shalt  }
0x80: {  	_ =	shalt  }
0x81: {  	_ =	shalt  }
0x82: {  	_ =	shalt  }
0x83: {  	_ =	shalt  }
0x84: {  	_ =	shalt  }
0x85: {  	_ =	shalt  }
0x86: {  	_ =	shalt  }
0x87: {  	_ =	shalt  }
.Lfunc_end0:
.L_simem_size_0:
called_computation.1_lowered:
.L_overlay_start_0:
0x88: {  	s2 =	sld [smem:$0x3FD9]  }
0x89: {  	s3 =	sld [smem:$0x3FFE];
	_ =	sdelay $0x1  }
0x8a: {  	s1 =	srdreg.scid  }
0x8b: {  	s0 =	sand.u32 $0x1, s1  }
0x8c: {  	s17 =	sshll.u32 s0, $0xA;
	s2 =	sadd.s32 s3, s2  }
0x8d: {  	s2 =	sadd.s32 s2, s17  }
0x8e: {  	[smem:$0x3FC0] =	sst s2  }
0x8f: {  	_ = 	snop  }
0x90: {  	s2 =	sld [smem:$0x3FC9]  }
0x91: {  	s18 =	sld [smem:$0x3FC8]  }
0x92: {  	s4 =	sld [smem:$0x3FC6]  }
0x93: {  	s5 =	sld [smem:$0x3FD0];
	(tm) =	ssettm $0x1  }
0x94: {  	s6 =	sld [smem:$0x3FFB];
	_ =	sdelay $0x3  }
0x95: {  	_ =	strace s6  }
0x96: {  	s6 =	sld [smem:$0x3FFC];
	_ =	sdelay $0x3  }
0x97: {  	_ =	strace s6  }
0x98: {  	s6 =	sld [smem:$0x3FFD];
	_ =	sdelay $0x3  }
0x99: {  	_ =	strace s6  }
0x9a: {  	_ =	strace $0x8FFFFFFF  }
0x9b: {  	s19 =	sld [smem:$0x3FDB];
	_ =	sdelay $0x1  }
0x9c: {  	s7 =	simm.s32 $_scs_section_size  }
0x9d: {  	s8 =	simm.s32 $_size__tile_overlayer_lowered;
	s9 =	simm.s32 $_tile_overlayer_lowered  }
0x9e: {  	s22 =	simm.s32 $0x1BFF;
	s21 =	sshll.u32 s9, $0x1;
	s6 =	sadd.s32 s7, s19  }
0x9f: {  	s10 =	simm.s32 $0x0;
	s20 =	sshll.u32 s8, $0x1;
	s8 =	sadd.s32 s21, s6  }
0xa0: {  	[timem:s10], [sflag:s22] =	dma.local [hbm:s8], s20  }
0xa1: {  	_ =	swait.ge [sflag:s22], s20  }
0xa2: {  	s7 =	ssub.s32 $0x0, s20;
	[sflag:s22] =	ssyncset.done $0x0  }
0xa3: {  	[sflag:s22] =	ssyncadd.s32 s7;
	_ =	sdelay $0x1  }
0xa4: {  	s23 =	simm.s32 $0x1B8B  }
0xa5: {  	_ =	swait.ge [sflag:s23], $0x1  }
0xa6: {  	[sflag:s23] =	ssyncset.done $0x0  }
0xa7: {  	s25 =	simm.s32 $0x1B8E;
	s24 =	sld [smem:$0x3FFE];
	[sflag:s23] =	ssyncadd.s32 $0xFFFFFFFF  }
0xa8: {  	s26 =	simm.s32 $execute0_lowered;
	[smem:$0x3FD2] =	sst s25  }
0xa9: {  	s8 =	sshll.u32 s26, $0x1;
	_ =	strace $0x80000049;
	[dreg:$0x1] =	wrdreg $0xFFFFFFFF  }
0xaa: {  	s28 =	simm.s32 $_size_execute0_lowered;
	s6 =	sadd.s32 s6, s8;
	[dreg:$0x0] =	wrdreg $0x0  }
0xab: {  	s8 =	sshll.u32 s28, $0x1;
	[dreg:$0x2] =	wrdreg s6  }
0xac: {  	[dreg:$0x3] =	wrdreg s8  }
0xad: {  	[dreg:$0x4] =	wrdreg $0xC0  }
0xae: {  	_ =	task [dreg:s10], $0x5FFFF  }
0xaf: {  	[dreg:$0x1] =	wrdreg $0xFFFFFFFF  }
0xb0: {  	[dreg:$0x0] =	wrdreg $0x60  }
0xb1: {  	[dreg:$0x2] =	wrdreg s2  }
0xb2: {  	[dreg:$0x3] =	wrdreg s18  }
0xb3: {  	[dreg:$0x4] =	wrdreg s4  }
0xb4: {  	[dreg:$0x5] =	wrdreg s24  }
0xb5: {  	[dreg:$0x6] =	wrdreg s5  }
0xb6: {  	[dreg:$0x7] =	wrdreg $0x9  }
0xb7: {  	_ =	task.clear_ibuf [dreg:s10], $0x8FFFF;
	_ =	strace $0x90000049  }
0xb8: {  	s29 =	simm.s32 $0x9;
	_ =	strace $0x8000004B  }
0xb9: {  	_ =	swait.ge [sflag:s29], $0x1  }
0xba: {  	[sflag:s29] =	ssyncadd.s32 $0xFFFFFFFF  }
0xbb: {  	_ =	strace $0x9000004B  }
0xbc: {  	_ =	sfence  }
0xbd: {  	s30 =	sld [smem:$0x0];
	_ =	sdelay $0x2  }
0xbe: {  	s31 =	sshll.u32 s1, $0xD;
	s1 =	sshrl.u32 s1, $0x2  }
0xbf: {  	s3 =	sand.u32 $0x4000, s31;
	s1 =	sadd.s32 s1, s30  }
0xc0: {  	s0 =	sor.u32 s3, s0;
	s1 =	sshll.u32 s1, $0x11  }
0xc1: {  	s0 =	sor.u32 s1, s0  }
0xc2: {  	s0 =	sadd.s32 $0x8F2B, s0  }
0xc3: {  	[sflag:s0] =	ssyncadd.remote.s32 $0x1  }
0xc4: {  	_ =	sfence.sel $0xFFFF  }
0xc5: {  	[dreg:$0x0] =	wrdreg $0xFFFFFFFF;
	(pc) =	sbr.abs _section_cstart, $3  }
0xc6: {  	[dreg:$0x1] =	wrdreg $0xFFFFFFFF  }
0xc7: {  	_ =	task.clear_ibuf [dreg:s10], $0x2FFFF;
	_ =	strace $0x9FFFFFFF  }
0xc8: {  	(tm) =	ssettm $0x7FFFFFFF  }
0xc9: {  	_ =	shalt  }
tec
execute0_lowered:
.L_overlay_start_1:
0x0: {  	(tag) =	ssettag $0x1  }
0x1: {  	s0 =	rddreg [dreg:$0x0]  }
0x2: {  	s1 =	rddreg [dreg:$0x1]  }
0x3: {  	s6 =	rddreg [dreg:$0x2]  }
0x4: {  	s7 =	rddreg [dreg:$0x3]  }
0x5: {  	s10 =	rddreg [dreg:$0x4];
	s2 =	simm.s32 $0x0  }
0x6: {  	s3 =	srdreg.scid;
	s4 =	stileid.u32;
	s15 =	simm.s32 $0xAA00  }
0x7: {  	s16 =	simm.s32 $0x40;
	s17 =	simm.s32 $0xA00;
	s18 =	simm.s32 $0x2A00  }
0x8: {  	s19 =	simm.s32 $0x4A00;
	s20 =	simm.s32 $0x1;
	s22 =	simm.s32 $0x0  }
0x9: {  	s23 =	simm.s32 $0x0;
	[smem:$0x7FF] =	sst s2;
	s8 =	sand.u32 $0x1, s3  }
0xa: {  	s5 =	sshll.u32 s4, $0x1;
	s3 =	sadd.s32 $0x29A00, s7;
	s4 =	sadd.s32 $0x3FA400, s7  }
0xb: {  	_ =	strace $0x8000004A;
	s9 =	sor.u32 s8, s5;
	s8 =	ssub.s32 $0x2, s8  }
0xc: {  	s5 =	sadd.s32 $0x7CAE00, s7;
	s11 =	sshll.u32 s9, $0xB;
	s30 =	sshrl.u32 s8, $0x1  }
0xd: {  	s12 =	sshll.u32 s9, $0x6;
	s11 =	sadd.s32 s11, s7;
	s13 =	ssub.s32 s8, s30  }
0xe: {  	s0 =	sadd.s32 s0, s12;
	s31 =	sadd.s32 s1, s12;
	s8 =	sadd.s32 s6, s12  }
0xf: {  	v1 =	vlaneseq.u32;
	s10 =	sadd.s32 s10, s12;
	s12 =	simm.s32 $0x2;
	[dreg:$0x6] =	wrdreg s0  }
0x10: {  	v0 =	vmul.u32 $0x80, v1;
	v1 =	vmul.u32 $0x20, v1;
	[dreg:$0x7] =	wrdreg s31;
	s9 =	sadd.s32 $0x19A00, s11;
	s11 =	smax.u32 s13, $0x1  }
.LBB2_1:
0x11: {  	s0 =	rddreg [dreg:$0x6]  }
0x12: {  	[tilespmem:s2], [sflag:$0x2] =	stream.linear.gather [hbm4b:s0+s2], $0x200, $0x38;
	[tilespmem:$0xEC00] =	vst v63  }
0x13: {  	_ =	swait.ge [sflag:s12], $0x200  }
0x14: {  	[sflag:s12] =	ssyncset.done $0x0  }
0x15: {  	s1 =	simm.s32 $0x200;
	s30 =	rddreg [dreg:$0x7];
	[sflag:s12] =	ssyncadd.s32 $0xFFFFFE00  }
0x16: {  	[tilespmem:s1], [sflag:$0x2] =	stream.linear.gather [hbm4b:s30+s2], $0x200, $0x38;
	[tilespmem:$0xEC00] =	vst v63  }
0x17: {  	_ =	swait.ge [sflag:s12], $0x200  }
0x18: {  	[sflag:s12] =	ssyncset.done $0x0  }
0x19: {  	s31 =	simm.s32 $0x800;
	[sflag:s12] =	ssyncadd.s32 $0xFFFFFE00  }
0x1a: {  	[tilespmem:s31], [sflag:$0x2] =	stream.linear.gather [hbm4b:s8+s2], $0x200, $0x38;
	[tilespmem:$0xEC00] =	vst v63  }
0x1b: {  	_ =	swait.ge [sflag:s12], $0x200  }
0x1c: {  	[sflag:s12] =	ssyncset.done $0x0  }
0x1d: {  	[sflag:s12] =	ssyncadd.s32 $0xFFFFFE00  }
0x1e: {  	[tilespmem:s15], [sflag:$0x2] =	stream.linear.gather [hbm4b:s9+s2], $0x4000, $0x38;
	[tilespmem:$0xEC00] =	vst v63  }
0x1f: {  	_ =	swait.ge [sflag:s12], $0x4000  }
0x20: {  	[sflag:s12] =	ssyncset.done $0x0  }
0x21: {  	s0 =	simm.s32 $0x0;
	[sflag:s12] =	ssyncadd.s32 $0xFFFFC000  }
0x22: {  	v2 =	vld [tilespmem:s0+$0x200]  }
0x23: {  	s1 =	simm.s32 $0x40;
	v3 =	vld [tilespmem:s0+$0x0]  }
.LBB2_2:
0x24: {  	p0 =	sne.s32 s1, $0x7C0  }
.Ltmp0:
0x25: {  	_ = 	snop;
	(pc) =	sbr.rel @p0 .LBB2_2-.Ltmp0, $4  }
0x26: {  	_ = 	snop  }
0x27: {  	s6 =	sshra.s32 s1, $0x2;
	s1 =	sadd.s32 $0x40, s1;
	v4 =	vshrl.u32 v2, $0x2  }
0x28: {  	v2 =	vld [tilespmem:s6+$0x200];
	v5 =	vshrl.u32 v3, $0x2;
	[tilespmem:s0+$0x600] =	vst v4  }
0x29: {  	v3 =	vld [tilespmem:s6+$0x0];
	[tilespmem:s0+$0x400] =	vst v5;
	s0 =	smov.u32 s6  }
0x2a: {  	_ =	sdelay $0x2  }
0x2b: {  	s24 =	simm.s32 $0x200;
	v2 =	vshrl.u32 v2, $0x2  }
0x2c: {  	s25 =	simm.s32 $0xEA00;
	s26 =	simm.s32 $0x0;
	s28 =	simm.s32 $0x0;
	v3 =	vshrl.u32 v3, $0x2;
	[tilespmem:s0+$0x600] =	vst v2  }
0x2d: {  	s21 =	simm.s32 $0x0;
	s30 =	simm.s32 $0x0;
	s31 =	simm.s32 $0x0;
	[tilespmem:s0+$0x400] =	vst v3  }
.LBB2_4:
0x2e: {  	s0 =	sshll.u32 s31, $0x6  }
0x2f: {  	s1 =	sadd.s32 $0x400, s0  }
0x30: {  	[tilespmem:s17], [sflag:$0x1] =	stream.indirect.gather [hbm4b:s3+s16], $0x80, s1, s16, $0xb8;
	[tilespmem:$0xEC00] =	vst v63  }
0x31: {  	s0 =	sadd.s32 $0x600, s0  }
0x32: {  	[tilespmem:s18], [sflag:$0x1] =	stream.indirect.gather [hbm4b:s4+s16], $0x80, s0, s16, $0xb8;
	[tilespmem:$0xEC00] =	vst v63  }
0x33: {  	_ = 	snop  }
0x34: {  	[tilespmem:s19], [sflag:$0x1] =	stream.indirect.gather [hbm4b:s5+s16], $0x80, s0, s16, $0xb8;
	[tilespmem:$0xEC00] =	vst v63  }
0x35: {  	_ =	swait.ge [sflag:s20], $0x2000  }
0x36: {  	[sflag:s20] =	ssyncset.done $0x0  }
0x37: {  	[sflag:s20] =	ssyncadd.s32 $0xFFFFE000  }
0x38: {  	_ =	swait.ge [sflag:s20], $0x2000  }
0x39: {  	v2 =	vmov s24;
	[sflag:s20] =	ssyncset.done $0x0  }
0x3a: {  	[sflag:s20] =	ssyncadd.s32 $0xFFFFE000  }
0x3b: {  	_ =	swait.ge [sflag:s20], $0x2000  }
0x3c: {  	[sflag:s20] =	ssyncset.done $0x0  }
0x3d: {  	s0 =	simm.s32 $0x0;
	[sflag:s20] =	ssyncadd.s32 $0xFFFFE000  }
0x3e: {  	v3 =	vmov s28;
	v4 =	vld.idx.msk [tilespmem:v2+s0+$0x0 ss:$0x1], $0xffff;
	_ =	sdelay $0x3  }
0x3f: {  	v6 =	vmov s23  }
0x40: {  	v6 =	vshll.u32 v6, $0x7;
	v5 =	vld.idx.msk [tilespmem:v3+s0+$0x0 ss:$0x1], $0xffff;
	v4 =	vshll.u32 v4, $0x5  }
0x41: {  	v6 =	vor.u32 v0, v6;
	v4 =	vand.u32 $0x60, v4  }
0x42: {  	v4 =	vor.u32 v6, v4;
	_ =	sdelay $0x2  }
0x43: {  	v5 =	vshll.u32 v5, $0x5  }
0x44: {  	v5 =	vand.u32 $0x60, v5  }
0x45: {  	s14 =	sand.u32 $0x7, s26;
	v5 =	vor.u32 v6, v5;
	v8 =	vld.idx.msk [tilespmem:v4+s19+$0x0], $0xffff  }
0x46: {  	s1 =	sshll.u32 s14, $0x4;
	v9 =	vor.u32 $0x1, v4  }
0x47: {  	s6 =	sand.u32 $0x3FFFFC00, s21;
	s1 =	sor.u32 $0x6A00, s1  }
0x48: {  	s6 =	sadd.s32 s6, s1  }
0x49: {  	s6 =	sadd.s32 $0x0, s6;
	v6 =	vld.idx.msk [tilespmem:v4+s18+$0x0], $0xffff  }
0x4a: {  	v7 =	vld.idx.msk [tilespmem:v5+s17+$0x0], $0xffff;
	[tilespmem:s6+$0x0] =	vst v8  }
0x4b: {  	v39 =	vor.u32 $0x1, v5;
	v10 =	vld.idx.msk [tilespmem:v9+s19+$0x0], $0xffff  }
0x4c: {  	v11 =	vor.u32 $0x2, v4;
	_ =	sdelay $0x2  }
0x4d: {  	v9 =	vld.idx.msk [tilespmem:v9+s18+$0x0], $0xffff  }
0x4e: {  	v8 =	vld.idx.msk [tilespmem:v39+s17+$0x0], $0xffff;
	[tilespmem:s6+$0x80] =	vst v10  }
0x4f: {  	v40 =	vor.u32 $0x2, v5;
	v12 =	vld.idx.msk [tilespmem:v11+s19+$0x0], $0xffff  }
0x50: {  	v13 =	vor.u32 $0x3, v4;
	_ =	sdelay $0x2  }
0x51: {  	v11 =	vld.idx.msk [tilespmem:v11+s18+$0x0], $0xffff  }
0x52: {  	v10 =	vld.idx.msk [tilespmem:v40+s17+$0x0], $0xffff;
	[tilespmem:s6+$0x100] =	vst v12  }
0x53: {  	v41 =	vor.u32 $0x3, v5;
	v14 =	vld.idx.msk [tilespmem:v13+s19+$0x0], $0xffff  }
0x54: {  	v15 =	vor.u32 $0x4, v4;
	_ =	sdelay $0x2  }
0x55: {  	v13 =	vld.idx.msk [tilespmem:v13+s18+$0x0], $0xffff  }
0x56: {  	v12 =	vld.idx.msk [tilespmem:v41+s17+$0x0], $0xffff;
	[tilespmem:s6+$0x180] =	vst v14  }
0x57: {  	v42 =	vor.u32 $0x4, v5;
	v16 =	vld.idx.msk [tilespmem:v15+s19+$0x0], $0xffff  }
0x58: {  	v17 =	vor.u32 $0x5, v4;
	_ =	sdelay $0x2  }
0x59: {  	v15 =	vld.idx.msk [tilespmem:v15+s18+$0x0], $0xffff  }
0x5a: {  	v14 =	vld.idx.msk [tilespmem:v42+s17+$0x0], $0xffff;
	[tilespmem:s6+$0x200] =	vst v16  }
0x5b: {  	v43 =	vor.u32 $0x5, v5;
	v18 =	vld.idx.msk [tilespmem:v17+s19+$0x0], $0xffff  }
0x5c: {  	v19 =	vor.u32 $0x6, v4;
	_ =	sdelay $0x2  }
0x5d: {  	v17 =	vld.idx.msk [tilespmem:v17+s18+$0x0], $0xffff  }
0x5e: {  	v16 =	vld.idx.msk [tilespmem:v43+s17+$0x0], $0xffff;
	[tilespmem:s6+$0x280] =	vst v18  }
0x5f: {  	v44 =	vor.u32 $0x6, v5;
	v20 =	vld.idx.msk [tilespmem:v19+s19+$0x0], $0xffff  }
0x60: {  	v21 =	vor.u32 $0x7, v4;
	_ =	sdelay $0x2  }
0x61: {  	v19 =	vld.idx.msk [tilespmem:v19+s18+$0x0], $0xffff  }
0x62: {  	v18 =	vld.idx.msk [tilespmem:v44+s17+$0x0], $0xffff;
	[tilespmem:s6+$0x300] =	vst v20  }
0x63: {  	v45 =	vor.u32 $0x7, v5;
	v22 =	vld.idx.msk [tilespmem:v21+s19+$0x0], $0xffff  }
0x64: {  	v23 =	vor.u32 $0x8, v4  }
0x65: {  	s13 =	sadd.s32 $0x0, s30  }
0x66: {  	s13 =	sor.u32 s21, s13  }
0x67: {  	s13 =	sor.u32 $0x380, s13;
	v21 =	vld.idx.msk [tilespmem:v21+s18+$0x0], $0xffff  }
0x68: {  	v20 =	vld.idx.msk [tilespmem:v45+s17+$0x0], $0xffff;
	[tilespmem:s13+$0x6A00] =	vst v22  }
0x69: {  	v46 =	vor.u32 $0x8, v5;
	v24 =	vld.idx.msk [tilespmem:v23+s19+$0x0], $0xffff  }
0x6a: {  	v25 =	vor.u32 $0x9, v4;
	_ =	sdelay $0x2  }
0x6b: {  	v23 =	vld.idx.msk [tilespmem:v23+s18+$0x0], $0xffff  }
0x6c: {  	v22 =	vld.idx.msk [tilespmem:v46+s17+$0x0], $0xffff;
	[tilespmem:s6+$0x1000] =	vst v24  }
0x6d: {  	v47 =	vor.u32 $0x9, v5;
	v26 =	vld.idx.msk [tilespmem:v25+s19+$0x0], $0xffff  }
0x6e: {  	v27 =	vor.u32 $0xA, v4;
	_ =	sdelay $0x2  }
0x6f: {  	v25 =	vld.idx.msk [tilespmem:v25+s18+$0x0], $0xffff  }
0x70: {  	v24 =	vld.idx.msk [tilespmem:v47+s17+$0x0], $0xffff;
	[tilespmem:s6+$0x1080] =	vst v26  }
0x71: {  	v48 =	vor.u32 $0xA, v5;
	v28 =	vld.idx.msk [tilespmem:v27+s19+$0x0], $0xffff  }
0x72: {  	v29 =	vor.u32 $0xB, v4;
	_ =	sdelay $0x2  }
0x73: {  	v27 =	vld.idx.msk [tilespmem:v27+s18+$0x0], $0xffff  }
0x74: {  	v26 =	vld.idx.msk [tilespmem:v48+s17+$0x0], $0xffff;
	[tilespmem:s6+$0x1100] =	vst v28  }
0x75: {  	v49 =	vor.u32 $0xB, v5;
	v30 =	vld.idx.msk [tilespmem:v29+s19+$0x0], $0xffff  }
0x76: {  	v31 =	vor.u32 $0xC, v4;
	_ =	sdelay $0x2  }
0x77: {  	v29 =	vld.idx.msk [tilespmem:v29+s18+$0x0], $0xffff  }
0x78: {  	v28 =	vld.idx.msk [tilespmem:v49+s17+$0x0], $0xffff;
	[tilespmem:s6+$0x1180] =	vst v30  }
0x79: {  	v50 =	vor.u32 $0xC, v5;
	v32 =	vld.idx.msk [tilespmem:v31+s19+$0x0], $0xffff  }
0x7a: {  	v33 =	vor.u32 $0xD, v4;
	_ =	sdelay $0x2  }
0x7b: {  	v31 =	vld.idx.msk [tilespmem:v31+s18+$0x0], $0xffff  }
0x7c: {  	v30 =	vld.idx.msk [tilespmem:v50+s17+$0x0], $0xffff;
	[tilespmem:s6+$0x1200] =	vst v32  }
0x7d: {  	v51 =	vor.u32 $0xD, v5;
	v34 =	vld.idx.msk [tilespmem:v33+s19+$0x0], $0xffff  }
0x7e: {  	v35 =	vor.u32 $0xE, v4;
	_ =	sdelay $0x2  }
0x7f: {  	v33 =	vld.idx.msk [tilespmem:v33+s18+$0x0], $0xffff  }
0x80: {  	v32 =	vld.idx.msk [tilespmem:v51+s17+$0x0], $0xffff;
	[tilespmem:s6+$0x1280] =	vst v34  }
0x81: {  	v52 =	vor.u32 $0xE, v5;
	v36 =	vld.idx.msk [tilespmem:v35+s19+$0x0], $0xffff  }
0x82: {  	v37 =	vor.u32 $0xF, v4;
	_ =	sdelay $0x2  }
0x83: {  	v35 =	vld.idx.msk [tilespmem:v35+s18+$0x0], $0xffff  }
0x84: {  	v34 =	vld.idx.msk [tilespmem:v52+s17+$0x0], $0xffff;
	[tilespmem:s6+$0x1300] =	vst v36  }
0x85: {  	v53 =	vor.u32 $0xF, v5;
	v38 =	vld.idx.msk [tilespmem:v37+s19+$0x0], $0xffff  }
0x86: {  	v39 =	vor.u32 $0x10, v4;
	_ =	sdelay $0x2  }
0x87: {  	v37 =	vld.idx.msk [tilespmem:v37+s18+$0x0], $0xffff  }
0x88: {  	v36 =	vld.idx.msk [tilespmem:v53+s17+$0x0], $0xffff;
	[tilespmem:s6+$0x1380] =	vst v38  }
0x89: {  	v54 =	vor.u32 $0x10, v5;
	v40 =	vld.idx.msk [tilespmem:v39+s19+$0x0], $0xffff  }
0x8a: {  	v41 =	vor.u32 $0x11, v4;
	_ =	sdelay $0x2  }
0x8b: {  	v39 =	vld.idx.msk [tilespmem:v39+s18+$0x0], $0xffff  }
0x8c: {  	v42 =	vor.u32 $0x11, v5;
	v38 =	vld.idx.msk [tilespmem:v54+s17+$0x0], $0xffff;
	[tilespmem:s6+$0x2000] =	vst v40  }
0x8d: {  	v40 =	vld.idx.msk [tilespmem:v41+s19+$0x0], $0xffff  }
0x8e: {  	v43 =	vor.u32 $0x12, v4;
	_ =	sdelay $0x2  }
0x8f: {  	v42 =	vld.idx.msk [tilespmem:v42+s17+$0x0], $0xffff  }
0x90: {  	v44 =	vor.u32 $0x12, v5;
	v41 =	vld.idx.msk [tilespmem:v41+s18+$0x0], $0xffff;
	[tilespmem:s6+$0x2080] =	vst v40  }
0x91: {  	v40 =	vld.idx.msk [tilespmem:v43+s19+$0x0], $0xffff  }
0x92: {  	v45 =	vor.u32 $0x13, v4;
	_ =	sdelay $0x2  }
0x93: {  	v44 =	vld.idx.msk [tilespmem:v44+s17+$0x0], $0xffff  }
0x94: {  	v46 =	vor.u32 $0x13, v5;
	v43 =	vld.idx.msk [tilespmem:v43+s18+$0x0], $0xffff;
	[tilespmem:s6+$0x2100] =	vst v40  }
0x95: {  	v40 =	vld.idx.msk [tilespmem:v45+s19+$0x0], $0xffff  }
0x96: {  	v47 =	vor.u32 $0x14, v4;
	_ =	sdelay $0x2  }
0x97: {  	v46 =	vld.idx.msk [tilespmem:v46+s17+$0x0], $0xffff  }
0x98: {  	v48 =	vor.u32 $0x14, v5;
	v45 =	vld.idx.msk [tilespmem:v45+s18+$0x0], $0xffff;
	[tilespmem:s6+$0x2180] =	vst v40  }
0x99: {  	v40 =	vld.idx.msk [tilespmem:v47+s19+$0x0], $0xffff  }
0x9a: {  	v49 =	vor.u32 $0x15, v4;
	_ =	sdelay $0x2  }
0x9b: {  	v48 =	vld.idx.msk [tilespmem:v48+s17+$0x0], $0xffff  }
0x9c: {  	v50 =	vor.u32 $0x15, v5;
	v47 =	vld.idx.msk [tilespmem:v47+s18+$0x0], $0xffff;
	[tilespmem:s6+$0x2200] =	vst v40  }
0x9d: {  	v40 =	vld.idx.msk [tilespmem:v49+s19+$0x0], $0xffff  }
0x9e: {  	v51 =	vor.u32 $0x16, v4;
	_ =	sdelay $0x1  }
0x9f: {  	v6 =	vmul.f32 v6, v7  }
0xa0: {  	v50 =	vld.idx.msk [tilespmem:v50+s17+$0x0], $0xffff  }
0xa1: {  	v55 =	vor.u32 $0x16, v5;
	v6 =	vadd.f32 $0.0e+00, v6;
	v8 =	vmul.f32 v9, v8;
	v7 =	vld.idx.msk [tilespmem:v49+s18+$0x0], $0xffff;
	[tilespmem:s6+$0x2280] =	vst v40  }
0xa2: {  	v56 =	vld.idx.msk [tilespmem:v51+s19+$0x0], $0xffff  }
0xa3: {  	v57 =	vor.u32 $0x17, v4;
	v6 =	vadd.f32 v8, v6;
	v10 =	vmul.f32 v11, v10;
	_ =	sdelay $0x1  }
0xa4: {  	v6 =	vadd.f32 v10, v6;
	v58 =	vmul.f32 v13, v12  }
0xa5: {  	v8 =	vld.idx.msk [tilespmem:v55+s17+$0x0], $0xffff  }
0xa6: {  	v59 =	vor.u32 $0x17, v5;
	v6 =	vadd.f32 v58, v6;
	v60 =	vmul.f32 v15, v14;
	v12 =	vld.idx.msk [tilespmem:v51+s18+$0x0], $0xffff;
	[tilespmem:s6+$0x2300] =	vst v56  }
0xa7: {  	v61 =	vld.idx.msk [tilespmem:v57+s19+$0x0], $0xffff  }
0xa8: {  	v62 =	vor.u32 $0x18, v4;
	v6 =	vadd.f32 v60, v6;
	v63 =	vmul.f32 v17, v16;
	_ =	sdelay $0x1  }
0xa9: {  	v6 =	vadd.f32 v63, v6;
	v49 =	vmul.f32 v19, v18  }
0xaa: {  	v9 =	vld.idx.msk [tilespmem:v59+s17+$0x0], $0xffff  }
0xab: {  	v52 =	vmul.f32 v21, v20;
	v6 =	vadd.f32 v49, v6;
	v51 =	vor.u32 $0x18, v5;
	v15 =	vld.idx.msk [tilespmem:v57+s18+$0x0], $0xffff;
	[tilespmem:s6+$0x2380] =	vst v61  }
0xac: {  	v53 =	vld.idx.msk [tilespmem:v62+s19+$0x0], $0xffff  }
0xad: {  	v54 =	vor.u32 $0x19, v4;
	v6 =	vadd.f32 v52, v6;
	v55 =	vmul.f32 v23, v22;
	_ =	sdelay $0x1  }
0xae: {  	v6 =	vadd.f32 v55, v6;
	v57 =	vmul.f32 v25, v24  }
0xaf: {  	v56 =	vld.idx.msk [tilespmem:v51+s17+$0x0], $0xffff  }
0xb0: {  	v58 =	vor.u32 $0x19, v5;
	v59 =	vmul.f32 v27, v26;
	v6 =	vadd.f32 v57, v6;
	v11 =	vld.idx.msk [tilespmem:v62+s18+$0x0], $0xffff;
	[tilespmem:s6+$0x3000] =	vst v53  }
0xb1: {  	v60 =	vld.idx.msk [tilespmem:v54+s19+$0x0], $0xffff  }
0xb2: {  	v6 =	vadd.f32 v59, v6;
	v61 =	vor.u32 $0x1A, v4;
	v62 =	vmul.f32 v29, v28;
	_ =	sdelay $0x1  }
0xb3: {  	v28 =	vmul.f32 v31, v30;
	v6 =	vadd.f32 v62, v6  }
0xb4: {  	v63 =	vld.idx.msk [tilespmem:v58+s17+$0x0], $0xffff  }
0xb5: {  	v29 =	vor.u32 $0x1A, v5;
	v30 =	vmul.f32 v33, v32;
	v6 =	vadd.f32 v28, v6;
	v10 =	vld.idx.msk [tilespmem:v54+s18+$0x0], $0xffff;
	[tilespmem:s6+$0x3080] =	vst v60  }
0xb6: {  	v31 =	vld.idx.msk [tilespmem:v61+s19+$0x0], $0xffff  }
0xb7: {  	v32 =	vor.u32 $0x1B, v4;
	v33 =	vmul.f32 v35, v34;
	v6 =	vadd.f32 v30, v6;
	_ =	sdelay $0x1  }
0xb8: {  	v35 =	vmul.f32 v37, v36;
	v6 =	vadd.f32 v33, v6  }
0xb9: {  	v34 =	vld.idx.msk [tilespmem:v29+s17+$0x0], $0xffff  }
0xba: {  	v36 =	vor.u32 $0x1B, v5;
	v37 =	vmul.f32 v39, v38;
	v6 =	vadd.f32 v35, v6;
	v14 =	vld.idx.msk [tilespmem:v61+s18+$0x0], $0xffff;
	[tilespmem:s6+$0x3100] =	vst v31  }
0xbb: {  	v38 =	vld.idx.msk [tilespmem:v32+s19+$0x0], $0xffff  }
0xbc: {  	v40 =	vmul.f32 v41, v42;
	v39 =	vor.u32 $0x1C, v4;
	v6 =	vadd.f32 v37, v6;
	_ =	sdelay $0x1  }
0xbd: {  	v42 =	vmul.f32 v43, v44;
	v6 =	vadd.f32 v40, v6  }
0xbe: {  	v41 =	vld.idx.msk [tilespmem:v36+s17+$0x0], $0xffff  }
0xbf: {  	v43 =	vor.u32 $0x1C, v5;
	v44 =	vmul.f32 v45, v46;
	v6 =	vadd.f32 v42, v6;
	v17 =	vld.idx.msk [tilespmem:v32+s18+$0x0], $0xffff;
	[tilespmem:s6+$0x3180] =	vst v38  }
0xc0: {  	v45 =	vld.idx.msk [tilespmem:v39+s19+$0x0], $0xffff  }
0xc1: {  	v48 =	vmul.f32 v47, v48;
	v46 =	vor.u32 $0x1D, v4;
	v6 =	vadd.f32 v44, v6;
	_ =	sdelay $0x1  }
0xc2: {  	v7 =	vmul.f32 v7, v50;
	v6 =	vadd.f32 v48, v6  }
0xc3: {  	v49 =	vld.idx.msk [tilespmem:v43+s17+$0x0], $0xffff  }
0xc4: {  	v8 =	vmul.f32 v12, v8;
	v51 =	vor.u32 $0x1D, v5;
	v6 =	vadd.f32 v7, v6;
	v19 =	vld.idx.msk [tilespmem:v39+s18+$0x0], $0xffff;
	[tilespmem:s6+$0x3200] =	vst v45  }
0xc5: {  	v52 =	vld.idx.msk [tilespmem:v46+s19+$0x0], $0xffff  }
0xc6: {  	v9 =	vmul.f32 v15, v9;
	v7 =	vor.u32 $0x1E, v4;
	v6 =	vadd.f32 v8, v6;
	_ =	sdelay $0x1  }
0xc7: {  	v11 =	vmul.f32 v11, v56;
	v6 =	vadd.f32 v9, v6  }
0xc8: {  	v55 =	vor.u32 $0x1E, v5;
	v53 =	vld.idx.msk [tilespmem:v51+s17+$0x0], $0xffff  }
0xc9: {  	v56 =	vmul.f32 v10, v63;
	v6 =	vadd.f32 v11, v6;
	v54 =	vld.idx.msk [tilespmem:v46+s18+$0x0], $0xffff;
	[tilespmem:s6+$0x3280] =	vst v52  }
0xca: {  	v57 =	vld.idx.msk [tilespmem:v7+s19+$0x0], $0xffff  }
0xcb: {  	v5 =	vor.u32 $0x1F, v5;
	v58 =	vmul.f32 v14, v34;
	v6 =	vadd.f32 v56, v6  }
0xcc: {  	v4 =	vor.u32 $0x1F, v4  }
0xcd: {  	v60 =	vmul.f32 v17, v41;
	v6 =	vadd.f32 v58, v6;
	v59 =	vld.idx.msk [tilespmem:v55+s17+$0x0], $0xffff  }
0xce: {  	v7 =	vld.idx.msk [tilespmem:v7+s18+$0x0], $0xffff  }
0xcf: {  	v61 =	vmul.f32 v19, v49;
	v6 =	vadd.f32 v60, v6;
	[tilespmem:s6+$0x3300] =	vst v57  }
0xd0: {  	v5 =	vld.idx.msk [tilespmem:v5+s17+$0x0], $0xffff  }
0xd1: {  	v8 =	vmul.f32 v54, v53;
	v6 =	vadd.f32 v61, v6;
	v62 =	vld.idx.msk [tilespmem:v4+s18+$0x0], $0xffff;
	_ =	sdelay $0x1  }
0xd2: {  	v6 =	vadd.f32 v8, v6;
	v63 =	vld.idx.msk [tilespmem:v4+s19+$0x0], $0xffff;
	v4 =	vmul.f32 v7, v59;
	_ =	sdelay $0x1  }
0xd3: {  	v6 =	vadd.f32 v4, v6;
	v4 =	vmov s25  }
0xd4: {  	v5 =	vmul.f32 v62, v5;
	_ =	sdelay $0x1  }
0xd5: {  	s29 =	smov.u32 s21;
	s14 =	simm.s32 $0x0;
	s13 =	simm.s32 $0x40;
	[tilespmem:s6+$0x3380] =	vst v63;
	v5 =	vadd.f32 v5, v6  }
.LBB2_5:
0xd6: {  	p0 =	sne.s32 s13, $0xC0;
	s14 =	sadd.s32 $0x10, s14;
	s29 =	sadd.s32 $0x80, s29  }
0xd7: {  	[tilespmem:v4+s0+$0x0 ss:$0x1] =	vst.idx.msk $0xffff, v5;
	s0 =	sshra.s32 s13, $0x2;
	s13 =	sadd.s32 $0x40, s13  }
0xd8: {  	v5 =	vld.idx.msk [tilespmem:v2+s0+$0x0 ss:$0x1], $0xffff;
	_ =	sdelay $0x4  }
0xd9: {  	v7 =	vmov s14;
	v6 =	vld.idx.msk [tilespmem:v3+s0+$0x0 ss:$0x1], $0xffff  }
0xda: {  	v7 =	vshll.u32 v7, $0x7;
	v5 =	vshll.u32 v5, $0x5  }
0xdb: {  	v7 =	vor.u32 v0, v7;
	v5 =	vand.u32 $0x60, v5  }
0xdc: {  	v5 =	vor.u32 v7, v5;
	_ =	sdelay $0x2  }
0xdd: {  	v6 =	vshll.u32 v6, $0x5  }
0xde: {  	v6 =	vand.u32 $0x60, v6  }
0xdf: {  	v6 =	vor.u32 v7, v6;
	v7 =	vld.idx.msk [tilespmem:v5+s19+$0x0], $0xffff;
	_ =	sdelay $0x1  }
0xe0: {  	v8 =	vor.u32 $0x1, v5  }
0xe1: {  	s6 =	sand.u32 $0x3FFFFC00, s29  }
0xe2: {  	s6 =	sadd.s32 s6, s1;
	v9 =	vld.idx.msk [tilespmem:v5+s18+$0x0], $0xffff  }
0xe3: {  	s6 =	sadd.s32 s0, s6;
	v10 =	vld.idx.msk [tilespmem:v6+s17+$0x0], $0xffff  }
0xe4: {  	[tilespmem:s6+$0x0] =	vst v7  }
0xe5: {  	v11 =	vor.u32 $0x1, v6;
	v12 =	vld.idx.msk [tilespmem:v8+s19+$0x0], $0xffff;
	_ =	sdelay $0x1  }
0xe6: {  	v13 =	vor.u32 $0x2, v5;
	_ =	sdelay $0x1  }
0xe7: {  	v7 =	vmul.f32 v9, v10;
	v8 =	vld.idx.msk [tilespmem:v8+s18+$0x0], $0xffff  }
0xe8: {  	v9 =	vld.idx.msk [tilespmem:v11+s17+$0x0], $0xffff  }
0xe9: {  	[tilespmem:s6+$0x80] =	vst v12  }
0xea: {  	v10 =	vor.u32 $0x2, v6;
	v11 =	vld.idx.msk [tilespmem:v13+s19+$0x0], $0xffff;
	_ =	sdelay $0x1  }
0xeb: {  	v12 =	vor.u32 $0x3, v5;
	_ =	sdelay $0x1  }
0xec: {  	v8 =	vmul.f32 v8, v9;
	v9 =	vld.idx.msk [tilespmem:v13+s18+$0x0], $0xffff  }
0xed: {  	v10 =	vld.idx.msk [tilespmem:v10+s17+$0x0], $0xffff  }
0xee: {  	[tilespmem:s6+$0x100] =	vst v11  }
0xef: {  	v11 =	vor.u32 $0x3, v6;
	v13 =	vld.idx.msk [tilespmem:v12+s19+$0x0], $0xffff;
	_ =	sdelay $0x1  }
0xf0: {  	v14 =	vor.u32 $0x4, v5;
	_ =	sdelay $0x1  }
0xf1: {  	v9 =	vmul.f32 v9, v10;
	v10 =	vld.idx.msk [tilespmem:v12+s18+$0x0], $0xffff  }
0xf2: {  	v11 =	vld.idx.msk [tilespmem:v11+s17+$0x0], $0xffff  }
0xf3: {  	[tilespmem:s6+$0x180] =	vst v13  }
0xf4: {  	v12 =	vor.u32 $0x4, v6;
	v13 =	vld.idx.msk [tilespmem:v14+s19+$0x0], $0xffff;
	_ =	sdelay $0x1  }
0xf5: {  	v15 =	vor.u32 $0x5, v5;
	_ =	sdelay $0x1  }
0xf6: {  	v10 =	vmul.f32 v10, v11;
	v11 =	vld.idx.msk [tilespmem:v14+s18+$0x0], $0xffff  }
0xf7: {  	v12 =	vld.idx.msk [tilespmem:v12+s17+$0x0], $0xffff  }
0xf8: {  	[tilespmem:s6+$0x200] =	vst v13  }
0xf9: {  	v13 =	vor.u32 $0x5, v6;
	v14 =	vld.idx.msk [tilespmem:v15+s19+$0x0], $0xffff;
	_ =	sdelay $0x1  }
0xfa: {  	v16 =	vor.u32 $0x6, v5;
	_ =	sdelay $0x1  }
0xfb: {  	v11 =	vmul.f32 v11, v12;
	v12 =	vld.idx.msk [tilespmem:v15+s18+$0x0], $0xffff  }
0xfc: {  	v13 =	vld.idx.msk [tilespmem:v13+s17+$0x0], $0xffff  }
0xfd: {  	[tilespmem:s6+$0x280] =	vst v14  }
0xfe: {  	v14 =	vor.u32 $0x6, v6;
	v15 =	vld.idx.msk [tilespmem:v16+s19+$0x0], $0xffff;
	_ =	sdelay $0x1  }
0xff: {  	v17 =	vor.u32 $0x7, v5;
	_ =	sdelay $0x1  }
0x100: {  	v12 =	vmul.f32 v12, v13;
	v13 =	vld.idx.msk [tilespmem:v16+s18+$0x0], $0xffff  }
0x101: {  	v14 =	vld.idx.msk [tilespmem:v14+s17+$0x0], $0xffff  }
0x102: {  	[tilespmem:s6+$0x300] =	vst v15  }
0x103: {  	v15 =	vor.u32 $0x7, v6;
	v16 =	vld.idx.msk [tilespmem:v17+s19+$0x0], $0xffff;
	_ =	sdelay $0x1  }
0x104: {  	v18 =	vor.u32 $0x8, v5  }
0x105: {  	s7 =	sadd.s32 s14, s30  }
0x106: {  	s7 =	sor.u32 s29, s7;
	v13 =	vmul.f32 v13, v14;
	v14 =	vld.idx.msk [tilespmem:v17+s18+$0x0], $0xffff  }
0x107: {  	s7 =	sor.u32 $0x380, s7;
	v15 =	vld.idx.msk [tilespmem:v15+s17+$0x0], $0xffff  }
0x108: {  	[tilespmem:s7+$0x6A00] =	vst v16  }
0x109: {  	v16 =	vor.u32 $0x8, v6;
	v17 =	vld.idx.msk [tilespmem:v18+s19+$0x0], $0xffff;
	_ =	sdelay $0x1  }
0x10a: {  	v19 =	vor.u32 $0x9, v5;
	_ =	sdelay $0x1  }
0x10b: {  	v14 =	vmul.f32 v14, v15;
	v15 =	vld.idx.msk [tilespmem:v18+s18+$0x0], $0xffff  }
0x10c: {  	v16 =	vld.idx.msk [tilespmem:v16+s17+$0x0], $0xffff  }
0x10d: {  	[tilespmem:s6+$0x1000] =	vst v17  }
0x10e: {  	v17 =	vor.u32 $0x9, v6;
	v18 =	vld.idx.msk [tilespmem:v19+s19+$0x0], $0xffff;
	_ =	sdelay $0x1  }
0x10f: {  	v20 =	vor.u32 $0xA, v5;
	_ =	sdelay $0x1  }
0x110: {  	v15 =	vmul.f32 v15, v16;
	v16 =	vld.idx.msk [tilespmem:v19+s18+$0x0], $0xffff  }
0x111: {  	v17 =	vld.idx.msk [tilespmem:v17+s17+$0x0], $0xffff  }
0x112: {  	[tilespmem:s6+$0x1080] =	vst v18  }
0x113: {  	v18 =	vor.u32 $0xA, v6;
	v19 =	vld.idx.msk [tilespmem:v20+s19+$0x0], $0xffff;
	_ =	sdelay $0x1  }
0x114: {  	v21 =	vor.u32 $0xB, v5;
	_ =	sdelay $0x1  }
0x115: {  	v16 =	vmul.f32 v16, v17;
	v17 =	vld.idx.msk [tilespmem:v20+s18+$0x0], $0xffff  }
0x116: {  	v18 =	vld.idx.msk [tilespmem:v18+s17+$0x0], $0xffff  }
0x117: {  	[tilespmem:s6+$0x1100] =	vst v19  }
0x118: {  	v19 =	vor.u32 $0xB, v6;
	v20 =	vld.idx.msk [tilespmem:v21+s19+$0x0], $0xffff;
	_ =	sdelay $0x1  }
0x119: {  	v22 =	vor.u32 $0xC, v5;
	_ =	sdelay $0x1  }
0x11a: {  	v17 =	vmul.f32 v17, v18;
	v18 =	vld.idx.msk [tilespmem:v21+s18+$0x0], $0xffff  }
0x11b: {  	v19 =	vld.idx.msk [tilespmem:v19+s17+$0x0], $0xffff  }
0x11c: {  	[tilespmem:s6+$0x1180] =	vst v20  }
0x11d: {  	v20 =	vor.u32 $0xC, v6;
	v21 =	vld.idx.msk [tilespmem:v22+s19+$0x0], $0xffff;
	_ =	sdelay $0x1  }
0x11e: {  	v23 =	vor.u32 $0xD, v5;
	_ =	sdelay $0x1  }
0x11f: {  	v18 =	vmul.f32 v18, v19;
	v19 =	vld.idx.msk [tilespmem:v22+s18+$0x0], $0xffff  }
0x120: {  	v20 =	vld.idx.msk [tilespmem:v20+s17+$0x0], $0xffff  }
0x121: {  	[tilespmem:s6+$0x1200] =	vst v21  }
0x122: {  	v21 =	vor.u32 $0xD, v6;
	v22 =	vld.idx.msk [tilespmem:v23+s19+$0x0], $0xffff;
	_ =	sdelay $0x1  }
0x123: {  	v24 =	vor.u32 $0xE, v5;
	_ =	sdelay $0x1  }
0x124: {  	v19 =	vmul.f32 v19, v20;
	v20 =	vld.idx.msk [tilespmem:v23+s18+$0x0], $0xffff  }
0x125: {  	v21 =	vld.idx.msk [tilespmem:v21+s17+$0x0], $0xffff  }
0x126: {  	[tilespmem:s6+$0x1280] =	vst v22  }
0x127: {  	v22 =	vor.u32 $0xE, v6;
	v23 =	vld.idx.msk [tilespmem:v24+s19+$0x0], $0xffff;
	_ =	sdelay $0x1  }
0x128: {  	v25 =	vor.u32 $0xF, v5;
	_ =	sdelay $0x1  }
0x129: {  	v20 =	vmul.f32 v20, v21;
	v21 =	vld.idx.msk [tilespmem:v24+s18+$0x0], $0xffff  }
0x12a: {  	v22 =	vld.idx.msk [tilespmem:v22+s17+$0x0], $0xffff  }
0x12b: {  	[tilespmem:s6+$0x1300] =	vst v23  }
0x12c: {  	v23 =	vor.u32 $0xF, v6;
	v24 =	vld.idx.msk [tilespmem:v25+s19+$0x0], $0xffff;
	_ =	sdelay $0x1  }
0x12d: {  	v26 =	vor.u32 $0x10, v5;
	_ =	sdelay $0x1  }
0x12e: {  	v21 =	vmul.f32 v21, v22;
	v22 =	vld.idx.msk [tilespmem:v25+s18+$0x0], $0xffff  }
0x12f: {  	v23 =	vld.idx.msk [tilespmem:v23+s17+$0x0], $0xffff  }
0x130: {  	[tilespmem:s6+$0x1380] =	vst v24  }
0x131: {  	v24 =	vor.u32 $0x10, v6;
	v25 =	vld.idx.msk [tilespmem:v26+s19+$0x0], $0xffff;
	_ =	sdelay $0x1  }
0x132: {  	v27 =	vor.u32 $0x11, v5  }
0x133: {  	v28 =	vor.u32 $0x11, v6  }
0x134: {  	v22 =	vmul.f32 v22, v23;
	v23 =	vld.idx.msk [tilespmem:v26+s18+$0x0], $0xffff  }
0x135: {  	v24 =	vld.idx.msk [tilespmem:v24+s17+$0x0], $0xffff  }
0x136: {  	[tilespmem:s6+$0x2000] =	vst v25  }
0x137: {  	v25 =	vld.idx.msk [tilespmem:v27+s19+$0x0], $0xffff  }
0x138: {  	v26 =	vld.idx.msk [tilespmem:v28+s17+$0x0], $0xffff  }
0x139: {  	v28 =	vor.u32 $0x12, v5;
	v27 =	vld.idx.msk [tilespmem:v27+s18+$0x0], $0xffff  }
0x13a: {  	v29 =	vor.u32 $0x12, v6  }
0x13b: {  	v23 =	vmul.f32 v23, v24;
	_ =	sdelay $0x1  }
0x13c: {  	[tilespmem:s6+$0x2080] =	vst v25  }
0x13d: {  	v25 =	vld.idx.msk [tilespmem:v28+s19+$0x0], $0xffff  }
0x13e: {  	v24 =	vmul.f32 v27, v26;
	v26 =	vld.idx.msk [tilespmem:v29+s17+$0x0], $0xffff  }
0x13f: {  	v27 =	vld.idx.msk [tilespmem:v28+s18+$0x0], $0xffff;
	v28 =	vor.u32 $0x13, v5  }
0x140: {  	v29 =	vor.u32 $0x13, v6;
	_ =	sdelay $0x2  }
0x141: {  	[tilespmem:s6+$0x2100] =	vst v25  }
0x142: {  	v30 =	vld.idx.msk [tilespmem:v28+s19+$0x0], $0xffff  }
0x143: {  	v25 =	vmul.f32 v27, v26;
	v26 =	vld.idx.msk [tilespmem:v29+s17+$0x0], $0xffff  }
0x144: {  	v27 =	vld.idx.msk [tilespmem:v28+s18+$0x0], $0xffff;
	v28 =	vor.u32 $0x14, v5  }
0x145: {  	v29 =	vor.u32 $0x14, v6;
	_ =	sdelay $0x2  }
0x146: {  	[tilespmem:s6+$0x2180] =	vst v30  }
0x147: {  	v30 =	vld.idx.msk [tilespmem:v28+s19+$0x0], $0xffff  }
0x148: {  	v26 =	vmul.f32 v27, v26;
	v27 =	vld.idx.msk [tilespmem:v29+s17+$0x0], $0xffff  }
0x149: {  	v29 =	vor.u32 $0x15, v5;
	v28 =	vld.idx.msk [tilespmem:v28+s18+$0x0], $0xffff  }
0x14a: {  	v31 =	vor.u32 $0x15, v6;
	_ =	sdelay $0x2  }
0x14b: {  	[tilespmem:s6+$0x2200] =	vst v30  }
0x14c: {  	v30 =	vld.idx.msk [tilespmem:v29+s19+$0x0], $0xffff  }
0x14d: {  	v27 =	vmul.f32 v28, v27;
	v28 =	vld.idx.msk [tilespmem:v31+s17+$0x0], $0xffff  }
0x14e: {  	v31 =	vor.u32 $0x16, v5;
	v29 =	vld.idx.msk [tilespmem:v29+s18+$0x0], $0xffff  }
0x14f: {  	v32 =	vor.u32 $0x16, v6;
	_ =	sdelay $0x2  }
0x150: {  	[tilespmem:s6+$0x2280] =	vst v30  }
0x151: {  	v30 =	vld.idx.msk [tilespmem:v31+s19+$0x0], $0xffff  }
0x152: {  	v28 =	vmul.f32 v29, v28;
	v29 =	vld.idx.msk [tilespmem:v32+s17+$0x0], $0xffff  }
0x153: {  	v32 =	vor.u32 $0x17, v5;
	v31 =	vld.idx.msk [tilespmem:v31+s18+$0x0], $0xffff  }
0x154: {  	v33 =	vor.u32 $0x17, v6;
	_ =	sdelay $0x2  }
0x155: {  	[tilespmem:s6+$0x2300] =	vst v30  }
0x156: {  	v30 =	vld.idx.msk [tilespmem:v32+s19+$0x0], $0xffff  }
0x157: {  	v29 =	vmul.f32 v31, v29;
	v31 =	vld.idx.msk [tilespmem:v33+s17+$0x0], $0xffff  }
0x158: {  	v7 =	vadd.f32 $0.0e+00, v7;
	v33 =	vor.u32 $0x18, v5;
	v32 =	vld.idx.msk [tilespmem:v32+s18+$0x0], $0xffff  }
0x159: {  	v34 =	vor.u32 $0x18, v6  }
0x15a: {  	v7 =	vadd.f32 v8, v7;
	_ =	sdelay $0x1  }
0x15b: {  	v7 =	vadd.f32 v9, v7;
	[tilespmem:s6+$0x2380] =	vst v30  }
0x15c: {  	v8 =	vld.idx.msk [tilespmem:v33+s19+$0x0], $0xffff  }
0x15d: {  	v7 =	vadd.f32 v10, v7;
	v9 =	vmul.f32 v32, v31;
	v10 =	vld.idx.msk [tilespmem:v34+s17+$0x0], $0xffff  }
0x15e: {  	v31 =	vor.u32 $0x19, v5;
	v30 =	vld.idx.msk [tilespmem:v33+s18+$0x0], $0xffff  }
0x15f: {  	v7 =	vadd.f32 v11, v7;
	v11 =	vor.u32 $0x19, v6;
	_ =	sdelay $0x1  }
0x160: {  	v7 =	vadd.f32 v12, v7  }
0x161: {  	[tilespmem:s6+$0x3000] =	vst v8  }
0x162: {  	v7 =	vadd.f32 v13, v7;
	v8 =	vld.idx.msk [tilespmem:v31+s19+$0x0], $0xffff  }
0x163: {  	v10 =	vmul.f32 v30, v10;
	v11 =	vld.idx.msk [tilespmem:v11+s17+$0x0], $0xffff  }
0x164: {  	v13 =	vor.u32 $0x1A, v5;
	v7 =	vadd.f32 v14, v7;
	v12 =	vld.idx.msk [tilespmem:v31+s18+$0x0], $0xffff  }
0x165: {  	v14 =	vor.u32 $0x1A, v6  }
0x166: {  	v7 =	vadd.f32 v15, v7;
	_ =	sdelay $0x1  }
0x167: {  	v7 =	vadd.f32 v16, v7;
	[tilespmem:s6+$0x3080] =	vst v8  }
0x168: {  	v8 =	vld.idx.msk [tilespmem:v13+s19+$0x0], $0xffff  }
0x169: {  	v7 =	vadd.f32 v17, v7;
	v11 =	vmul.f32 v12, v11;
	v12 =	vld.idx.msk [tilespmem:v14+s17+$0x0], $0xffff  }
0x16a: {  	v14 =	vor.u32 $0x1B, v5;
	v13 =	vld.idx.msk [tilespmem:v13+s18+$0x0], $0xffff  }
0x16b: {  	v15 =	vor.u32 $0x1B, v6;
	v7 =	vadd.f32 v18, v7;
	_ =	sdelay $0x1  }
0x16c: {  	v7 =	vadd.f32 v19, v7  }
0x16d: {  	[tilespmem:s6+$0x3100] =	vst v8  }
0x16e: {  	v7 =	vadd.f32 v20, v7;
	v8 =	vld.idx.msk [tilespmem:v14+s19+$0x0], $0xffff  }
0x16f: {  	v12 =	vmul.f32 v13, v12;
	v13 =	vld.idx.msk [tilespmem:v15+s17+$0x0], $0xffff  }
0x170: {  	v7 =	vadd.f32 v21, v7;
	v15 =	vor.u32 $0x1C, v5;
	v14 =	vld.idx.msk [tilespmem:v14+s18+$0x0], $0xffff  }
0x171: {  	v16 =	vor.u32 $0x1C, v6  }
0x172: {  	v7 =	vadd.f32 v22, v7;
	_ =	sdelay $0x1  }
0x173: {  	v7 =	vadd.f32 v23, v7;
	[tilespmem:s6+$0x3180] =	vst v8  }
0x174: {  	v8 =	vld.idx.msk [tilespmem:v15+s19+$0x0], $0xffff  }
0x175: {  	v7 =	vadd.f32 v24, v7;
	v13 =	vmul.f32 v14, v13;
	v14 =	vld.idx.msk [tilespmem:v16+s17+$0x0], $0xffff  }
0x176: {  	v16 =	vor.u32 $0x1D, v5;
	v15 =	vld.idx.msk [tilespmem:v15+s18+$0x0], $0xffff  }
0x177: {  	v17 =	vor.u32 $0x1D, v6;
	v7 =	vadd.f32 v25, v7;
	_ =	sdelay $0x1  }
0x178: {  	v7 =	vadd.f32 v26, v7  }
0x179: {  	[tilespmem:s6+$0x3200] =	vst v8  }
0x17a: {  	v7 =	vadd.f32 v27, v7;
	v8 =	vld.idx.msk [tilespmem:v16+s19+$0x0], $0xffff  }
0x17b: {  	v14 =	vmul.f32 v15, v14;
	v15 =	vld.idx.msk [tilespmem:v17+s17+$0x0], $0xffff  }
0x17c: {  	v7 =	vadd.f32 v28, v7;
	v17 =	vor.u32 $0x1E, v5;
	v16 =	vld.idx.msk [tilespmem:v16+s18+$0x0], $0xffff  }
0x17d: {  	v18 =	vor.u32 $0x1E, v6  }
0x17e: {  	v7 =	vadd.f32 v29, v7;
	_ =	sdelay $0x1  }
0x17f: {  	v7 =	vadd.f32 v9, v7;
	[tilespmem:s6+$0x3280] =	vst v8  }
0x180: {  	v8 =	vld.idx.msk [tilespmem:v17+s19+$0x0], $0xffff  }
0x181: {  	v7 =	vadd.f32 v10, v7;
	v9 =	vmul.f32 v16, v15;
	v10 =	vld.idx.msk [tilespmem:v18+s17+$0x0], $0xffff  }
0x182: {  	v6 =	vor.u32 $0x1F, v6;
	v5 =	vor.u32 $0x1F, v5;
	v15 =	vld.idx.msk [tilespmem:v17+s18+$0x0], $0xffff  }
0x183: {  	v7 =	vadd.f32 v11, v7;
	_ =	sdelay $0x1  }
0x184: {  	v7 =	vadd.f32 v12, v7  }
0x185: {  	[tilespmem:s6+$0x3300] =	vst v8  }
0x186: {  	v7 =	vadd.f32 v13, v7;
	v6 =	vld.idx.msk [tilespmem:v6+s17+$0x0], $0xffff  }
0x187: {  	v8 =	vmul.f32 v15, v10;
	v10 =	vld.idx.msk [tilespmem:v5+s18+$0x0], $0xffff  }
0x188: {  	v7 =	vadd.f32 v14, v7;
	v5 =	vld.idx.msk [tilespmem:v5+s19+$0x0], $0xffff;
	_ =	sdelay $0x1  }
0x189: {  	v7 =	vadd.f32 v9, v7  }
.Ltmp1:
0x18a: {  	(pc) =	sbr.rel @p0 .LBB2_5-.Ltmp1, $4  }
0x18b: {  	v7 =	vadd.f32 v8, v7  }
0x18c: {  	v6 =	vmul.f32 v10, v6  }
0x18d: {  	[tilespmem:s6+$0x3380] =	vst v5  }
0x18e: {  	v5 =	vadd.f32 v6, v7  }
0x18f: {  	s31 =	sadd.s32 $0x1, s31  }
0x190: {  	p0 =	sne.s32 s31, $0x8  }
.Ltmp2:
0x191: {  	_ = 	snop;
	(pc) =	sbr.rel @p0 .LBB2_4-.Ltmp2, $3  }
0x192: {  	_ =	sdelay $0x1  }
0x193: {  	s30 =	sadd.s32 $0x40, s30;
	s21 =	sadd.s32 $0x200, s21;
	s28 =	sadd.s32 $0x40, s28  }
0x194: {  	s24 =	sadd.s32 $0x40, s24;
	s25 =	sadd.s32 $0x40, s25;
	s26 =	sadd.s32 $0x4, s26;
	[tilespmem:v4+s0+$0x0 ss:$0x1] =	vst.idx.msk $0xffff, v5  }
0x195: {  	s0 =	simm.s32 $0x0  }
0x196: {  	v2 =	vmov s0  }
0x197: {  	v2 =	vshll.u32 v2, $0x5  }
0x198: {  	v3 =	vor.u32 v1, v2;
	_ =	sdelay $0x1  }
0x199: {  	s6 =	simm.s32 $0x800;
	s1 =	sand.u32 $0x70, s0;
	s7 =	sand.u32 $0xC00, s0;
	v4 =	vor.u32 $0x1, v3  }
0x19a: {  	s1 =	sor.u32 s1, s7;
	v2 =	vld [tilespmem:s6+$0x0]  }
0x19b: {  	v7 =	vld [tilespmem:s1+$0x6A00];
	v5 =	vor.u32 $0x2, v3  }
0x19c: {  	v6 =	vld.idx.msk [tilespmem:v3+s15+$0x0], $0xffff  }
0x19d: {  	v9 =	vld [tilespmem:s1+$0x6A80];
	v8 =	vor.u32 $0x3, v3  }
0x19e: {  	v4 =	vld.idx.msk [tilespmem:v4+s15+$0x0], $0xffff  }
0x19f: {  	v11 =	vld [tilespmem:s1+$0x6B00];
	v10 =	vor.u32 $0x4, v3  }
0x1a0: {  	v5 =	vld.idx.msk [tilespmem:v5+s15+$0x0], $0xffff  }
0x1a1: {  	v52 =	vld [tilespmem:s1+$0x6B80];
	v12 =	vor.u32 $0x5, v3;
	v6 =	vmul.f32 v7, v6  }
0x1a2: {  	v7 =	vld.idx.msk [tilespmem:v8+s15+$0x0], $0xffff  }
0x1a3: {  	v54 =	vld [tilespmem:s1+$0x6C00];
	v13 =	vor.u32 $0x6, v3;
	v4 =	vmul.f32 v9, v4;
	v6 =	vadd.f32 $0.0e+00, v6  }
0x1a4: {  	v53 =	vld.idx.msk [tilespmem:v10+s15+$0x0], $0xffff  }
0x1a5: {  	v55 =	vld [tilespmem:s1+$0x6C80];
	v14 =	vor.u32 $0x7, v3;
	v5 =	vmul.f32 v11, v5;
	v4 =	vadd.f32 v4, v6  }
0x1a6: {  	v6 =	vld.idx.msk [tilespmem:v12+s15+$0x0], $0xffff  }
0x1a7: {  	v57 =	vld [tilespmem:s1+$0x6D00];
	v56 =	vor.u32 $0x8, v3;
	v4 =	vadd.f32 v5, v4;
	v5 =	vmul.f32 v52, v7  }
0x1a8: {  	v7 =	vld.idx.msk [tilespmem:v13+s15+$0x0], $0xffff  }
0x1a9: {  	v60 =	vld [tilespmem:s1+$0x6D80];
	v58 =	vor.u32 $0x9, v3;
	v4 =	vadd.f32 v5, v4;
	v5 =	vmul.f32 v54, v53  }
0x1aa: {  	v59 =	vld.idx.msk [tilespmem:v14+s15+$0x0], $0xffff  }
0x1ab: {  	v62 =	vld [tilespmem:s1+$0x7A00];
	v61 =	vor.u32 $0xA, v3;
	v4 =	vadd.f32 v5, v4;
	v5 =	vmul.f32 v55, v6  }
0x1ac: {  	v6 =	vld.idx.msk [tilespmem:v56+s15+$0x0], $0xffff  }
0x1ad: {  	v16 =	vld [tilespmem:s1+$0x7A80];
	v63 =	vor.u32 $0xB, v3;
	v4 =	vadd.f32 v5, v4;
	v5 =	vmul.f32 v57, v7  }
0x1ae: {  	v7 =	vld.idx.msk [tilespmem:v58+s15+$0x0], $0xffff  }
0x1af: {  	v19 =	vld [tilespmem:s1+$0x7B00];
	v17 =	vor.u32 $0xC, v3;
	v4 =	vadd.f32 v5, v4;
	v5 =	vmul.f32 v60, v59  }
0x1b0: {  	v18 =	vld.idx.msk [tilespmem:v61+s15+$0x0], $0xffff  }
0x1b1: {  	v21 =	vld [tilespmem:s1+$0x7B80];
	v20 =	vor.u32 $0xD, v3;
	v4 =	vadd.f32 v5, v4;
	v5 =	vmul.f32 v62, v6  }
0x1b2: {  	v6 =	vld.idx.msk [tilespmem:v63+s15+$0x0], $0xffff  }
0x1b3: {  	v23 =	vld [tilespmem:s1+$0x7C00];
	v22 =	vor.u32 $0xE, v3;
	v4 =	vadd.f32 v5, v4;
	v5 =	vmul.f32 v16, v7  }
0x1b4: {  	v7 =	vld.idx.msk [tilespmem:v17+s15+$0x0], $0xffff  }
0x1b5: {  	v26 =	vld [tilespmem:s1+$0x7C80];
	v24 =	vor.u32 $0xF, v3;
	v4 =	vadd.f32 v5, v4;
	v5 =	vmul.f32 v19, v18  }
0x1b6: {  	v25 =	vld.idx.msk [tilespmem:v20+s15+$0x0], $0xffff  }
0x1b7: {  	v28 =	vld [tilespmem:s1+$0x7D00];
	v27 =	vor.u32 $0x10, v3;
	v4 =	vadd.f32 v5, v4;
	v5 =	vmul.f32 v21, v6  }
0x1b8: {  	v6 =	vld.idx.msk [tilespmem:v22+s15+$0x0], $0xffff  }
0x1b9: {  	v30 =	vld [tilespmem:s1+$0x7D80];
	v29 =	vor.u32 $0x11, v3;
	v4 =	vadd.f32 v5, v4;
	v5 =	vmul.f32 v23, v7  }
0x1ba: {  	v7 =	vld.idx.msk [tilespmem:v24+s15+$0x0], $0xffff  }
0x1bb: {  	v33 =	vld [tilespmem:s1+$0x8A00];
	v31 =	vor.u32 $0x12, v3;
	v4 =	vadd.f32 v5, v4;
	v5 =	vmul.f32 v26, v25  }
0x1bc: {  	v32 =	vld.idx.msk [tilespmem:v27+s15+$0x0], $0xffff  }
0x1bd: {  	v35 =	vld [tilespmem:s1+$0x8A80];
	v34 =	vor.u32 $0x13, v3;
	v4 =	vadd.f32 v5, v4;
	v5 =	vmul.f32 v28, v6  }
0x1be: {  	v6 =	vld.idx.msk [tilespmem:v29+s15+$0x0], $0xffff  }
0x1bf: {  	v37 =	vld [tilespmem:s1+$0x8B00];
	v36 =	vor.u32 $0x14, v3;
	v4 =	vadd.f32 v5, v4;
	v5 =	vmul.f32 v30, v7  }
0x1c0: {  	v7 =	vld.idx.msk [tilespmem:v31+s15+$0x0], $0xffff  }
0x1c1: {  	v40 =	vld [tilespmem:s1+$0x8B80];
	v38 =	vor.u32 $0x15, v3;
	v4 =	vadd.f32 v5, v4;
	v5 =	vmul.f32 v33, v32  }
0x1c2: {  	v39 =	vld.idx.msk [tilespmem:v34+s15+$0x0], $0xffff  }
0x1c3: {  	v42 =	vld [tilespmem:s1+$0x8C00];
	v41 =	vor.u32 $0x16, v3;
	v4 =	vadd.f32 v5, v4;
	v5 =	vmul.f32 v35, v6  }
0x1c4: {  	v6 =	vld.idx.msk [tilespmem:v36+s15+$0x0], $0xffff  }
0x1c5: {  	v44 =	vld [tilespmem:s1+$0x8C80];
	v43 =	vor.u32 $0x17, v3;
	v4 =	vadd.f32 v5, v4;
	v5 =	vmul.f32 v37, v7  }
0x1c6: {  	v7 =	vld.idx.msk [tilespmem:v38+s15+$0x0], $0xffff  }
0x1c7: {  	v47 =	vld [tilespmem:s1+$0x8D00];
	v45 =	vor.u32 $0x18, v3;
	v4 =	vadd.f32 v5, v4;
	v5 =	vmul.f32 v40, v39  }
0x1c8: {  	v48 =	vor.u32 $0x19, v3;
	v46 =	vld.idx.msk [tilespmem:v41+s15+$0x0], $0xffff  }
0x1c9: {  	v49 =	vld [tilespmem:s1+$0x8D80];
	v4 =	vadd.f32 v5, v4;
	v5 =	vmul.f32 v42, v6  }
0x1ca: {  	v6 =	vld.idx.msk [tilespmem:v43+s15+$0x0], $0xffff  }
0x1cb: {  	v51 =	vld [tilespmem:s1+$0x9A00];
	v50 =	vor.u32 $0x1A, v3;
	v4 =	vadd.f32 v5, v4;
	v5 =	vmul.f32 v44, v7  }
0x1cc: {  	v7 =	vld.idx.msk [tilespmem:v45+s15+$0x0], $0xffff  }
0x1cd: {  	v52 =	vor.u32 $0x1B, v3;
	v53 =	vld.idx.msk [tilespmem:v48+s15+$0x0], $0xffff;
	v4 =	vadd.f32 v5, v4;
	v5 =	vmul.f32 v47, v46  }
0x1ce: {  	v54 =	vld [tilespmem:s1+$0x9A80]  }
0x1cf: {  	v55 =	vor.u32 $0x1C, v3;
	v56 =	vld [tilespmem:s1+$0x9B00];
	v4 =	vadd.f32 v5, v4;
	v5 =	vmul.f32 v49, v6  }
0x1d0: {  	v6 =	vld.idx.msk [tilespmem:v50+s15+$0x0], $0xffff  }
0x1d1: {  	v57 =	vor.u32 $0x1D, v3;
	v58 =	vld [tilespmem:s1+$0x9B80];
	v4 =	vadd.f32 v5, v4;
	v5 =	vmul.f32 v51, v7  }
0x1d2: {  	v7 =	vld.idx.msk [tilespmem:v52+s15+$0x0], $0xffff  }
0x1d3: {  	v61 =	vld [tilespmem:s1+$0x9C00];
	v59 =	vor.u32 $0x1E, v3;
	v4 =	vadd.f32 v5, v4;
	v5 =	vmul.f32 v54, v53  }
0x1d4: {  	v3 =	vor.u32 $0x1F, v3;
	v60 =	vld.idx.msk [tilespmem:v55+s15+$0x0], $0xffff  }
0x1d5: {  	v62 =	vld [tilespmem:s1+$0x9C80];
	v4 =	vadd.f32 v5, v4;
	v5 =	vmul.f32 v56, v6  }
0x1d6: {  	v6 =	vld.idx.msk [tilespmem:v57+s15+$0x0], $0xffff  }
0x1d7: {  	v63 =	vld [tilespmem:s1+$0x9D00];
	v4 =	vadd.f32 v5, v4;
	v5 =	vmul.f32 v58, v7  }
0x1d8: {  	v7 =	vld.idx.msk [tilespmem:v59+s15+$0x0], $0xffff  }
0x1d9: {  	(erf) = vrcp.f32 v2;
	v3 =	vld.idx.msk [tilespmem:v3+s15+$0x0], $0xffff;
	v2 =	vadd.f32 v5, v4;
	v4 =	vmul.f32 v61, v60  }
0x1da: {  	v5 =	vld [tilespmem:s1+$0x9D80]  }
0x1db: {  	v2 =	vadd.f32 v4, v2;
	v4 =	vmul.f32 v62, v6;
	_ =	sdelay $0x1  }
0x1dc: {  	v2 =	vadd.f32 v4, v2;
	v4 =	vmul.f32 v63, v7;
	_ =	sdelay $0x1  }
0x1dd: {  	s1 =	simm.s32 $0xEA00;
	v3 =	vmul.f32 v5, v3;
	v4 =	vadd.f32 v4, v2  }
0x1de: {  	v2 =	vld [tilespmem:s1+$0x0]  }
0x1df: {  	s13 =	simm.s32 $0x10;
	v3 =	vadd.f32 v3, v4  }
0x1e0: {  	s14 =	simm.s32 $0x20;
	v5 =	vpop (erf);
	v4 =	vmov s13  }
.LBB2_8:
0x1e1: {  	p0 =	sne.s32 s14, $0x1F0;
	v4 =	vshll.u32 v4, $0x5;
	v5 =	vmul.f32 v5, v3  }
0x1e2: {  	v3 =	vor.u32 v1, v4  }
0x1e3: {  	v2 =	vadd.f32 v5, v2  }
0x1e4: {  	v4 =	vor.u32 $0x1, v3  }
0x1e5: {  	s0 =	sadd.s32 $0x80, s0;
	s6 =	sadd.s32 $0x10, s6;
	[tilespmem:s1+$0x0] =	vst v2  }
0x1e6: {  	s7 =	sand.u32 $0x70, s13;
	s13 =	smov.u32 s14;
	s21 =	sand.u32 $0xC00, s0;
	v5 =	vor.u32 $0x2, v3;
	v2 =	vld [tilespmem:s6+$0x0]  }
0x1e7: {  	s21 =	sor.u32 s7, s21;
	v6 =	vld.idx.msk [tilespmem:v3+s15+$0x0], $0xffff  }
0x1e8: {  	v8 =	vor.u32 $0x3, v3;
	v7 =	vld [tilespmem:s21+$0x6A00]  }
0x1e9: {  	v4 =	vld.idx.msk [tilespmem:v4+s15+$0x0], $0xffff  }
0x1ea: {  	v10 =	vor.u32 $0x4, v3;
	v9 =	vld [tilespmem:s21+$0x6A80]  }
0x1eb: {  	v5 =	vld.idx.msk [tilespmem:v5+s15+$0x0], $0xffff  }
0x1ec: {  	v12 =	vor.u32 $0x5, v3;
	v11 =	vld [tilespmem:s21+$0x6B00]  }
0x1ed: {  	v6 =	vmul.f32 v7, v6;
	v7 =	vld.idx.msk [tilespmem:v8+s15+$0x0], $0xffff  }
0x1ee: {  	v13 =	vor.u32 $0x6, v3;
	v8 =	vld [tilespmem:s21+$0x6B80]  }
0x1ef: {  	v6 =	vadd.f32 $0.0e+00, v6;
	v4 =	vmul.f32 v9, v4;
	v9 =	vld.idx.msk [tilespmem:v10+s15+$0x0], $0xffff  }
0x1f0: {  	v14 =	vor.u32 $0x7, v3;
	v10 =	vld [tilespmem:s21+$0x6C00]  }
0x1f1: {  	v4 =	vadd.f32 v4, v6;
	v5 =	vmul.f32 v11, v5;
	v6 =	vld.idx.msk [tilespmem:v12+s15+$0x0], $0xffff  }
0x1f2: {  	v12 =	vor.u32 $0x8, v3;
	v11 =	vld [tilespmem:s21+$0x6C80]  }
0x1f3: {  	v4 =	vadd.f32 v5, v4;
	v5 =	vmul.f32 v8, v7;
	v7 =	vld.idx.msk [tilespmem:v13+s15+$0x0], $0xffff  }
0x1f4: {  	v13 =	vor.u32 $0x9, v3;
	v8 =	vld [tilespmem:s21+$0x6D00]  }
0x1f5: {  	v4 =	vadd.f32 v5, v4;
	v5 =	vmul.f32 v10, v9;
	v9 =	vld.idx.msk [tilespmem:v14+s15+$0x0], $0xffff  }
0x1f6: {  	v14 =	vor.u32 $0xA, v3;
	v10 =	vld [tilespmem:s21+$0x6D80]  }
0x1f7: {  	v4 =	vadd.f32 v5, v4;
	v5 =	vmul.f32 v11, v6;
	v6 =	vld.idx.msk [tilespmem:v12+s15+$0x0], $0xffff  }
0x1f8: {  	v12 =	vor.u32 $0xB, v3;
	v11 =	vld [tilespmem:s21+$0x7A00]  }
0x1f9: {  	v4 =	vadd.f32 v5, v4;
	v5 =	vmul.f32 v8, v7;
	v7 =	vld.idx.msk [tilespmem:v13+s15+$0x0], $0xffff  }
0x1fa: {  	v13 =	vor.u32 $0xC, v3;
	v8 =	vld [tilespmem:s21+$0x7A80]  }
0x1fb: {  	v4 =	vadd.f32 v5, v4;
	v5 =	vmul.f32 v10, v9;
	v9 =	vld.idx.msk [tilespmem:v14+s15+$0x0], $0xffff  }
0x1fc: {  	v14 =	vor.u32 $0xD, v3;
	v10 =	vld [tilespmem:s21+$0x7B00]  }
0x1fd: {  	v4 =	vadd.f32 v5, v4;
	v5 =	vmul.f32 v11, v6;
	v6 =	vld.idx.msk [tilespmem:v12+s15+$0x0], $0xffff  }
0x1fe: {  	v12 =	vor.u32 $0xE, v3;
	v11 =	vld [tilespmem:s21+$0x7B80]  }
0x1ff: {  	v4 =	vadd.f32 v5, v4;
	v5 =	vmul.f32 v8, v7;
	v7 =	vld.idx.msk [tilespmem:v13+s15+$0x0], $0xffff  }
0x200: {  	v13 =	vor.u32 $0xF, v3;
	v8 =	vld [tilespmem:s21+$0x7C00]  }
0x201: {  	v4 =	vadd.f32 v5, v4;
	v5 =	vmul.f32 v10, v9;
	v9 =	vld.idx.msk [tilespmem:v14+s15+$0x0], $0xffff  }
0x202: {  	v14 =	vor.u32 $0x10, v3;
	v10 =	vld [tilespmem:s21+$0x7C80]  }
0x203: {  	v4 =	vadd.f32 v5, v4;
	v5 =	vmul.f32 v11, v6;
	v6 =	vld.idx.msk [tilespmem:v12+s15+$0x0], $0xffff  }
0x204: {  	v12 =	vor.u32 $0x11, v3;
	v11 =	vld [tilespmem:s21+$0x7D00]  }
0x205: {  	v4 =	vadd.f32 v5, v4;
	v5 =	vmul.f32 v8, v7;
	v7 =	vld.idx.msk [tilespmem:v13+s15+$0x0], $0xffff  }
0x206: {  	v13 =	vor.u32 $0x12, v3;
	v8 =	vld [tilespmem:s21+$0x7D80]  }
0x207: {  	v4 =	vadd.f32 v5, v4;
	v5 =	vmul.f32 v10, v9;
	v9 =	vld.idx.msk [tilespmem:v14+s15+$0x0], $0xffff  }
0x208: {  	v14 =	vor.u32 $0x13, v3;
	v10 =	vld [tilespmem:s21+$0x8A00]  }
0x209: {  	v4 =	vadd.f32 v5, v4;
	v5 =	vmul.f32 v11, v6;
	v6 =	vld.idx.msk [tilespmem:v12+s15+$0x0], $0xffff  }
0x20a: {  	v12 =	vor.u32 $0x14, v3;
	v11 =	vld [tilespmem:s21+$0x8A80]  }
0x20b: {  	v4 =	vadd.f32 v5, v4;
	v5 =	vmul.f32 v8, v7;
	v7 =	vld.idx.msk [tilespmem:v13+s15+$0x0], $0xffff  }
0x20c: {  	v13 =	vor.u32 $0x15, v3;
	v8 =	vld [tilespmem:s21+$0x8B00]  }
0x20d: {  	v4 =	vadd.f32 v5, v4;
	v5 =	vmul.f32 v10, v9;
	v9 =	vld.idx.msk [tilespmem:v14+s15+$0x0], $0xffff  }
0x20e: {  	v14 =	vor.u32 $0x16, v3;
	v10 =	vld [tilespmem:s21+$0x8B80]  }
0x20f: {  	v4 =	vadd.f32 v5, v4;
	v5 =	vmul.f32 v11, v6;
	v6 =	vld.idx.msk [tilespmem:v12+s15+$0x0], $0xffff  }
0x210: {  	v12 =	vor.u32 $0x17, v3;
	v11 =	vld [tilespmem:s21+$0x8C00]  }
0x211: {  	v4 =	vadd.f32 v5, v4;
	v5 =	vmul.f32 v8, v7;
	v7 =	vld.idx.msk [tilespmem:v13+s15+$0x0], $0xffff  }
0x212: {  	v13 =	vor.u32 $0x18, v3;
	v8 =	vld [tilespmem:s21+$0x8C80]  }
0x213: {  	v4 =	vadd.f32 v5, v4;
	v5 =	vmul.f32 v10, v9;
	v9 =	vld.idx.msk [tilespmem:v14+s15+$0x0], $0xffff  }
0x214: {  	v14 =	vor.u32 $0x19, v3;
	v10 =	vld [tilespmem:s21+$0x8D00]  }
0x215: {  	v4 =	vadd.f32 v5, v4;
	v5 =	vmul.f32 v11, v6;
	v6 =	vld.idx.msk [tilespmem:v12+s15+$0x0], $0xffff  }
0x216: {  	v12 =	vor.u32 $0x1A, v3;
	v11 =	vld [tilespmem:s21+$0x8D80]  }
0x217: {  	v4 =	vadd.f32 v5, v4;
	v5 =	vmul.f32 v8, v7;
	v7 =	vld.idx.msk [tilespmem:v13+s15+$0x0], $0xffff  }
0x218: {  	v13 =	vor.u32 $0x1B, v3;
	v8 =	vld [tilespmem:s21+$0x9A00]  }
0x219: {  	v4 =	vadd.f32 v5, v4;
	v5 =	vmul.f32 v10, v9;
	v9 =	vld.idx.msk [tilespmem:v14+s15+$0x0], $0xffff  }
0x21a: {  	v14 =	vor.u32 $0x1C, v3;
	v10 =	vld [tilespmem:s21+$0x9A80]  }
0x21b: {  	v4 =	vadd.f32 v5, v4;
	v5 =	vmul.f32 v11, v6;
	v6 =	vld.idx.msk [tilespmem:v12+s15+$0x0], $0xffff  }
0x21c: {  	v12 =	vor.u32 $0x1D, v3;
	v11 =	vld [tilespmem:s21+$0x9B00]  }
0x21d: {  	v4 =	vadd.f32 v5, v4;
	v5 =	vmul.f32 v8, v7;
	v7 =	vld.idx.msk [tilespmem:v13+s15+$0x0], $0xffff  }
0x21e: {  	v13 =	vor.u32 $0x1E, v3;
	v8 =	vld [tilespmem:s21+$0x9B80]  }
0x21f: {  	v4 =	vadd.f32 v5, v4;
	v5 =	vmul.f32 v10, v9;
	v9 =	vld.idx.msk [tilespmem:v14+s15+$0x0], $0xffff  }
0x220: {  	v3 =	vor.u32 $0x1F, v3;
	v10 =	vld [tilespmem:s21+$0x9C00]  }
0x221: {  	v4 =	vadd.f32 v5, v4;
	v5 =	vmul.f32 v11, v6;
	v6 =	vld.idx.msk [tilespmem:v12+s15+$0x0], $0xffff  }
0x222: {  	v11 =	vld [tilespmem:s21+$0x9C80]  }
0x223: {  	v4 =	vadd.f32 v5, v4;
	v5 =	vmul.f32 v8, v7;
	v7 =	vld.idx.msk [tilespmem:v13+s15+$0x0], $0xffff  }
0x224: {  	v8 =	vld [tilespmem:s21+$0x9D00]  }
0x225: {  	v4 =	vadd.f32 v5, v4;
	v5 =	vmul.f32 v10, v9;
	v3 =	vld.idx.msk [tilespmem:v3+s15+$0x0], $0xffff;
	(erf) = vrcp.f32 v2  }
0x226: {  	v2 =	vld [tilespmem:s21+$0x9D80]  }
0x227: {  	v4 =	vadd.f32 v5, v4;
	v5 =	vmul.f32 v11, v6;
	_ =	sdelay $0x1  }
0x228: {  	v4 =	vadd.f32 v5, v4;
	v5 =	vmul.f32 v8, v7  }
.Ltmp3:
0x229: {  	(pc) =	sbr.rel @p0 .LBB2_8-.Ltmp3, $4  }
0x22a: {  	s1 =	sadd.s32 $0x10, s1;
	v4 =	vadd.f32 v5, v4;
	v3 =	vmul.f32 v2, v3  }
0x22b: {  	v2 =	vld [tilespmem:s1+$0x0]  }
0x22c: {  	v3 =	vadd.f32 v3, v4  }
0x22d: {  	s14 =	sadd.s32 $0x10, s14;
	v4 =	vmov s13;
	v5 =	vpop (erf)  }
0x22e: {  	v5 =	vmul.f32 v5, v3  }
0x22f: {  	v4 =	vshll.u32 v4, $0x5  }
0x230: {  	v3 =	vor.u32 v1, v4;
	v2 =	vadd.f32 v5, v2  }
0x231: {  	s0 =	sadd.s32 $0x80, s0  }
0x232: {  	s6 =	sadd.s32 $0x10, s6;
	s7 =	sand.u32 $0x70, s13;
	s0 =	sand.u32 $0xC00, s0;
	v4 =	vor.u32 $0x1, v3;
	[tilespmem:s1+$0x0] =	vst v2  }
0x233: {  	s0 =	sor.u32 s7, s0;
	v2 =	vld [tilespmem:s6+$0x0]  }
0x234: {  	v51 =	vor.u32 $0x2, v3;
	v7 =	vld [tilespmem:s0+$0x6A00]  }
0x235: {  	v6 =	vld.idx.msk [tilespmem:v3+s15+$0x0], $0xffff  }
0x236: {  	v8 =	vor.u32 $0x3, v3;
	v9 =	vld [tilespmem:s0+$0x6A80]  }
0x237: {  	v4 =	vld.idx.msk [tilespmem:v4+s15+$0x0], $0xffff  }
0x238: {  	v10 =	vor.u32 $0x4, v3;
	v11 =	vld [tilespmem:s0+$0x6B00]  }
0x239: {  	v5 =	vld.idx.msk [tilespmem:v51+s15+$0x0], $0xffff  }
0x23a: {  	v12 =	vor.u32 $0x5, v3;
	v53 =	vld [tilespmem:s0+$0x6B80];
	v6 =	vmul.f32 v7, v6  }
0x23b: {  	v52 =	vld.idx.msk [tilespmem:v8+s15+$0x0], $0xffff  }
0x23c: {  	v13 =	vor.u32 $0x6, v3;
	v55 =	vld [tilespmem:s0+$0x6C00];
	v4 =	vmul.f32 v9, v4;
	v6 =	vadd.f32 $0.0e+00, v6  }
0x23d: {  	v54 =	vld.idx.msk [tilespmem:v10+s15+$0x0], $0xffff  }
0x23e: {  	v14 =	vor.u32 $0x7, v3;
	v57 =	vld [tilespmem:s0+$0x6C80];
	v5 =	vmul.f32 v11, v5;
	v4 =	vadd.f32 v4, v6  }
0x23f: {  	v56 =	vld.idx.msk [tilespmem:v12+s15+$0x0], $0xffff  }
0x240: {  	v58 =	vor.u32 $0x8, v3;
	v61 =	vld [tilespmem:s0+$0x6D00];
	v59 =	vmul.f32 v53, v52;
	v4 =	vadd.f32 v5, v4  }
0x241: {  	v60 =	vld.idx.msk [tilespmem:v13+s15+$0x0], $0xffff  }
0x242: {  	v62 =	vor.u32 $0x9, v3;
	v17 =	vld [tilespmem:s0+$0x6D80];
	v63 =	vmul.f32 v55, v54;
	v4 =	vadd.f32 v59, v4  }
0x243: {  	v16 =	vld.idx.msk [tilespmem:v14+s15+$0x0], $0xffff  }
0x244: {  	v18 =	vor.u32 $0xA, v3;
	v21 =	vld [tilespmem:s0+$0x7A00];
	v19 =	vmul.f32 v57, v56;
	v4 =	vadd.f32 v63, v4  }
0x245: {  	v20 =	vld.idx.msk [tilespmem:v58+s15+$0x0], $0xffff  }
0x246: {  	v22 =	vor.u32 $0xB, v3;
	v25 =	vld [tilespmem:s0+$0x7A80];
	v23 =	vmul.f32 v61, v60;
	v4 =	vadd.f32 v19, v4  }
0x247: {  	v24 =	vld.idx.msk [tilespmem:v62+s15+$0x0], $0xffff  }
0x248: {  	v26 =	vor.u32 $0xC, v3;
	v29 =	vld [tilespmem:s0+$0x7B00];
	v27 =	vmul.f32 v17, v16;
	v4 =	vadd.f32 v23, v4  }
0x249: {  	v28 =	vld.idx.msk [tilespmem:v18+s15+$0x0], $0xffff  }
0x24a: {  	v30 =	vor.u32 $0xD, v3;
	v33 =	vld [tilespmem:s0+$0x7B80];
	v31 =	vmul.f32 v21, v20;
	v4 =	vadd.f32 v27, v4  }
0x24b: {  	v32 =	vld.idx.msk [tilespmem:v22+s15+$0x0], $0xffff  }
0x24c: {  	v34 =	vor.u32 $0xE, v3;
	v37 =	vld [tilespmem:s0+$0x7C00];
	v35 =	vmul.f32 v25, v24;
	v4 =	vadd.f32 v31, v4  }
0x24d: {  	v36 =	vld.idx.msk [tilespmem:v26+s15+$0x0], $0xffff  }
0x24e: {  	v38 =	vor.u32 $0xF, v3;
	v41 =	vld [tilespmem:s0+$0x7C80];
	v39 =	vmul.f32 v29, v28;
	v4 =	vadd.f32 v35, v4  }
0x24f: {  	v42 =	vor.u32 $0x10, v3;
	v40 =	vld.idx.msk [tilespmem:v30+s15+$0x0], $0xffff  }
0x250: {  	v45 =	vld [tilespmem:s0+$0x7D00];
	v43 =	vmul.f32 v33, v32;
	v4 =	vadd.f32 v39, v4  }
0x251: {  	v46 =	vor.u32 $0x11, v3;
	v44 =	vld.idx.msk [tilespmem:v34+s15+$0x0], $0xffff  }
0x252: {  	v49 =	vld [tilespmem:s0+$0x7D80];
	v47 =	vmul.f32 v37, v36;
	v4 =	vadd.f32 v43, v4  }
0x253: {  	v50 =	vor.u32 $0x12, v3;
	v48 =	vld.idx.msk [tilespmem:v38+s15+$0x0], $0xffff  }
0x254: {  	v51 =	vmul.f32 v41, v40;
	v52 =	vld.idx.msk [tilespmem:v42+s15+$0x0], $0xffff;
	v4 =	vadd.f32 v47, v4  }
0x255: {  	v53 =	vld [tilespmem:s0+$0x8A00]  }
0x256: {  	v54 =	vor.u32 $0x13, v3;
	v55 =	vmul.f32 v45, v44;
	v56 =	vld.idx.msk [tilespmem:v46+s15+$0x0], $0xffff;
	v4 =	vadd.f32 v51, v4  }
0x257: {  	v58 =	vor.u32 $0x14, v3;
	v57 =	vld [tilespmem:s0+$0x8A80]  }
0x258: {  	v60 =	vld.idx.msk [tilespmem:v50+s15+$0x0], $0xffff;
	v59 =	vmul.f32 v49, v48;
	v4 =	vadd.f32 v55, v4  }
0x259: {  	v62 =	vor.u32 $0x15, v3;
	v61 =	vld [tilespmem:s0+$0x8B00]  }
0x25a: {  	v17 =	vld [tilespmem:s0+$0x8B80];
	v63 =	vmul.f32 v53, v52;
	v4 =	vadd.f32 v59, v4  }
0x25b: {  	v18 =	vor.u32 $0x16, v3;
	v16 =	vld.idx.msk [tilespmem:v54+s15+$0x0], $0xffff  }
0x25c: {  	v20 =	vld.idx.msk [tilespmem:v58+s15+$0x0], $0xffff;
	v19 =	vmul.f32 v57, v56;
	v4 =	vadd.f32 v63, v4  }
0x25d: {  	v22 =	vor.u32 $0x17, v3;
	v21 =	vld [tilespmem:s0+$0x8C00]  }
0x25e: {  	v24 =	vld.idx.msk [tilespmem:v62+s15+$0x0], $0xffff;
	v23 =	vmul.f32 v61, v60;
	v4 =	vadd.f32 v19, v4  }
0x25f: {  	v26 =	vor.u32 $0x18, v3;
	v25 =	vld [tilespmem:s0+$0x8C80]  }
0x260: {  	v28 =	vld.idx.msk [tilespmem:v18+s15+$0x0], $0xffff;
	v27 =	vmul.f32 v17, v16;
	v4 =	vadd.f32 v23, v4  }
0x261: {  	v30 =	vor.u32 $0x19, v3;
	v29 =	vld [tilespmem:s0+$0x8D00]  }
0x262: {  	v32 =	vld.idx.msk [tilespmem:v22+s15+$0x0], $0xffff;
	v31 =	vmul.f32 v21, v20;
	v4 =	vadd.f32 v27, v4  }
0x263: {  	v34 =	vor.u32 $0x1A, v3;
	v33 =	vld [tilespmem:s0+$0x8D80]  }
0x264: {  	v36 =	vld.idx.msk [tilespmem:v26+s15+$0x0], $0xffff;
	v35 =	vmul.f32 v25, v24;
	v4 =	vadd.f32 v31, v4  }
0x265: {  	v38 =	vor.u32 $0x1B, v3;
	v37 =	vld [tilespmem:s0+$0x9A00]  }
0x266: {  	v40 =	vld.idx.msk [tilespmem:v30+s15+$0x0], $0xffff;
	v39 =	vmul.f32 v29, v28;
	v4 =	vadd.f32 v35, v4  }
0x267: {  	v41 =	vld [tilespmem:s0+$0x9A80];
	v42 =	vor.u32 $0x1C, v3  }
0x268: {  	v44 =	vld.idx.msk [tilespmem:v34+s15+$0x0], $0xffff;
	v43 =	vmul.f32 v33, v32;
	v4 =	vadd.f32 v39, v4  }
0x269: {  	v45 =	vld [tilespmem:s0+$0x9B00]  }
0x26a: {  	v46 =	vor.u32 $0x1D, v3;
	v48 =	vld.idx.msk [tilespmem:v38+s15+$0x0], $0xffff;
	v47 =	vmul.f32 v37, v36;
	v4 =	vadd.f32 v43, v4  }
0x26b: {  	v50 =	vor.u32 $0x1E, v3;
	v49 =	vld [tilespmem:s0+$0x9B80]  }
0x26c: {  	v52 =	vld.idx.msk [tilespmem:v42+s15+$0x0], $0xffff;
	v51 =	vmul.f32 v41, v40;
	v4 =	vadd.f32 v47, v4  }
0x26d: {  	v53 =	vld [tilespmem:s0+$0x9C00]  }
0x26e: {  	v3 =	vor.u32 $0x1F, v3;
	v54 =	vmul.f32 v45, v44;
	v56 =	vld [tilespmem:s0+$0x9C80];
	v4 =	vadd.f32 v51, v4  }
0x26f: {  	v55 =	vld.idx.msk [tilespmem:v46+s15+$0x0], $0xffff  }
0x270: {  	v58 =	vld.idx.msk [tilespmem:v50+s15+$0x0], $0xffff;
	v57 =	vmul.f32 v49, v48;
	v4 =	vadd.f32 v54, v4  }
0x271: {  	v59 =	vld [tilespmem:s0+$0x9D00]  }
0x272: {  	(erf) = vrcp.f32 v2;
	v2 =	vld [tilespmem:s0+$0x9D80];
	v60 =	vmul.f32 v53, v52;
	v4 =	vadd.f32 v57, v4  }
0x273: {  	v3 =	vld.idx.msk [tilespmem:v3+s15+$0x0], $0xffff  }
0x274: {  	v61 =	vmul.f32 v56, v55;
	v4 =	vadd.f32 v60, v4;
	_ =	sdelay $0x1  }
0x275: {  	v62 =	vmul.f32 v59, v58;
	v4 =	vadd.f32 v61, v4;
	_ =	sdelay $0x1  }
0x276: {  	s30 =	sadd.s32 $0x10, s1;
	v2 =	vmul.f32 v2, v3;
	v4 =	vadd.f32 v62, v4  }
0x277: {  	v3 =	vld [tilespmem:s30+$0x0]  }
0x278: {  	v2 =	vadd.f32 v2, v4  }
0x279: {  	v63 =	vpop (erf)  }
0x27a: {  	v2 =	vmul.f32 v63, v2;
	_ =	sdelay $0x1  }
0x27b: {  	s22 =	sadd.s32 $0x1, s22;
	v2 =	vadd.f32 v2, v3  }
0x27c: {  	p0 =	sne.s32 s22, s11  }
.Ltmp4:
0x27d: {  	s31 =	simm.s32 $0xEA00;
	[tilespmem:s30+$0x0] =	vst v2;
	(pc) =	sbr.rel @p0 .LBB2_1-.Ltmp4, $4  }
0x27e: {  	[hbm4b:s10+s2] =	stream.linear.scatter [tilespmem:s31], [sflag:$0x2], $0x200, $0x38;
	[tilespmem:$0xEC00] =	vst v63  }
0x27f: {  	_ =	swait.ge [sflag:s12], $0x200  }
0x280: {  	[sflag:s12] =	ssyncset.done $0x0  }
0x281: {  	[sflag:s12] =	ssyncadd.s32 $0xFFFFFE00  }
0x282: {  	_ =	sfence.sel $0x180000  }
0x283: {  	[bflag:$0x0] =	sbarrier.arrive $0xFFFF  }
0x284: {  	_ =	strace $0x9000004A  }
0x285: {  	s0 =	stileid.u32;
	[bflag:$0x2] =	sbarrier.arrive $0xFFFF  }
0x286: {  	p0 =	sne.s32 s0, $0x0;
	s0 =	rddreg [dreg:$0x5]  }
0x287: {  	s0 =	sadd.s32 @!p0 $0x100000, s0  }
0x288: {  	[sflag:s0] =	ssyncadd.tile.s32 @!p0 $0x1;
	_ =	shalt  }
.Lfunc_end2:
_tile_overlayer_lowered:
.L_overlay_start_2:
0x289: {  	(tag) =	ssettag $0x2  }
0x28a: {  	s0 =	rddreg [dreg:$0x0];
	s2 =	stileid.u32  }
0x28b: {  	s1 =	rddreg [dreg:$0x1];
	p0 =	sne.s32 s2, $0x0  }
0x28c: {  	s3 =	rddreg [dreg:$0x2];
	[bflag:$0x3] =	sbarrier.arrive $0xFFFF;
	s2 =	simm.s32 @!p0 $0x1C02  }
0x28d: {  	[timem:s3], [sflag:s2] =	dma.local @!p0 [hbm:s0], s1  }
0x28e: {  	s0 =	simm.s32 @!p0 $0x2  }
0x28f: {  	_ =	swait.ge @!p0 [sflag:s0], s1  }
0x290: {  	s1 =	ssub.s32 @!p0 $0x0, s1;
	[sflag:s0] =	ssyncset.done @!p0 $0x0  }
0x291: {  	[sflag:s0] =	ssyncadd.s32 @!p0 s1  }
0x292: {  	[bflag:$0x3] =	sbarrier.arrive $0xFFFF  }
0x293: {  	_ =	shalt  }

</sc_bundles>
